<compile_context>
chip_gen: v7x
topology: tpu7x:2x2x1
jax: 0.10.2.dev20260603
libtpu: 0.0.44.dev20260713+nightly
codegen_flags: <defaults>
</compile_context>

<pallas_src>
import functools
import jax
import jax.numpy as jnp
from jax import lax
from jax.experimental import pallas as pl
from jax.experimental.pallas import tpu as pltpu
from jax.experimental.pallas import tpu_sc as plsc

B, L, D = 4096, 200, 128
LANES = 16
NC, NS = 2, 16
NW = NC * NS
RPW = B // NW
LP = 256
NJ = LP // LANES
ND = D // LANES
CHUNK = 128
ENT = RPW * L
NCHU = ENT // CHUNK
NPH = 4
PR = RPW // NPH
PCH = NCHU // NPH
ACC_ROWS = NS * PR + 8
DUMP = NS * PR

_mesh = plsc.VectorSubcoreMesh(core_axis_name="c", subcore_axis_name="s")


@functools.partial(
    pl.kernel,
    out_type=jax.ShapeDtypeStruct((B, D), jnp.float32),
    mesh=_mesh,
    scratch_types=[
        pltpu.VMEM((RPW, LP), jnp.float32),
        pltpu.VMEM((NCHU, CHUNK), jnp.float32),
        pltpu.VMEM((2, CHUNK, D), jnp.float32),
        pltpu.VMEM((CHUNK,), jnp.int32),
        pltpu.VMEM((CHUNK,), jnp.int32),
        pltpu.VMEM((RPW, LANES), jnp.float32),
        pltpu.VMEM((RPW, D), jnp.float32),
        pltpu.VMEM_SHARED((ACC_ROWS, D), jnp.float32),
        pltpu.SemaphoreType.DMA,
        pltpu.SemaphoreType.DMA,
        pltpu.SemaphoreType.DMA,
        pltpu.SemaphoreType.DMA,
        pltpu.SemaphoreType.DMA,
    ],
)
def _agg(inp2_hbm, maskp_hbm, maskf_hbm, out_hbm, maskbuf, mflat, rowsbuf,
         rid0, rid1, countbuf, outbuf, accum, gsem0, gsem1, ssem0, ssem1,
         msem):
    cid = lax.axis_index("c")
    sid = lax.axis_index("s")
    wid = sid * NC + cid
    base = wid * RPW
    ebase = base * L
    abase = sid * PR
    iota = lax.iota(jnp.int32, LANES)
    zvec = jnp.zeros((LANES,), jnp.float32)

    pltpu.async_copy(maskp_hbm.at[pl.ds(base, RPW)], maskbuf, msem)
    pltpu.async_copy(maskf_hbm.at[pl.ds(wid * NCHU, NCHU)], mflat, gsem0)

    def zbody(r, _):
        for dv in range(ND):
            outbuf[r, pl.ds(dv * LANES, LANES)] = zvec
        return 0
    lax.fori_loop(0, RPW, zbody, 0)
    pltpu.make_async_copy(maskp_hbm.at[pl.ds(base, RPW)], maskbuf, msem).wait()
    pltpu.make_async_copy(maskf_hbm.at[pl.ds(wid * NCHU, NCHU)], mflat,
                          gsem0).wait()

    def lane_gather(x, idx):
        return lax.gather(
            x, idx[:, None],
            lax.GatherDimensionNumbers(
                offset_dims=(), collapsed_slice_dims=(0,),
                start_index_map=(0,)),
            (1,), mode=lax.GatherScatterMode.PROMISE_IN_BOUNDS)

    def crow(r, _):
        s = zvec
        for j in range(NJ):
            s = s + maskbuf[r, pl.ds(j * LANES, LANES)]
        for k in (8, 4, 2, 1):
            s = s + lane_gather(s, iota ^ k)
        countbuf[r, :] = s
        return 0
    lax.fori_loop(0, RPW, crow, 0)

    def mkrowid(c, ph, ridbuf):
        pbase = c * CHUNK
        for k in range(CHUNK // LANES):
            p = pbase + k * LANES
            mv = mflat[c, pl.ds(k * LANES, LANES)]
            r = lax.div(p + iota, jnp.int32(L)) - ph * PR
            rid = jnp.where(mv > 0.0, abase + r, DUMP)
            ridbuf[pl.ds(k * LANES, LANES)] = rid

    def gstart(c, slot, gsem):
        pltpu.async_copy(inp2_hbm.at[pl.ds(ebase + c * CHUNK, CHUNK)],
                         rowsbuf.at[slot], gsem)

    def gwait(c, slot, gsem):
        pltpu.make_async_copy(inp2_hbm.at[pl.ds(ebase + c * CHUNK, CHUNK)],
                              rowsbuf.at[slot], gsem).wait()

    def sstart(slot, ridbuf, ssem):
        pltpu.async_copy(rowsbuf.at[slot], accum.at[ridbuf], ssem, add=True)

    def swait(slot, ridbuf, ssem):
        pltpu.make_async_copy(rowsbuf.at[slot], accum.at[ridbuf], ssem).wait()

    for ph in range(NPH):
        pltpu.sync_copy(outbuf.at[pl.ds(ph * PR, PR)],
                        accum.at[pl.ds(abase, PR)])

        gstart(ph * PCH, 0, gsem0)

        def body(i, _, ph=ph):
            c0 = ph * PCH + i * 2
            gwait(c0, 0, gsem0)
            mkrowid(c0, ph, rid0)
            sstart(0, rid0, ssem0)

            @pl.when(i > 0)
            def _():
                swait(1, rid1, ssem1)
            gstart(c0 + 1, 1, gsem1)

            gwait(c0 + 1, 1, gsem1)
            mkrowid(c0 + 1, ph, rid1)
            sstart(1, rid1, ssem1)
            swait(0, rid0, ssem0)

            @pl.when(i + 1 < PCH // 2)
            def _():
                gstart(c0 + 2, 0, gsem0)
            return 0
        lax.fori_loop(0, PCH // 2, body, 0)
        swait(1, rid1, ssem1)

        pltpu.sync_copy(accum.at[pl.ds(abase, PR)],
                        outbuf.at[pl.ds(ph * PR, PR)])

    def dbody(r, _):
        c16 = countbuf[r, :]
        for dv in range(ND):
            outbuf[r, pl.ds(dv * LANES, LANES)] = (
                outbuf[r, pl.ds(dv * LANES, LANES)] / c16)
        return 0
    lax.fori_loop(0, RPW, dbody, 0)
    pltpu.sync_copy(outbuf, out_hbm.at[pl.ds(base, RPW)])


def kernel(inputs, mask):
    maskf = mask.astype(jnp.float32)
    maskp = jnp.pad(maskf, ((0, 0), (0, LP - L)))
    mflat = maskf.reshape(B * L // CHUNK, CHUNK)
    inp2 = inputs.reshape(B * L, D)
    return _agg(inp2, maskp, mflat)

# --- scband reference (transcript-rebuilt; emitter-appended) ---
"""Pipeline reference for scband-masked-embeddings-aggregator-layer-30064771072789 (READ-ONLY COPY).

The authoritative reference and input builder live on the scoring server;
editing this copy changes nothing except your own understanding.
"""

import jax, jax.numpy as jnp
import numpy as np

B, L, D = 4096, 200, 128

def setup_inputs(seed: int = 0) -> dict:
    key = jax.random.key(seed)
    k1, k2 = jax.random.split(key)
    inputs = jax.random.normal(k1, (B, L, D), dtype=jnp.float32)
    mask = jax.random.randint(k2, (B, L), 0, 2).astype(jnp.bool_)
    return {"inputs": inputs, "mask": mask}

def reference(inputs, mask):
    # Faithful translation of tf.ragged.boolean_mask + tf.reduce_mean(axis=1):
    # per-row mean over only the unmasked positions.
    m = mask.astype(inputs.dtype)  # [B, L]
    masked_sum = jnp.sum(inputs * m[:, :, None], axis=1)  # [B, D]
    counts = jnp.sum(m, axis=1, keepdims=True)  # [B, 1]
    aggregated = masked_sum / counts  # 0/0 -> nan, matching tf ragged mean on empty rows
    return aggregated

if __name__ == "__main__":
    import jax
    _d = setup_inputs()
    print(jax.jit(kernel)(*tuple(_d.values())))

</pallas_src>

<mosaic_0001>
#map = affine_map<(d0, d1) -> (0, 0)>
module attributes {stable_mosaic.version = 14 : i64} {
  func.func @_agg(%arg0: i32, %arg1: i32, %arg2: memref<819200x128xf32, #tpu.memory_space<hbm>>, %arg3: memref<4096x256xf32, #tpu.memory_space<hbm>>, %arg4: memref<6400x128xf32, #tpu.memory_space<hbm>>, %arg5: memref<4096x128xf32, #tpu.memory_space<hbm>>, %arg6: memref<128x256xf32, #tpu.memory_space<vmem>>, %arg7: memref<200x128xf32, #tpu.memory_space<vmem>>, %arg8: memref<2x128x128xf32, #tpu.memory_space<vmem>>, %arg9: memref<128xi32, #tpu.memory_space<vmem>>, %arg10: memref<128xi32, #tpu.memory_space<vmem>>, %arg11: memref<128x16xf32, #tpu.memory_space<vmem>>, %arg12: memref<128x128xf32, #tpu.memory_space<vmem>>, %arg13: memref<520x128xf32, #tpu.memory_space<vmem_shared>>, %arg14: memref<!tpu.dma_semaphore, #tpu.memory_space<semaphore_mem>>, %arg15: memref<!tpu.dma_semaphore, #tpu.memory_space<semaphore_mem>>, %arg16: memref<!tpu.dma_semaphore, #tpu.memory_space<semaphore_mem>>, %arg17: memref<!tpu.dma_semaphore, #tpu.memory_space<semaphore_mem>>, %arg18: memref<!tpu.dma_semaphore, #tpu.memory_space<semaphore_mem>>) attributes {dimension_semantics = [#tpu.dimension_semantics<core_parallel>, #tpu.dimension_semantics<subcore_parallel>], iteration_bounds = array<i64: 2, 16>, scalar_prefetch = 0 : i64, scratch_operands = 13 : i64, tpu.core_type = #tpu.core_type<sc_vector_subcore>, window_params = [{transform_indices = #map}, {transform_indices = #map}, {transform_indices = #map}, {transform_indices = #map}]} {
    %mul3A = arith.constant 2 : i32
    %mul3A_0 = arith.muli %arg1, %mul3A : i32
    %add3A = arith.addi %mul3A_0, %arg0 : i32
    %mul3A_1 = arith.constant 128 : i32
    %mul3A_2 = arith.muli %add3A, %mul3A_1 : i32
    %mul3A_3 = arith.constant 200 : i32
    %mul3A_4 = arith.muli %mul3A_2, %mul3A_3 : i32
    %mul3A_5 = arith.constant 32 : i32
    %mul3A_6 = arith.muli %arg1, %mul3A_5 : i32
    %iota3A = tpu.iota {dimensions = array<i32: 0>} : vector<16xi32>
    %broadcast_in_dim3A = arith.constant 0.000000e+00 : f32
    %broadcast_in_dim3A_7 = vector.broadcast %broadcast_in_dim3A : f32 to vector<16xf32>
    %dma_start3A = arith.constant 0 : i32
    %dma_start3A_8 = tpu.memref_slice %arg3[%mul3A_2, %dma_start3A] : memref<4096x256xf32, #tpu.memory_space<hbm>> -> memref<128x256xf32, #tpu.memory_space<hbm>>
    %dma_start3A_9 = arith.constant 0 : i32
    %dma_start3A_10 = tpu.memref_slice %arg3[%mul3A_2, %dma_start3A_9] : memref<4096x256xf32, #tpu.memory_space<hbm>> -> memref<128x256xf32, #tpu.memory_space<hbm>>
    tpu.enqueue_dma source(%dma_start3A_10 : memref<128x256xf32, #tpu.memory_space<hbm>>) target(%arg6 : memref<128x256xf32, #tpu.memory_space<vmem>>) target_semaphore(%arg18 : memref<!tpu.dma_semaphore, #tpu.memory_space<semaphore_mem>>)
    %mul3A_11 = arith.constant 200 : i32
    %mul3A_12 = arith.muli %add3A, %mul3A_11 : i32
    %dma_start3A_13 = arith.constant 0 : i32
    %dma_start3A_14 = tpu.memref_slice %arg4[%mul3A_12, %dma_start3A_13] : memref<6400x128xf32, #tpu.memory_space<hbm>> -> memref<200x128xf32, #tpu.memory_space<hbm>>
    %dma_start3A_15 = arith.constant 0 : i32
    %dma_start3A_16 = tpu.memref_slice %arg4[%mul3A_12, %dma_start3A_15] : memref<6400x128xf32, #tpu.memory_space<hbm>> -> memref<200x128xf32, #tpu.memory_space<hbm>>
    tpu.enqueue_dma source(%dma_start3A_16 : memref<200x128xf32, #tpu.memory_space<hbm>>) target(%arg7 : memref<200x128xf32, #tpu.memory_space<vmem>>) target_semaphore(%arg14 : memref<!tpu.dma_semaphore, #tpu.memory_space<semaphore_mem>>)
    %scan3A = arith.constant 0 : i32
    %scan3A_17 = arith.constant 0 : i32
    %scan3A_18 = arith.constant 128 : i32
    %scan3A_19 = arith.addi %scan3A_17, %scan3A_18 : i32
    %scan3A_20 = arith.constant 1 : i32
    %scan3A_21 = scf.for %scan3A_166 = %scan3A_17 to %scan3A_19 step %scan3A_20 iter_args(%scan3A_167 = %scan3A) -> (i32)  : i32 {
      %swap3A = arith.index_cast %scan3A_166 : i32 to index
      %swap3A_168 = arith.constant 0 : index
      %swap3A_169 = tpu.vector_load %arg12[%swap3A, %swap3A_168] {strides = array<i32>} : memref<128x128xf32, #tpu.memory_space<vmem>>, vector<1x16xf32>,
      %swap3A_170 = vector.shape_cast %swap3A_169 : vector<1x16xf32> to vector<16xf32>
      %swap3A_171 = vector.shape_cast %broadcast_in_dim3A_7 : vector<16xf32> to vector<1x16xf32>
      tpu.vector_store %arg12[%swap3A, %swap3A_168], %swap3A_171 {strides = array<i32>} : memref<128x128xf32, #tpu.memory_space<vmem>>, vector<1x16xf32>,
      %swap3A_172 = arith.index_cast %scan3A_166 : i32 to index
      %swap3A_173 = arith.constant 16 : index
      %swap3A_174 = tpu.vector_load %arg12[%swap3A_172, %swap3A_173] {strides = array<i32>} : memref<128x128xf32, #tpu.memory_space<vmem>>, vector<1x16xf32>,
      %swap3A_175 = vector.shape_cast %swap3A_174 : vector<1x16xf32> to vector<16xf32>
      %swap3A_176 = vector.shape_cast %broadcast_in_dim3A_7 : vector<16xf32> to vector<1x16xf32>
      tpu.vector_store %arg12[%swap3A_172, %swap3A_173], %swap3A_176 {strides = array<i32>} : memref<128x128xf32, #tpu.memory_space<vmem>>, vector<1x16xf32>,
      %swap3A_177 = arith.index_cast %scan3A_166 : i32 to index
      %swap3A_178 = arith.constant 32 : index
      %swap3A_179 = tpu.vector_load %arg12[%swap3A_177, %swap3A_178] {strides = array<i32>} : memref<128x128xf32, #tpu.memory_space<vmem>>, vector<1x16xf32>,
      %swap3A_180 = vector.shape_cast %swap3A_179 : vector<1x16xf32> to vector<16xf32>
      %swap3A_181 = vector.shape_cast %broadcast_in_dim3A_7 : vector<16xf32> to vector<1x16xf32>
      tpu.vector_store %arg12[%swap3A_177, %swap3A_178], %swap3A_181 {strides = array<i32>} : memref<128x128xf32, #tpu.memory_space<vmem>>, vector<1x16xf32>,
      %swap3A_182 = arith.index_cast %scan3A_166 : i32 to index
      %swap3A_183 = arith.constant 48 : index
      %swap3A_184 = tpu.vector_load %arg12[%swap3A_182, %swap3A_183] {strides = array<i32>} : memref<128x128xf32, #tpu.memory_space<vmem>>, vector<1x16xf32>,
      %swap3A_185 = vector.shape_cast %swap3A_184 : vector<1x16xf32> to vector<16xf32>
      %swap3A_186 = vector.shape_cast %broadcast_in_dim3A_7 : vector<16xf32> to vector<1x16xf32>
      tpu.vector_store %arg12[%swap3A_182, %swap3A_183], %swap3A_186 {strides = array<i32>} : memref<128x128xf32, #tpu.memory_space<vmem>>, vector<1x16xf32>,
      %swap3A_187 = arith.index_cast %scan3A_166 : i32 to index
      %swap3A_188 = arith.constant 64 : index
      %swap3A_189 = tpu.vector_load %arg12[%swap3A_187, %swap3A_188] {strides = array<i32>} : memref<128x128xf32, #tpu.memory_space<vmem>>, vector<1x16xf32>,
      %swap3A_190 = vector.shape_cast %swap3A_189 : vector<1x16xf32> to vector<16xf32>
      %swap3A_191 = vector.shape_cast %broadcast_in_dim3A_7 : vector<16xf32> to vector<1x16xf32>
      tpu.vector_store %arg12[%swap3A_187, %swap3A_188], %swap3A_191 {strides = array<i32>} : memref<128x128xf32, #tpu.memory_space<vmem>>, vector<1x16xf32>,
      %swap3A_192 = arith.index_cast %scan3A_166 : i32 to index
      %swap3A_193 = arith.constant 80 : index
      %swap3A_194 = tpu.vector_load %arg12[%swap3A_192, %swap3A_193] {strides = array<i32>} : memref<128x128xf32, #tpu.memory_space<vmem>>, vector<1x16xf32>,
      %swap3A_195 = vector.shape_cast %swap3A_194 : vector<1x16xf32> to vector<16xf32>
      %swap3A_196 = vector.shape_cast %broadcast_in_dim3A_7 : vector<16xf32> to vector<1x16xf32>
      tpu.vector_store %arg12[%swap3A_192, %swap3A_193], %swap3A_196 {strides = array<i32>} : memref<128x128xf32, #tpu.memory_space<vmem>>, vector<1x16xf32>,
      %swap3A_197 = arith.index_cast %scan3A_166 : i32 to index
      %swap3A_198 = arith.constant 96 : index
      %swap3A_199 = tpu.vector_load %arg12[%swap3A_197, %swap3A_198] {strides = array<i32>} : memref<128x128xf32, #tpu.memory_space<vmem>>, vector<1x16xf32>,
      %swap3A_200 = vector.shape_cast %swap3A_199 : vector<1x16xf32> to vector<16xf32>
      %swap3A_201 = vector.shape_cast %broadcast_in_dim3A_7 : vector<16xf32> to vector<1x16xf32>
      tpu.vector_store %arg12[%swap3A_197, %swap3A_198], %swap3A_201 {strides = array<i32>} : memref<128x128xf32, #tpu.memory_space<vmem>>, vector<1x16xf32>,
      %swap3A_202 = arith.index_cast %scan3A_166 : i32 to index
      %swap3A_203 = arith.constant 112 : index
      %swap3A_204 = tpu.vector_load %arg12[%swap3A_202, %swap3A_203] {strides = array<i32>} : memref<128x128xf32, #tpu.memory_space<vmem>>, vector<1x16xf32>,
      %swap3A_205 = vector.shape_cast %swap3A_204 : vector<1x16xf32> to vector<16xf32>
      %swap3A_206 = vector.shape_cast %broadcast_in_dim3A_7 : vector<16xf32> to vector<1x16xf32>
      tpu.vector_store %arg12[%swap3A_202, %swap3A_203], %swap3A_206 {strides = array<i32>} : memref<128x128xf32, #tpu.memory_space<vmem>>, vector<1x16xf32>,
      %scan3A_207 = arith.constant 0 : i32
      scf.yield %scan3A_207 : i32
    }
    %scan3A_22 = arith.constant 128 : i32
    %dma_wait3A = arith.constant 0 : i32
    %dma_wait3A_23 = tpu.memref_slice %arg3[%mul3A_2, %dma_wait3A] : memref<4096x256xf32, #tpu.memory_space<hbm>> -> memref<128x256xf32, #tpu.memory_space<hbm>>
    %dma_wait3A_24 = arith.constant 0 : i32
    %dma_wait3A_25 = tpu.memref_slice %arg3[%mul3A_2, %dma_wait3A_24] : memref<4096x256xf32, #tpu.memory_space<hbm>> -> memref<128x256xf32, #tpu.memory_space<hbm>>
    tpu.wait_dma2 semaphore(%arg18 : memref<!tpu.dma_semaphore, #tpu.memory_space<semaphore_mem>>) src(%dma_wait3A_25 : memref<128x256xf32, #tpu.memory_space<hbm>>) dst(%arg6 : memref<128x256xf32, #tpu.memory_space<vmem>>)
    %mul3A_26 = arith.constant 200 : i32
    %mul3A_27 = arith.muli %add3A, %mul3A_26 : i32
    %dma_wait3A_28 = arith.constant 0 : i32
    %dma_wait3A_29 = tpu.memref_slice %arg4[%mul3A_27, %dma_wait3A_28] : memref<6400x128xf32, #tpu.memory_space<hbm>> -> memref<200x128xf32, #tpu.memory_space<hbm>>
    %dma_wait3A_30 = arith.constant 0 : i32
    %dma_wait3A_31 = tpu.memref_slice %arg4[%mul3A_27, %dma_wait3A_30] : memref<6400x128xf32, #tpu.memory_space<hbm>> -> memref<200x128xf32, #tpu.memory_space<hbm>>
    tpu.wait_dma2 semaphore(%arg14 : memref<!tpu.dma_semaphore, #tpu.memory_space<semaphore_mem>>) src(%dma_wait3A_31 : memref<200x128xf32, #tpu.memory_space<hbm>>) dst(%arg7 : memref<200x128xf32, #tpu.memory_space<vmem>>)
    %scan3A_32 = arith.constant 0 : i32
    %scan3A_33 = arith.constant 0 : i32
    %scan3A_34 = arith.constant 128 : i32
    %scan3A_35 = arith.addi %scan3A_33, %scan3A_34 : i32
    %scan3A_36 = arith.constant 1 : i32
    %scan3A_37 = scf.for %scan3A_166 = %scan3A_33 to %scan3A_35 step %scan3A_36 iter_args(%scan3A_167 = %scan3A_32) -> (i32)  : i32 {
      %get3A = arith.index_cast %scan3A_166 : i32 to index
      %get3A_168 = arith.constant 0 : index
      %get3A_169 = tpu.vector_load %arg6[%get3A, %get3A_168] {strides = array<i32>} : memref<128x256xf32, #tpu.memory_space<vmem>>, vector<1x16xf32>,
      %get3A_170 = vector.shape_cast %get3A_169 : vector<1x16xf32> to vector<16xf32>
      %add3A_171 = arith.addf %broadcast_in_dim3A_7, %get3A_170 : vector<16xf32>
      %get3A_172 = arith.index_cast %scan3A_166 : i32 to index
      %get3A_173 = arith.constant 16 : index
      %get3A_174 = tpu.vector_load %arg6[%get3A_172, %get3A_173] {strides = array<i32>} : memref<128x256xf32, #tpu.memory_space<vmem>>, vector<1x16xf32>,
      %get3A_175 = vector.shape_cast %get3A_174 : vector<1x16xf32> to vector<16xf32>
      %add3A_176 = arith.addf %add3A_171, %get3A_175 : vector<16xf32>
      %get3A_177 = arith.index_cast %scan3A_166 : i32 to index
      %get3A_178 = arith.constant 32 : index
      %get3A_179 = tpu.vector_load %arg6[%get3A_177, %get3A_178] {strides = array<i32>} : memref<128x256xf32, #tpu.memory_space<vmem>>, vector<1x16xf32>,
      %get3A_180 = vector.shape_cast %get3A_179 : vector<1x16xf32> to vector<16xf32>
      %add3A_181 = arith.addf %add3A_176, %get3A_180 : vector<16xf32>
      %get3A_182 = arith.index_cast %scan3A_166 : i32 to index
      %get3A_183 = arith.constant 48 : index
      %get3A_184 = tpu.vector_load %arg6[%get3A_182, %get3A_183] {strides = array<i32>} : memref<128x256xf32, #tpu.memory_space<vmem>>, vector<1x16xf32>,
      %get3A_185 = vector.shape_cast %get3A_184 : vector<1x16xf32> to vector<16xf32>
      %add3A_186 = arith.addf %add3A_181, %get3A_185 : vector<16xf32>
      %get3A_187 = arith.index_cast %scan3A_166 : i32 to index
      %get3A_188 = arith.constant 64 : index
      %get3A_189 = tpu.vector_load %arg6[%get3A_187, %get3A_188] {strides = array<i32>} : memref<128x256xf32, #tpu.memory_space<vmem>>, vector<1x16xf32>,
      %get3A_190 = vector.shape_cast %get3A_189 : vector<1x16xf32> to vector<16xf32>
      %add3A_191 = arith.addf %add3A_186, %get3A_190 : vector<16xf32>
      %get3A_192 = arith.index_cast %scan3A_166 : i32 to index
      %get3A_193 = arith.constant 80 : index
      %get3A_194 = tpu.vector_load %arg6[%get3A_192, %get3A_193] {strides = array<i32>} : memref<128x256xf32, #tpu.memory_space<vmem>>, vector<1x16xf32>,
      %get3A_195 = vector.shape_cast %get3A_194 : vector<1x16xf32> to vector<16xf32>
      %add3A_196 = arith.addf %add3A_191, %get3A_195 : vector<16xf32>
      %get3A_197 = arith.index_cast %scan3A_166 : i32 to index
      %get3A_198 = arith.constant 96 : index
      %get3A_199 = tpu.vector_load %arg6[%get3A_197, %get3A_198] {strides = array<i32>} : memref<128x256xf32, #tpu.memory_space<vmem>>, vector<1x16xf32>,
      %get3A_200 = vector.shape_cast %get3A_199 : vector<1x16xf32> to vector<16xf32>
      %add3A_201 = arith.addf %add3A_196, %get3A_200 : vector<16xf32>
      %get3A_202 = arith.index_cast %scan3A_166 : i32 to index
      %get3A_203 = arith.constant 112 : index
      %get3A_204 = tpu.vector_load %arg6[%get3A_202, %get3A_203] {strides = array<i32>} : memref<128x256xf32, #tpu.memory_space<vmem>>, vector<1x16xf32>,
      %get3A_205 = vector.shape_cast %get3A_204 : vector<1x16xf32> to vector<16xf32>
      %add3A_206 = arith.addf %add3A_201, %get3A_205 : vector<16xf32>
      %get3A_207 = arith.index_cast %scan3A_166 : i32 to index
      %get3A_208 = arith.constant 128 : index
      %get3A_209 = tpu.vector_load %arg6[%get3A_207, %get3A_208] {strides = array<i32>} : memref<128x256xf32, #tpu.memory_space<vmem>>, vector<1x16xf32>,
      %get3A_210 = vector.shape_cast %get3A_209 : vector<1x16xf32> to vector<16xf32>
      %add3A_211 = arith.addf %add3A_206, %get3A_210 : vector<16xf32>
      %get3A_212 = arith.index_cast %scan3A_166 : i32 to index
      %get3A_213 = arith.constant 144 : index
      %get3A_214 = tpu.vector_load %arg6[%get3A_212, %get3A_213] {strides = array<i32>} : memref<128x256xf32, #tpu.memory_space<vmem>>, vector<1x16xf32>,
      %get3A_215 = vector.shape_cast %get3A_214 : vector<1x16xf32> to vector<16xf32>
      %add3A_216 = arith.addf %add3A_211, %get3A_215 : vector<16xf32>
      %get3A_217 = arith.index_cast %scan3A_166 : i32 to index
      %get3A_218 = arith.constant 160 : index
      %get3A_219 = tpu.vector_load %arg6[%get3A_217, %get3A_218] {strides = array<i32>} : memref<128x256xf32, #tpu.memory_space<vmem>>, vector<1x16xf32>,
      %get3A_220 = vector.shape_cast %get3A_219 : vector<1x16xf32> to vector<16xf32>
      %add3A_221 = arith.addf %add3A_216, %get3A_220 : vector<16xf32>
      %get3A_222 = arith.index_cast %scan3A_166 : i32 to index
      %get3A_223 = arith.constant 176 : index
      %get3A_224 = tpu.vector_load %arg6[%get3A_222, %get3A_223] {strides = array<i32>} : memref<128x256xf32, #tpu.memory_space<vmem>>, vector<1x16xf32>,
      %get3A_225 = vector.shape_cast %get3A_224 : vector<1x16xf32> to vector<16xf32>
      %add3A_226 = arith.addf %add3A_221, %get3A_225 : vector<16xf32>
      %get3A_227 = arith.index_cast %scan3A_166 : i32 to index
      %get3A_228 = arith.constant 192 : index
      %get3A_229 = tpu.vector_load %arg6[%get3A_227, %get3A_228] {strides = array<i32>} : memref<128x256xf32, #tpu.memory_space<vmem>>, vector<1x16xf32>,
      %get3A_230 = vector.shape_cast %get3A_229 : vector<1x16xf32> to vector<16xf32>
      %add3A_231 = arith.addf %add3A_226, %get3A_230 : vector<16xf32>
      %get3A_232 = arith.index_cast %scan3A_166 : i32 to index
      %get3A_233 = arith.constant 208 : index
      %get3A_234 = tpu.vector_load %arg6[%get3A_232, %get3A_233] {strides = array<i32>} : memref<128x256xf32, #tpu.memory_space<vmem>>, vector<1x16xf32>,
      %get3A_235 = vector.shape_cast %get3A_234 : vector<1x16xf32> to vector<16xf32>
      %add3A_236 = arith.addf %add3A_231, %get3A_235 : vector<16xf32>
      %get3A_237 = arith.index_cast %scan3A_166 : i32 to index
      %get3A_238 = arith.constant 224 : index
      %get3A_239 = tpu.vector_load %arg6[%get3A_237, %get3A_238] {strides = array<i32>} : memref<128x256xf32, #tpu.memory_space<vmem>>, vector<1x16xf32>,
      %get3A_240 = vector.shape_cast %get3A_239 : vector<1x16xf32> to vector<16xf32>
      %add3A_241 = arith.addf %add3A_236, %get3A_240 : vector<16xf32>
      %get3A_242 = arith.index_cast %scan3A_166 : i32 to index
      %get3A_243 = arith.constant 240 : index
      %get3A_244 = tpu.vector_load %arg6[%get3A_242, %get3A_243] {strides = array<i32>} : memref<128x256xf32, #tpu.memory_space<vmem>>, vector<1x16xf32>,
      %get3A_245 = vector.shape_cast %get3A_244 : vector<1x16xf32> to vector<16xf32>
      %add3A_246 = arith.addf %add3A_241, %get3A_245 : vector<16xf32>
      %xor3A = arith.constant 8 : i32
      %xor3A_247 = vector.broadcast %xor3A : i32 to vector<16xi32>
      %xor3A_248 = arith.xori %iota3A, %xor3A_247 : vector<16xi32>
      %broadcast_in_dim3A_249 = vector.shape_cast %xor3A_248 : vector<16xi32> to vector<16x1xi32>
      %gather3A = vector.shape_cast %broadcast_in_dim3A_249 : vector<16x1xi32> to vector<16xi32>
      %gather3A_250 = tpu.dynamic_gather %add3A_246[%gather3A] in [0] : vector<16xf32>, vector<16xi32> -> vector<16xf32>
      %add3A_251 = arith.addf %add3A_246, %gather3A_250 : vector<16xf32>
      %xor3A_252 = arith.constant 4 : i32
      %xor3A_253 = vector.broadcast %xor3A_252 : i32 to vector<16xi32>
      %xor3A_254 = arith.xori %iota3A, %xor3A_253 : vector<16xi32>
      %broadcast_in_dim3A_255 = vector.shape_cast %xor3A_254 : vector<16xi32> to vector<16x1xi32>
      %gather3A_256 = vector.shape_cast %broadcast_in_dim3A_255 : vector<16x1xi32> to vector<16xi32>
      %gather3A_257 = tpu.dynamic_gather %add3A_251[%gather3A_256] in [0] : vector<16xf32>, vector<16xi32> -> vector<16xf32>
      %add3A_258 = arith.addf %add3A_251, %gather3A_257 : vector<16xf32>
      %xor3A_259 = arith.constant 2 : i32
      %xor3A_260 = vector.broadcast %xor3A_259 : i32 to vector<16xi32>
      %xor3A_261 = arith.xori %iota3A, %xor3A_260 : vector<16xi32>
      %broadcast_in_dim3A_262 = vector.shape_cast %xor3A_261 : vector<16xi32> to vector<16x1xi32>
      %gather3A_263 = vector.shape_cast %broadcast_in_dim3A_262 : vector<16x1xi32> to vector<16xi32>
      %gather3A_264 = tpu.dynamic_gather %add3A_258[%gather3A_263] in [0] : vector<16xf32>, vector<16xi32> -> vector<16xf32>
      %add3A_265 = arith.addf %add3A_258, %gather3A_264 : vector<16xf32>
      %xor3A_266 = arith.constant 1 : i32
      %xor3A_267 = vector.broadcast %xor3A_266 : i32 to vector<16xi32>
      %xor3A_268 = arith.xori %iota3A, %xor3A_267 : vector<16xi32>
      %broadcast_in_dim3A_269 = vector.shape_cast %xor3A_268 : vector<16xi32> to vector<16x1xi32>
      %gather3A_270 = vector.shape_cast %broadcast_in_dim3A_269 : vector<16x1xi32> to vector<16xi32>
      %gather3A_271 = tpu.dynamic_gather %add3A_265[%gather3A_270] in [0] : vector<16xf32>, vector<16xi32> -> vector<16xf32>
      %add3A_272 = arith.addf %add3A_265, %gather3A_271 : vector<16xf32>
      %swap3A = arith.index_cast %scan3A_166 : i32 to index
      %swap3A_273 = arith.constant 0 : index
      %swap3A_274 = tpu.vector_load %arg11[%swap3A, %swap3A_273] {strides = array<i32>} : memref<128x16xf32, #tpu.memory_space<vmem>>, vector<1x16xf32>,
      %swap3A_275 = vector.shape_cast %swap3A_274 : vector<1x16xf32> to vector<16xf32>
      %swap3A_276 = vector.shape_cast %add3A_272 : vector<16xf32> to vector<1x16xf32>
      tpu.vector_store %arg11[%swap3A, %swap3A_273], %swap3A_276 {strides = array<i32>} : memref<128x16xf32, #tpu.memory_space<vmem>>, vector<1x16xf32>,
      %scan3A_277 = arith.constant 0 : i32
      scf.yield %scan3A_277 : i32
    }
    %scan3A_38 = arith.constant 128 : i32
    "tpu.region"() ({
      %run_scoped3A = tpu.sem_alloc : memref<!tpu.dma_semaphore, #tpu.memory_space<semaphore_mem>>
      %dma_start3A_166 = arith.constant 0 : i32
      %dma_start3A_167 = arith.constant 0 : i32
      %dma_start3A_168 = tpu.memref_slice %arg12[%dma_start3A_166, %dma_start3A_167] : memref<128x128xf32, #tpu.memory_space<vmem>> -> memref<32x128xf32, #tpu.memory_space<vmem>>
      %dma_start3A_169 = arith.constant 0 : i32
      %dma_start3A_170 = tpu.memref_slice %arg13[%mul3A_6, %dma_start3A_169] : memref<520x128xf32, #tpu.memory_space<vmem_shared>> -> memref<32x128xf32, #tpu.memory_space<vmem_shared>>
      %dma_start3A_171 = arith.constant 0 : i32
      %dma_start3A_172 = tpu.memref_slice %arg13[%mul3A_6, %dma_start3A_171] : memref<520x128xf32, #tpu.memory_space<vmem_shared>> -> memref<32x128xf32, #tpu.memory_space<vmem_shared>>
      %dma_start3A_173 = arith.constant 0 : i32
      %dma_start3A_174 = arith.constant 0 : i32
      %dma_start3A_175 = tpu.memref_slice %arg12[%dma_start3A_173, %dma_start3A_174] : memref<128x128xf32, #tpu.memory_space<vmem>> -> memref<32x128xf32, #tpu.memory_space<vmem>>
      tpu.enqueue_dma source(%dma_start3A_175 : memref<32x128xf32, #tpu.memory_space<vmem>>) target(%dma_start3A_172 : memref<32x128xf32, #tpu.memory_space<vmem_shared>>) target_semaphore(%run_scoped3A : memref<!tpu.dma_semaphore, #tpu.memory_space<semaphore_mem>>)
      %dma_wait3A_176 = arith.constant 0 : i32
      %dma_wait3A_177 = arith.constant 0 : i32
      %dma_wait3A_178 = tpu.memref_slice %arg12[%dma_wait3A_176, %dma_wait3A_177] : memref<128x128xf32, #tpu.memory_space<vmem>> -> memref<32x128xf32, #tpu.memory_space<vmem>>
      %dma_wait3A_179 = arith.constant 0 : i32
      %dma_wait3A_180 = tpu.memref_slice %arg13[%mul3A_6, %dma_wait3A_179] : memref<520x128xf32, #tpu.memory_space<vmem_shared>> -> memref<32x128xf32, #tpu.memory_space<vmem_shared>>
      %dma_wait3A_181 = arith.constant 0 : i32
      %dma_wait3A_182 = tpu.memref_slice %arg13[%mul3A_6, %dma_wait3A_181] : memref<520x128xf32, #tpu.memory_space<vmem_shared>> -> memref<32x128xf32, #tpu.memory_space<vmem_shared>>
      %dma_wait3A_183 = arith.constant 0 : i32
      %dma_wait3A_184 = arith.constant 0 : i32
      %dma_wait3A_185 = tpu.memref_slice %arg12[%dma_wait3A_183, %dma_wait3A_184] : memref<128x128xf32, #tpu.memory_space<vmem>> -> memref<32x128xf32, #tpu.memory_space<vmem>>
      tpu.wait_dma2 semaphore(%run_scoped3A : memref<!tpu.dma_semaphore, #tpu.memory_space<semaphore_mem>>) src(%dma_wait3A_185 : memref<32x128xf32, #tpu.memory_space<vmem>>) dst(%dma_wait3A_182 : memref<32x128xf32, #tpu.memory_space<vmem_shared>>)
      tpu.yield
    }) : () -> ()
    %add3A_39 = arith.constant 0 : i32
    %add3A_40 = arith.addi %mul3A_4, %add3A_39 : i32
    %dma_start3A_41 = arith.constant 0 : i32
    %dma_start3A_42 = arith.constant 0 : i32
    %dma_start3A_43 = arith.constant 0 : i32
    %dma_start3A_44 = tpu.memref_slice %arg8[%dma_start3A_41, %dma_start3A_42, %dma_start3A_43] : memref<2x128x128xf32, #tpu.memory_space<vmem>> -> memref<1x128x128xf32, #tpu.memory_space<vmem>>
    %dma_start3A_45 = tpu.memref_squeeze %dma_start3A_44 : memref<1x128x128xf32, #tpu.memory_space<vmem>> -> memref<128x128xf32, #tpu.memory_space<vmem>>
    %dma_start3A_46 = arith.constant 0 : i32
    %dma_start3A_47 = tpu.memref_slice %arg2[%add3A_40, %dma_start3A_46] : memref<819200x128xf32, #tpu.memory_space<hbm>> -> memref<128x128xf32, #tpu.memory_space<hbm>>
    %dma_start3A_48 = arith.constant 0 : i32
    %dma_start3A_49 = arith.constant 0 : i32
    %dma_start3A_50 = tpu.memref_slice %arg8[%dma_start3A_41, %dma_start3A_48, %dma_start3A_49] : memref<2x128x128xf32, #tpu.memory_space<vmem>> -> memref<1x128x128xf32, #tpu.memory_space<vmem>>
    %dma_start3A_51 = tpu.memref_squeeze %dma_start3A_50 : memref<1x128x128xf32, #tpu.memory_space<vmem>> -> memref<128x128xf32, #tpu.memory_space<vmem>>
    %dma_start3A_52 = arith.constant 0 : i32
    %dma_start3A_53 = tpu.memref_slice %arg2[%add3A_40, %dma_start3A_52] : memref<819200x128xf32, #tpu.memory_space<hbm>> -> memref<128x128xf32, #tpu.memory_space<hbm>>
    tpu.enqueue_dma source(%dma_start3A_53 : memref<128x128xf32, #tpu.memory_space<hbm>>) target(%dma_start3A_51 : memref<128x128xf32, #tpu.memory_space<vmem>>) target_semaphore(%arg14 : memref<!tpu.dma_semaphore, #tpu.memory_space<semaphore_mem>>)
    %scan3A_54 = arith.constant 0 : i32
    %scan3A_55 = arith.constant 0 : i32
    %scan3A_56 = arith.constant 25 : i32
    %scan3A_57 = arith.addi %scan3A_55, %scan3A_56 : i32
    %scan3A_58 = arith.constant 1 : i32
    %scan3A_59 = scf.for %scan3A_166 = %scan3A_55 to %scan3A_57 step %scan3A_58 iter_args(%scan3A_167 = %scan3A_54) -> (i32)  : i32 {
      %mul3A_168 = arith.constant 2 : i32
      %mul3A_169 = arith.muli %scan3A_166, %mul3A_168 : i32
      %add3A_170 = arith.constant 0 : i32
      %add3A_171 = arith.addi %add3A_170, %mul3A_169 : i32
      %mul3A_172 = arith.constant 128 : i32
      %mul3A_173 = arith.muli %add3A_171, %mul3A_172 : i32
      %add3A_174 = arith.addi %mul3A_4, %mul3A_173 : i32
      %dma_wait3A_175 = arith.constant 0 : i32
      %dma_wait3A_176 = arith.constant 0 : i32
      %dma_wait3A_177 = arith.constant 0 : i32
      %dma_wait3A_178 = tpu.memref_slice %arg8[%dma_wait3A_175, %dma_wait3A_176, %dma_wait3A_177] : memref<2x128x128xf32, #tpu.memory_space<vmem>> -> memref<1x128x128xf32, #tpu.memory_space<vmem>>
      %dma_wait3A_179 = tpu.memref_squeeze %dma_wait3A_178 : memref<1x128x128xf32, #tpu.memory_space<vmem>> -> memref<128x128xf32, #tpu.memory_space<vmem>>
      %dma_wait3A_180 = arith.constant 0 : i32
      %dma_wait3A_181 = tpu.memref_slice %arg2[%add3A_174, %dma_wait3A_180] : memref<819200x128xf32, #tpu.memory_space<hbm>> -> memref<128x128xf32, #tpu.memory_space<hbm>>
      %dma_wait3A_182 = arith.constant 0 : i32
      %dma_wait3A_183 = arith.constant 0 : i32
      %dma_wait3A_184 = tpu.memref_slice %arg8[%dma_wait3A_175, %dma_wait3A_182, %dma_wait3A_183] : memref<2x128x128xf32, #tpu.memory_space<vmem>> -> memref<1x128x128xf32, #tpu.memory_space<vmem>>
      %dma_wait3A_185 = tpu.memref_squeeze %dma_wait3A_184 : memref<1x128x128xf32, #tpu.memory_space<vmem>> -> memref<128x128xf32, #tpu.memory_space<vmem>>
      %dma_wait3A_186 = arith.constant 0 : i32
      %dma_wait3A_187 = tpu.memref_slice %arg2[%add3A_174, %dma_wait3A_186] : memref<819200x128xf32, #tpu.memory_space<hbm>> -> memref<128x128xf32, #tpu.memory_space<hbm>>
      tpu.wait_dma2 semaphore(%arg14 : memref<!tpu.dma_semaphore, #tpu.memory_space<semaphore_mem>>) src(%dma_wait3A_187 : memref<128x128xf32, #tpu.memory_space<hbm>>) dst(%dma_wait3A_185 : memref<128x128xf32, #tpu.memory_space<vmem>>)
      %mul3A_188 = arith.constant 128 : i32
      %mul3A_189 = arith.muli %add3A_171, %mul3A_188 : i32
      %add3A_190 = arith.constant 0 : i32
      %add3A_191 = arith.addi %mul3A_189, %add3A_190 : i32
      %get3A = arith.index_cast %add3A_171 : i32 to index
      %get3A_192 = arith.constant 0 : index
      %get3A_193 = tpu.vector_load %arg7[%get3A, %get3A_192] {strides = array<i32>} : memref<200x128xf32, #tpu.memory_space<vmem>>, vector<1x16xf32>,
      %get3A_194 = vector.shape_cast %get3A_193 : vector<1x16xf32> to vector<16xf32>
      %add3A_195 = vector.broadcast %add3A_191 : i32 to vector<16xi32>
      %add3A_196 = arith.addi %add3A_195, %iota3A : vector<16xi32>
      %div3A = arith.constant 200 : i32
      %div3A_197 = vector.broadcast %div3A : i32 to vector<16xi32>
      %div3A_198 = arith.divsi %add3A_196, %div3A_197 : vector<16xi32>
      %sub3A = arith.constant 0 : i32
      %sub3A_199 = vector.broadcast %sub3A : i32 to vector<16xi32>
      %sub3A_200 = arith.subi %div3A_198, %sub3A_199 : vector<16xi32>
      %gt3A = arith.constant 0.000000e+00 : f32
      %gt3A_201 = vector.broadcast %gt3A : f32 to vector<16xf32>
      %gt3A_202 = arith.cmpf ogt, %get3A_194, %gt3A_201 : vector<16xf32>
      %add3A_203 = vector.broadcast %mul3A_6 : i32 to vector<16xi32>
      %add3A_204 = arith.addi %add3A_203, %sub3A_200 : vector<16xi32>
      %jit3A = arith.constant 512 : i32
      %broadcast_in_dim3A_205 = vector.broadcast %jit3A : i32 to vector<16xi32>
      %select_n3A = arith.select %gt3A_202, %add3A_204, %broadcast_in_dim3A_205 : vector<16xi1>, vector<16xi32>
      %swap3A = arith.constant 0 : index
      %swap3A_206 = tpu.vector_load %arg9[%swap3A] {strides = array<i32>} : memref<128xi32, #tpu.memory_space<vmem>>, vector<16xi32>,
      %swap3A_207 = vector.shape_cast %swap3A_206 : vector<16xi32> to vector<16xi32>
      %swap3A_208 = vector.shape_cast %select_n3A : vector<16xi32> to vector<16xi32>
      tpu.vector_store %arg9[%swap3A], %swap3A_208 {strides = array<i32>} : memref<128xi32, #tpu.memory_space<vmem>>, vector<16xi32>,
      %add3A_209 = arith.constant 16 : i32
      %add3A_210 = arith.addi %mul3A_189, %add3A_209 : i32
      %get3A_211 = arith.index_cast %add3A_171 : i32 to index
      %get3A_212 = arith.constant 16 : index
      %get3A_213 = tpu.vector_load %arg7[%get3A_211, %get3A_212] {strides = array<i32>} : memref<200x128xf32, #tpu.memory_space<vmem>>, vector<1x16xf32>,
      %get3A_214 = vector.shape_cast %get3A_213 : vector<1x16xf32> to vector<16xf32>
      %add3A_215 = vector.broadcast %add3A_210 : i32 to vector<16xi32>
      %add3A_216 = arith.addi %add3A_215, %iota3A : vector<16xi32>
      %div3A_217 = arith.constant 200 : i32
      %div3A_218 = vector.broadcast %div3A_217 : i32 to vector<16xi32>
      %div3A_219 = arith.divsi %add3A_216, %div3A_218 : vector<16xi32>
      %sub3A_220 = arith.constant 0 : i32
      %sub3A_221 = vector.broadcast %sub3A_220 : i32 to vector<16xi32>
      %sub3A_222 = arith.subi %div3A_219, %sub3A_221 : vector<16xi32>
      %gt3A_223 = arith.constant 0.000000e+00 : f32
      %gt3A_224 = vector.broadcast %gt3A_223 : f32 to vector<16xf32>
      %gt3A_225 = arith.cmpf ogt, %get3A_214, %gt3A_224 : vector<16xf32>
      %add3A_226 = vector.broadcast %mul3A_6 : i32 to vector<16xi32>
      %add3A_227 = arith.addi %add3A_226, %sub3A_222 : vector<16xi32>
      %jit3A_228 = arith.constant 512 : i32
      %broadcast_in_dim3A_229 = vector.broadcast %jit3A_228 : i32 to vector<16xi32>
      %select_n3A_230 = arith.select %gt3A_225, %add3A_227, %broadcast_in_dim3A_229 : vector<16xi1>, vector<16xi32>
      %swap3A_231 = arith.constant 16 : index
      %swap3A_232 = tpu.vector_load %arg9[%swap3A_231] {strides = array<i32>} : memref<128xi32, #tpu.memory_space<vmem>>, vector<16xi32>,
      %swap3A_233 = vector.shape_cast %swap3A_232 : vector<16xi32> to vector<16xi32>
      %swap3A_234 = vector.shape_cast %select_n3A_230 : vector<16xi32> to vector<16xi32>
      tpu.vector_store %arg9[%swap3A_231], %swap3A_234 {strides = array<i32>} : memref<128xi32, #tpu.memory_space<vmem>>, vector<16xi32>,
      %add3A_235 = arith.constant 32 : i32
      %add3A_236 = arith.addi %mul3A_189, %add3A_235 : i32
      %get3A_237 = arith.index_cast %add3A_171 : i32 to index
      %get3A_238 = arith.constant 32 : index
      %get3A_239 = tpu.vector_load %arg7[%get3A_237, %get3A_238] {strides = array<i32>} : memref<200x128xf32, #tpu.memory_space<vmem>>, vector<1x16xf32>,
      %get3A_240 = vector.shape_cast %get3A_239 : vector<1x16xf32> to vector<16xf32>
      %add3A_241 = vector.broadcast %add3A_236 : i32 to vector<16xi32>
      %add3A_242 = arith.addi %add3A_241, %iota3A : vector<16xi32>
      %div3A_243 = arith.constant 200 : i32
      %div3A_244 = vector.broadcast %div3A_243 : i32 to vector<16xi32>
      %div3A_245 = arith.divsi %add3A_242, %div3A_244 : vector<16xi32>
      %sub3A_246 = arith.constant 0 : i32
      %sub3A_247 = vector.broadcast %sub3A_246 : i32 to vector<16xi32>
      %sub3A_248 = arith.subi %div3A_245, %sub3A_247 : vector<16xi32>
      %gt3A_249 = arith.constant 0.000000e+00 : f32
      %gt3A_250 = vector.broadcast %gt3A_249 : f32 to vector<16xf32>
      %gt3A_251 = arith.cmpf ogt, %get3A_240, %gt3A_250 : vector<16xf32>
      %add3A_252 = vector.broadcast %mul3A_6 : i32 to vector<16xi32>
      %add3A_253 = arith.addi %add3A_252, %sub3A_248 : vector<16xi32>
      %jit3A_254 = arith.constant 512 : i32
      %broadcast_in_dim3A_255 = vector.broadcast %jit3A_254 : i32 to vector<16xi32>
      %select_n3A_256 = arith.select %gt3A_251, %add3A_253, %broadcast_in_dim3A_255 : vector<16xi1>, vector<16xi32>
      %swap3A_257 = arith.constant 32 : index
      %swap3A_258 = tpu.vector_load %arg9[%swap3A_257] {strides = array<i32>} : memref<128xi32, #tpu.memory_space<vmem>>, vector<16xi32>,
      %swap3A_259 = vector.shape_cast %swap3A_258 : vector<16xi32> to vector<16xi32>
      %swap3A_260 = vector.shape_cast %select_n3A_256 : vector<16xi32> to vector<16xi32>
      tpu.vector_store %arg9[%swap3A_257], %swap3A_260 {strides = array<i32>} : memref<128xi32, #tpu.memory_space<vmem>>, vector<16xi32>,
      %add3A_261 = arith.constant 48 : i32
      %add3A_262 = arith.addi %mul3A_189, %add3A_261 : i32
      %get3A_263 = arith.index_cast %add3A_171 : i32 to index
      %get3A_264 = arith.constant 48 : index
      %get3A_265 = tpu.vector_load %arg7[%get3A_263, %get3A_264] {strides = array<i32>} : memref<200x128xf32, #tpu.memory_space<vmem>>, vector<1x16xf32>,
      %get3A_266 = vector.shape_cast %get3A_265 : vector<1x16xf32> to vector<16xf32>
      %add3A_267 = vector.broadcast %add3A_262 : i32 to vector<16xi32>
      %add3A_268 = arith.addi %add3A_267, %iota3A : vector<16xi32>
      %div3A_269 = arith.constant 200 : i32
      %div3A_270 = vector.broadcast %div3A_269 : i32 to vector<16xi32>
      %div3A_271 = arith.divsi %add3A_268, %div3A_270 : vector<16xi32>
      %sub3A_272 = arith.constant 0 : i32
      %sub3A_273 = vector.broadcast %sub3A_272 : i32 to vector<16xi32>
      %sub3A_274 = arith.subi %div3A_271, %sub3A_273 : vector<16xi32>
      %gt3A_275 = arith.constant 0.000000e+00 : f32
      %gt3A_276 = vector.broadcast %gt3A_275 : f32 to vector<16xf32>
      %gt3A_277 = arith.cmpf ogt, %get3A_266, %gt3A_276 : vector<16xf32>
      %add3A_278 = vector.broadcast %mul3A_6 : i32 to vector<16xi32>
      %add3A_279 = arith.addi %add3A_278, %sub3A_274 : vector<16xi32>
      %jit3A_280 = arith.constant 512 : i32
      %broadcast_in_dim3A_281 = vector.broadcast %jit3A_280 : i32 to vector<16xi32>
      %select_n3A_282 = arith.select %gt3A_277, %add3A_279, %broadcast_in_dim3A_281 : vector<16xi1>, vector<16xi32>
      %swap3A_283 = arith.constant 48 : index
      %swap3A_284 = tpu.vector_load %arg9[%swap3A_283] {strides = array<i32>} : memref<128xi32, #tpu.memory_space<vmem>>, vector<16xi32>,
      %swap3A_285 = vector.shape_cast %swap3A_284 : vector<16xi32> to vector<16xi32>
      %swap3A_286 = vector.shape_cast %select_n3A_282 : vector<16xi32> to vector<16xi32>
      tpu.vector_store %arg9[%swap3A_283], %swap3A_286 {strides = array<i32>} : memref<128xi32, #tpu.memory_space<vmem>>, vector<16xi32>,
      %add3A_287 = arith.constant 64 : i32
      %add3A_288 = arith.addi %mul3A_189, %add3A_287 : i32
      %get3A_289 = arith.index_cast %add3A_171 : i32 to index
      %get3A_290 = arith.constant 64 : index
      %get3A_291 = tpu.vector_load %arg7[%get3A_289, %get3A_290] {strides = array<i32>} : memref<200x128xf32, #tpu.memory_space<vmem>>, vector<1x16xf32>,
      %get3A_292 = vector.shape_cast %get3A_291 : vector<1x16xf32> to vector<16xf32>
      %add3A_293 = vector.broadcast %add3A_288 : i32 to vector<16xi32>
      %add3A_294 = arith.addi %add3A_293, %iota3A : vector<16xi32>
      %div3A_295 = arith.constant 200 : i32
      %div3A_296 = vector.broadcast %div3A_295 : i32 to vector<16xi32>
      %div3A_297 = arith.divsi %add3A_294, %div3A_296 : vector<16xi32>
      %sub3A_298 = arith.constant 0 : i32
      %sub3A_299 = vector.broadcast %sub3A_298 : i32 to vector<16xi32>
      %sub3A_300 = arith.subi %div3A_297, %sub3A_299 : vector<16xi32>
      %gt3A_301 = arith.constant 0.000000e+00 : f32
      %gt3A_302 = vector.broadcast %gt3A_301 : f32 to vector<16xf32>
      %gt3A_303 = arith.cmpf ogt, %get3A_292, %gt3A_302 : vector<16xf32>
      %add3A_304 = vector.broadcast %mul3A_6 : i32 to vector<16xi32>
      %add3A_305 = arith.addi %add3A_304, %sub3A_300 : vector<16xi32>
      %jit3A_306 = arith.constant 512 : i32
      %broadcast_in_dim3A_307 = vector.broadcast %jit3A_306 : i32 to vector<16xi32>
      %select_n3A_308 = arith.select %gt3A_303, %add3A_305, %broadcast_in_dim3A_307 : vector<16xi1>, vector<16xi32>
      %swap3A_309 = arith.constant 64 : index
      %swap3A_310 = tpu.vector_load %arg9[%swap3A_309] {strides = array<i32>} : memref<128xi32, #tpu.memory_space<vmem>>, vector<16xi32>,
      %swap3A_311 = vector.shape_cast %swap3A_310 : vector<16xi32> to vector<16xi32>
      %swap3A_312 = vector.shape_cast %select_n3A_308 : vector<16xi32> to vector<16xi32>
      tpu.vector_store %arg9[%swap3A_309], %swap3A_312 {strides = array<i32>} : memref<128xi32, #tpu.memory_space<vmem>>, vector<16xi32>,
      %add3A_313 = arith.constant 80 : i32
      %add3A_314 = arith.addi %mul3A_189, %add3A_313 : i32
      %get3A_315 = arith.index_cast %add3A_171 : i32 to index
      %get3A_316 = arith.constant 80 : index
      %get3A_317 = tpu.vector_load %arg7[%get3A_315, %get3A_316] {strides = array<i32>} : memref<200x128xf32, #tpu.memory_space<vmem>>, vector<1x16xf32>,
      %get3A_318 = vector.shape_cast %get3A_317 : vector<1x16xf32> to vector<16xf32>
      %add3A_319 = vector.broadcast %add3A_314 : i32 to vector<16xi32>
      %add3A_320 = arith.addi %add3A_319, %iota3A : vector<16xi32>
      %div3A_321 = arith.constant 200 : i32
      %div3A_322 = vector.broadcast %div3A_321 : i32 to vector<16xi32>
      %div3A_323 = arith.divsi %add3A_320, %div3A_322 : vector<16xi32>
      %sub3A_324 = arith.constant 0 : i32
      %sub3A_325 = vector.broadcast %sub3A_324 : i32 to vector<16xi32>
      %sub3A_326 = arith.subi %div3A_323, %sub3A_325 : vector<16xi32>
      %gt3A_327 = arith.constant 0.000000e+00 : f32
      %gt3A_328 = vector.broadcast %gt3A_327 : f32 to vector<16xf32>
      %gt3A_329 = arith.cmpf ogt, %get3A_318, %gt3A_328 : vector<16xf32>
      %add3A_330 = vector.broadcast %mul3A_6 : i32 to vector<16xi32>
      %add3A_331 = arith.addi %add3A_330, %sub3A_326 : vector<16xi32>
      %jit3A_332 = arith.constant 512 : i32
      %broadcast_in_dim3A_333 = vector.broadcast %jit3A_332 : i32 to vector<16xi32>
      %select_n3A_334 = arith.select %gt3A_329, %add3A_331, %broadcast_in_dim3A_333 : vector<16xi1>, vector<16xi32>
      %swap3A_335 = arith.constant 80 : index
      %swap3A_336 = tpu.vector_load %arg9[%swap3A_335] {strides = array<i32>} : memref<128xi32, #tpu.memory_space<vmem>>, vector<16xi32>,
      %swap3A_337 = vector.shape_cast %swap3A_336 : vector<16xi32> to vector<16xi32>
      %swap3A_338 = vector.shape_cast %select_n3A_334 : vector<16xi32> to vector<16xi32>
      tpu.vector_store %arg9[%swap3A_335], %swap3A_338 {strides = array<i32>} : memref<128xi32, #tpu.memory_space<vmem>>, vector<16xi32>,
      %add3A_339 = arith.constant 96 : i32
      %add3A_340 = arith.addi %mul3A_189, %add3A_339 : i32
      %get3A_341 = arith.index_cast %add3A_171 : i32 to index
      %get3A_342 = arith.constant 96 : index
      %get3A_343 = tpu.vector_load %arg7[%get3A_341, %get3A_342] {strides = array<i32>} : memref<200x128xf32, #tpu.memory_space<vmem>>, vector<1x16xf32>,
      %get3A_344 = vector.shape_cast %get3A_343 : vector<1x16xf32> to vector<16xf32>
      %add3A_345 = vector.broadcast %add3A_340 : i32 to vector<16xi32>
      %add3A_346 = arith.addi %add3A_345, %iota3A : vector<16xi32>
      %div3A_347 = arith.constant 200 : i32
      %div3A_348 = vector.broadcast %div3A_347 : i32 to vector<16xi32>
      %div3A_349 = arith.divsi %add3A_346, %div3A_348 : vector<16xi32>
      %sub3A_350 = arith.constant 0 : i32
      %sub3A_351 = vector.broadcast %sub3A_350 : i32 to vector<16xi32>
      %sub3A_352 = arith.subi %div3A_349, %sub3A_351 : vector<16xi32>
      %gt3A_353 = arith.constant 0.000000e+00 : f32
      %gt3A_354 = vector.broadcast %gt3A_353 : f32 to vector<16xf32>
      %gt3A_355 = arith.cmpf ogt, %get3A_344, %gt3A_354 : vector<16xf32>
      %add3A_356 = vector.broadcast %mul3A_6 : i32 to vector<16xi32>
      %add3A_357 = arith.addi %add3A_356, %sub3A_352 : vector<16xi32>
      %jit3A_358 = arith.constant 512 : i32
      %broadcast_in_dim3A_359 = vector.broadcast %jit3A_358 : i32 to vector<16xi32>
      %select_n3A_360 = arith.select %gt3A_355, %add3A_357, %broadcast_in_dim3A_359 : vector<16xi1>, vector<16xi32>
      %swap3A_361 = arith.constant 96 : index
      %swap3A_362 = tpu.vector_load %arg9[%swap3A_361] {strides = array<i32>} : memref<128xi32, #tpu.memory_space<vmem>>, vector<16xi32>,
      %swap3A_363 = vector.shape_cast %swap3A_362 : vector<16xi32> to vector<16xi32>
      %swap3A_364 = vector.shape_cast %select_n3A_360 : vector<16xi32> to vector<16xi32>
      tpu.vector_store %arg9[%swap3A_361], %swap3A_364 {strides = array<i32>} : memref<128xi32, #tpu.memory_space<vmem>>, vector<16xi32>,
      %add3A_365 = arith.constant 112 : i32
      %add3A_366 = arith.addi %mul3A_189, %add3A_365 : i32
      %get3A_367 = arith.index_cast %add3A_171 : i32 to index
      %get3A_368 = arith.constant 112 : index
      %get3A_369 = tpu.vector_load %arg7[%get3A_367, %get3A_368] {strides = array<i32>} : memref<200x128xf32, #tpu.memory_space<vmem>>, vector<1x16xf32>,
      %get3A_370 = vector.shape_cast %get3A_369 : vector<1x16xf32> to vector<16xf32>
      %add3A_371 = vector.broadcast %add3A_366 : i32 to vector<16xi32>
      %add3A_372 = arith.addi %add3A_371, %iota3A : vector<16xi32>
      %div3A_373 = arith.constant 200 : i32
      %div3A_374 = vector.broadcast %div3A_373 : i32 to vector<16xi32>
      %div3A_375 = arith.divsi %add3A_372, %div3A_374 : vector<16xi32>
      %sub3A_376 = arith.constant 0 : i32
      %sub3A_377 = vector.broadcast %sub3A_376 : i32 to vector<16xi32>
      %sub3A_378 = arith.subi %div3A_375, %sub3A_377 : vector<16xi32>
      %gt3A_379 = arith.constant 0.000000e+00 : f32
      %gt3A_380 = vector.broadcast %gt3A_379 : f32 to vector<16xf32>
      %gt3A_381 = arith.cmpf ogt, %get3A_370, %gt3A_380 : vector<16xf32>
      %add3A_382 = vector.broadcast %mul3A_6 : i32 to vector<16xi32>
      %add3A_383 = arith.addi %add3A_382, %sub3A_378 : vector<16xi32>
      %jit3A_384 = arith.constant 512 : i32
      %broadcast_in_dim3A_385 = vector.broadcast %jit3A_384 : i32 to vector<16xi32>
      %select_n3A_386 = arith.select %gt3A_381, %add3A_383, %broadcast_in_dim3A_385 : vector<16xi1>, vector<16xi32>
      %swap3A_387 = arith.constant 112 : index
      %swap3A_388 = tpu.vector_load %arg9[%swap3A_387] {strides = array<i32>} : memref<128xi32, #tpu.memory_space<vmem>>, vector<16xi32>,
      %swap3A_389 = vector.shape_cast %swap3A_388 : vector<16xi32> to vector<16xi32>
      %swap3A_390 = vector.shape_cast %select_n3A_386 : vector<16xi32> to vector<16xi32>
      tpu.vector_store %arg9[%swap3A_387], %swap3A_390 {strides = array<i32>} : memref<128xi32, #tpu.memory_space<vmem>>, vector<16xi32>,
      %dma_start3A_391 = arith.constant 0 : i32
      %dma_start3A_392 = arith.constant 0 : i32
      %dma_start3A_393 = arith.constant 0 : i32
      %dma_start3A_394 = tpu.memref_slice %arg8[%dma_start3A_391, %dma_start3A_392, %dma_start3A_393] : memref<2x128x128xf32, #tpu.memory_space<vmem>> -> memref<1x128x128xf32, #tpu.memory_space<vmem>>
      %dma_start3A_395 = tpu.memref_squeeze %dma_start3A_394 : memref<1x128x128xf32, #tpu.memory_space<vmem>> -> memref<128x128xf32, #tpu.memory_space<vmem>>
      %dma_start3A_396 = arith.constant 0 : i32
      %dma_start3A_397 = arith.constant 0 : i32
      %dma_start3A_398 = tpu.memref_slice %arg13[%dma_start3A_396, %dma_start3A_397] : memref<520x128xf32, #tpu.memory_space<vmem_shared>> -> memref<520x128xf32, #tpu.memory_space<vmem_shared>>
      tpu.enqueue_indirect_dma source(%dma_start3A_395 : memref<128x128xf32, #tpu.memory_space<vmem>>) target(%dma_start3A_398 : memref<520x128xf32, #tpu.memory_space<vmem_shared>>) offsets(%arg9 : memref<128xi32, #tpu.memory_space<vmem>>) semaphore(%arg16 : memref<!tpu.dma_semaphore, #tpu.memory_space<semaphore_mem>>) {add = true}
      %gt3A_399 = arith.constant 0 : i32
      %gt3A_400 = arith.cmpi sgt, %scan3A_166, %gt3A_399 : i32
      %convert_element_type3A = arith.extui %gt3A_400 : i1 to i32
      %cond3A = arith.constant 0 : i32
      %cond3A_401 = arith.cmpi ne, %convert_element_type3A, %cond3A : i32
      scf.if %cond3A_401 {
        %dma_wait3A_673 = arith.constant 1 : i32
        %dma_wait3A_674 = arith.constant 0 : i32
        %dma_wait3A_675 = arith.constant 0 : i32
        %dma_wait3A_676 = tpu.memref_slice %arg8[%dma_wait3A_673, %dma_wait3A_674, %dma_wait3A_675] : memref<2x128x128xf32, #tpu.memory_space<vmem>> -> memref<1x128x128xf32, #tpu.memory_space<vmem>>
        %dma_wait3A_677 = tpu.memref_squeeze %dma_wait3A_676 : memref<1x128x128xf32, #tpu.memory_space<vmem>> -> memref<128x128xf32, #tpu.memory_space<vmem>>
        %dma_wait3A_678 = arith.constant 0 : i32
        %dma_wait3A_679 = arith.constant 0 : i32
        %dma_wait3A_680 = tpu.memref_slice %arg13[%dma_wait3A_678, %dma_wait3A_679] : memref<520x128xf32, #tpu.memory_space<vmem_shared>> -> memref<520x128xf32, #tpu.memory_space<vmem_shared>>
        tpu.wait_indirect_dma semaphore(%arg17 : memref<!tpu.dma_semaphore, #tpu.memory_space<semaphore_mem>>) src(%dma_wait3A_677 : memref<128x128xf32, #tpu.memory_space<vmem>>) dst(%dma_wait3A_680 : memref<520x128xf32, #tpu.memory_space<vmem_shared>>)
      } else {
      }
      %add3A_402 = arith.constant 1 : i32
      %add3A_403 = arith.addi %add3A_171, %add3A_402 : i32
      %mul3A_404 = arith.constant 128 : i32
      %mul3A_405 = arith.muli %add3A_403, %mul3A_404 : i32
      %add3A_406 = arith.addi %mul3A_4, %mul3A_405 : i32
      %dma_start3A_407 = arith.constant 1 : i32
      %dma_start3A_408 = arith.constant 0 : i32
      %dma_start3A_409 = arith.constant 0 : i32
      %dma_start3A_410 = tpu.memref_slice %arg8[%dma_start3A_407, %dma_start3A_408, %dma_start3A_409] : memref<2x128x128xf32, #tpu.memory_space<vmem>> -> memref<1x128x128xf32, #tpu.memory_space<vmem>>
      %dma_start3A_411 = tpu.memref_squeeze %dma_start3A_410 : memref<1x128x128xf32, #tpu.memory_space<vmem>> -> memref<128x128xf32, #tpu.memory_space<vmem>>
      %dma_start3A_412 = arith.constant 0 : i32
      %dma_start3A_413 = tpu.memref_slice %arg2[%add3A_406, %dma_start3A_412] : memref<819200x128xf32, #tpu.memory_space<hbm>> -> memref<128x128xf32, #tpu.memory_space<hbm>>
      %dma_start3A_414 = arith.constant 0 : i32
      %dma_start3A_415 = arith.constant 0 : i32
      %dma_start3A_416 = tpu.memref_slice %arg8[%dma_start3A_407, %dma_start3A_414, %dma_start3A_415] : memref<2x128x128xf32, #tpu.memory_space<vmem>> -> memref<1x128x128xf32, #tpu.memory_space<vmem>>
      %dma_start3A_417 = tpu.memref_squeeze %dma_start3A_416 : memref<1x128x128xf32, #tpu.memory_space<vmem>> -> memref<128x128xf32, #tpu.memory_space<vmem>>
      %dma_start3A_418 = arith.constant 0 : i32
      %dma_start3A_419 = tpu.memref_slice %arg2[%add3A_406, %dma_start3A_418] : memref<819200x128xf32, #tpu.memory_space<hbm>> -> memref<128x128xf32, #tpu.memory_space<hbm>>
      tpu.enqueue_dma source(%dma_start3A_419 : memref<128x128xf32, #tpu.memory_space<hbm>>) target(%dma_start3A_417 : memref<128x128xf32, #tpu.memory_space<vmem>>) target_semaphore(%arg15 : memref<!tpu.dma_semaphore, #tpu.memory_space<semaphore_mem>>)
      %add3A_420 = arith.constant 1 : i32
      %add3A_421 = arith.addi %add3A_171, %add3A_420 : i32
      %mul3A_422 = arith.constant 128 : i32
      %mul3A_423 = arith.muli %add3A_421, %mul3A_422 : i32
      %add3A_424 = arith.addi %mul3A_4, %mul3A_423 : i32
      %dma_wait3A_425 = arith.constant 1 : i32
      %dma_wait3A_426 = arith.constant 0 : i32
      %dma_wait3A_427 = arith.constant 0 : i32
      %dma_wait3A_428 = tpu.memref_slice %arg8[%dma_wait3A_425, %dma_wait3A_426, %dma_wait3A_427] : memref<2x128x128xf32, #tpu.memory_space<vmem>> -> memref<1x128x128xf32, #tpu.memory_space<vmem>>
      %dma_wait3A_429 = tpu.memref_squeeze %dma_wait3A_428 : memref<1x128x128xf32, #tpu.memory_space<vmem>> -> memref<128x128xf32, #tpu.memory_space<vmem>>
      %dma_wait3A_430 = arith.constant 0 : i32
      %dma_wait3A_431 = tpu.memref_slice %arg2[%add3A_424, %dma_wait3A_430] : memref<819200x128xf32, #tpu.memory_space<hbm>> -> memref<128x128xf32, #tpu.memory_space<hbm>>
      %dma_wait3A_432 = arith.constant 0 : i32
      %dma_wait3A_433 = arith.constant 0 : i32
      %dma_wait3A_434 = tpu.memref_slice %arg8[%dma_wait3A_425, %dma_wait3A_432, %dma_wait3A_433] : memref<2x128x128xf32, #tpu.memory_space<vmem>> -> memref<1x128x128xf32, #tpu.memory_space<vmem>>
      %dma_wait3A_435 = tpu.memref_squeeze %dma_wait3A_434 : memref<1x128x128xf32, #tpu.memory_space<vmem>> -> memref<128x128xf32, #tpu.memory_space<vmem>>
      %dma_wait3A_436 = arith.constant 0 : i32
      %dma_wait3A_437 = tpu.memref_slice %arg2[%add3A_424, %dma_wait3A_436] : memref<819200x128xf32, #tpu.memory_space<hbm>> -> memref<128x128xf32, #tpu.memory_space<hbm>>
      tpu.wait_dma2 semaphore(%arg15 : memref<!tpu.dma_semaphore, #tpu.memory_space<semaphore_mem>>) src(%dma_wait3A_437 : memref<128x128xf32, #tpu.memory_space<hbm>>) dst(%dma_wait3A_435 : memref<128x128xf32, #tpu.memory_space<vmem>>)
      %add3A_438 = arith.constant 1 : i32
      %add3A_439 = arith.addi %add3A_171, %add3A_438 : i32
      %mul3A_440 = arith.constant 128 : i32
      %mul3A_441 = arith.muli %add3A_439, %mul3A_440 : i32
      %add3A_442 = arith.constant 0 : i32
      %add3A_443 = arith.addi %mul3A_441, %add3A_442 : i32
      %get3A_444 = arith.index_cast %add3A_439 : i32 to index
      %get3A_445 = arith.constant 0 : index
      %get3A_446 = tpu.vector_load %arg7[%get3A_444, %get3A_445] {strides = array<i32>} : memref<200x128xf32, #tpu.memory_space<vmem>>, vector<1x16xf32>,
      %get3A_447 = vector.shape_cast %get3A_446 : vector<1x16xf32> to vector<16xf32>
      %add3A_448 = vector.broadcast %add3A_443 : i32 to vector<16xi32>
      %add3A_449 = arith.addi %add3A_448, %iota3A : vector<16xi32>
      %div3A_450 = arith.constant 200 : i32
      %div3A_451 = vector.broadcast %div3A_450 : i32 to vector<16xi32>
      %div3A_452 = arith.divsi %add3A_449, %div3A_451 : vector<16xi32>
      %sub3A_453 = arith.constant 0 : i32
      %sub3A_454 = vector.broadcast %sub3A_453 : i32 to vector<16xi32>
      %sub3A_455 = arith.subi %div3A_452, %sub3A_454 : vector<16xi32>
      %gt3A_456 = arith.constant 0.000000e+00 : f32
      %gt3A_457 = vector.broadcast %gt3A_456 : f32 to vector<16xf32>
      %gt3A_458 = arith.cmpf ogt, %get3A_447, %gt3A_457 : vector<16xf32>
      %add3A_459 = vector.broadcast %mul3A_6 : i32 to vector<16xi32>
      %add3A_460 = arith.addi %add3A_459, %sub3A_455 : vector<16xi32>
      %jit3A_461 = arith.constant 512 : i32
      %broadcast_in_dim3A_462 = vector.broadcast %jit3A_461 : i32 to vector<16xi32>
      %select_n3A_463 = arith.select %gt3A_458, %add3A_460, %broadcast_in_dim3A_462 : vector<16xi1>, vector<16xi32>
      %swap3A_464 = arith.constant 0 : index
      %swap3A_465 = tpu.vector_load %arg10[%swap3A_464] {strides = array<i32>} : memref<128xi32, #tpu.memory_space<vmem>>, vector<16xi32>,
      %swap3A_466 = vector.shape_cast %swap3A_465 : vector<16xi32> to vector<16xi32>
      %swap3A_467 = vector.shape_cast %select_n3A_463 : vector<16xi32> to vector<16xi32>
      tpu.vector_store %arg10[%swap3A_464], %swap3A_467 {strides = array<i32>} : memref<128xi32, #tpu.memory_space<vmem>>, vector<16xi32>,
      %add3A_468 = arith.constant 16 : i32
      %add3A_469 = arith.addi %mul3A_441, %add3A_468 : i32
      %get3A_470 = arith.index_cast %add3A_439 : i32 to index
      %get3A_471 = arith.constant 16 : index
      %get3A_472 = tpu.vector_load %arg7[%get3A_470, %get3A_471] {strides = array<i32>} : memref<200x128xf32, #tpu.memory_space<vmem>>, vector<1x16xf32>,
      %get3A_473 = vector.shape_cast %get3A_472 : vector<1x16xf32> to vector<16xf32>
      %add3A_474 = vector.broadcast %add3A_469 : i32 to vector<16xi32>
      %add3A_475 = arith.addi %add3A_474, %iota3A : vector<16xi32>
      %div3A_476 = arith.constant 200 : i32
      %div3A_477 = vector.broadcast %div3A_476 : i32 to vector<16xi32>
      %div3A_478 = arith.divsi %add3A_475, %div3A_477 : vector<16xi32>
      %sub3A_479 = arith.constant 0 : i32
      %sub3A_480 = vector.broadcast %sub3A_479 : i32 to vector<16xi32>
      %sub3A_481 = arith.subi %div3A_478, %sub3A_480 : vector<16xi32>
      %gt3A_482 = arith.constant 0.000000e+00 : f32
      %gt3A_483 = vector.broadcast %gt3A_482 : f32 to vector<16xf32>
      %gt3A_484 = arith.cmpf ogt, %get3A_473, %gt3A_483 : vector<16xf32>
      %add3A_485 = vector.broadcast %mul3A_6 : i32 to vector<16xi32>
      %add3A_486 = arith.addi %add3A_485, %sub3A_481 : vector<16xi32>
      %jit3A_487 = arith.constant 512 : i32
      %broadcast_in_dim3A_488 = vector.broadcast %jit3A_487 : i32 to vector<16xi32>
      %select_n3A_489 = arith.select %gt3A_484, %add3A_486, %broadcast_in_dim3A_488 : vector<16xi1>, vector<16xi32>
      %swap3A_490 = arith.constant 16 : index
      %swap3A_491 = tpu.vector_load %arg10[%swap3A_490] {strides = array<i32>} : memref<128xi32, #tpu.memory_space<vmem>>, vector<16xi32>,
      %swap3A_492 = vector.shape_cast %swap3A_491 : vector<16xi32> to vector<16xi32>
      %swap3A_493 = vector.shape_cast %select_n3A_489 : vector<16xi32> to vector<16xi32>
      tpu.vector_store %arg10[%swap3A_490], %swap3A_493 {strides = array<i32>} : memref<128xi32, #tpu.memory_space<vmem>>, vector<16xi32>,
      %add3A_494 = arith.constant 32 : i32
      %add3A_495 = arith.addi %mul3A_441, %add3A_494 : i32
      %get3A_496 = arith.index_cast %add3A_439 : i32 to index
      %get3A_497 = arith.constant 32 : index
      %get3A_498 = tpu.vector_load %arg7[%get3A_496, %get3A_497] {strides = array<i32>} : memref<200x128xf32, #tpu.memory_space<vmem>>, vector<1x16xf32>,
      %get3A_499 = vector.shape_cast %get3A_498 : vector<1x16xf32> to vector<16xf32>
      %add3A_500 = vector.broadcast %add3A_495 : i32 to vector<16xi32>
      %add3A_501 = arith.addi %add3A_500, %iota3A : vector<16xi32>
      %div3A_502 = arith.constant 200 : i32
      %div3A_503 = vector.broadcast %div3A_502 : i32 to vector<16xi32>
      %div3A_504 = arith.divsi %add3A_501, %div3A_503 : vector<16xi32>
      %sub3A_505 = arith.constant 0 : i32
      %sub3A_506 = vector.broadcast %sub3A_505 : i32 to vector<16xi32>
      %sub3A_507 = arith.subi %div3A_504, %sub3A_506 : vector<16xi32>
      %gt3A_508 = arith.constant 0.000000e+00 : f32
      %gt3A_509 = vector.broadcast %gt3A_508 : f32 to vector<16xf32>
      %gt3A_510 = arith.cmpf ogt, %get3A_499, %gt3A_509 : vector<16xf32>
      %add3A_511 = vector.broadcast %mul3A_6 : i32 to vector<16xi32>
      %add3A_512 = arith.addi %add3A_511, %sub3A_507 : vector<16xi32>
      %jit3A_513 = arith.constant 512 : i32
      %broadcast_in_dim3A_514 = vector.broadcast %jit3A_513 : i32 to vector<16xi32>
      %select_n3A_515 = arith.select %gt3A_510, %add3A_512, %broadcast_in_dim3A_514 : vector<16xi1>, vector<16xi32>
      %swap3A_516 = arith.constant 32 : index
      %swap3A_517 = tpu.vector_load %arg10[%swap3A_516] {strides = array<i32>} : memref<128xi32, #tpu.memory_space<vmem>>, vector<16xi32>,
      %swap3A_518 = vector.shape_cast %swap3A_517 : vector<16xi32> to vector<16xi32>
      %swap3A_519 = vector.shape_cast %select_n3A_515 : vector<16xi32> to vector<16xi32>
      tpu.vector_store %arg10[%swap3A_516], %swap3A_519 {strides = array<i32>} : memref<128xi32, #tpu.memory_space<vmem>>, vector<16xi32>,
      %add3A_520 = arith.constant 48 : i32
      %add3A_521 = arith.addi %mul3A_441, %add3A_520 : i32
      %get3A_522 = arith.index_cast %add3A_439 : i32 to index
      %get3A_523 = arith.constant 48 : index
      %get3A_524 = tpu.vector_load %arg7[%get3A_522, %get3A_523] {strides = array<i32>} : memref<200x128xf32, #tpu.memory_space<vmem>>, vector<1x16xf32>,
      %get3A_525 = vector.shape_cast %get3A_524 : vector<1x16xf32> to vector<16xf32>
      %add3A_526 = vector.broadcast %add3A_521 : i32 to vector<16xi32>
      %add3A_527 = arith.addi %add3A_526, %iota3A : vector<16xi32>
      %div3A_528 = arith.constant 200 : i32
      %div3A_529 = vector.broadcast %div3A_528 : i32 to vector<16xi32>
      %div3A_530 = arith.divsi %add3A_527, %div3A_529 : vector<16xi32>
      %sub3A_531 = arith.constant 0 : i32
      %sub3A_532 = vector.broadcast %sub3A_531 : i32 to vector<16xi32>
      %sub3A_533 = arith.subi %div3A_530, %sub3A_532 : vector<16xi32>
      %gt3A_534 = arith.constant 0.000000e+00 : f32
      %gt3A_535 = vector.broadcast %gt3A_534 : f32 to vector<16xf32>
      %gt3A_536 = arith.cmpf ogt, %get3A_525, %gt3A_535 : vector<16xf32>
      %add3A_537 = vector.broadcast %mul3A_6 : i32 to vector<16xi32>
      %add3A_538 = arith.addi %add3A_537, %sub3A_533 : vector<16xi32>
      %jit3A_539 = arith.constant 512 : i32
      %broadcast_in_dim3A_540 = vector.broadcast %jit3A_539 : i32 to vector<16xi32>
      %select_n3A_541 = arith.select %gt3A_536, %add3A_538, %broadcast_in_dim3A_540 : vector<16xi1>, vector<16xi32>
      %swap3A_542 = arith.constant 48 : index
      %swap3A_543 = tpu.vector_load %arg10[%swap3A_542] {strides = array<i32>} : memref<128xi32, #tpu.memory_space<vmem>>, vector<16xi32>,
      %swap3A_544 = vector.shape_cast %swap3A_543 : vector<16xi32> to vector<16xi32>
      %swap3A_545 = vector.shape_cast %select_n3A_541 : vector<16xi32> to vector<16xi32>
      tpu.vector_store %arg10[%swap3A_542], %swap3A_545 {strides = array<i32>} : memref<128xi32, #tpu.memory_space<vmem>>, vector<16xi32>,
      %add3A_546 = arith.constant 64 : i32
      %add3A_547 = arith.addi %mul3A_441, %add3A_546 : i32
      %get3A_548 = arith.index_cast %add3A_439 : i32 to index
      %get3A_549 = arith.constant 64 : index
      %get3A_550 = tpu.vector_load %arg7[%get3A_548, %get3A_549] {strides = array<i32>} : memref<200x128xf32, #tpu.memory_space<vmem>>, vector<1x16xf32>,
      %get3A_551 = vector.shape_cast %get3A_550 : vector<1x16xf32> to vector<16xf32>
      %add3A_552 = vector.broadcast %add3A_547 : i32 to vector<16xi32>
      %add3A_553 = arith.addi %add3A_552, %iota3A : vector<16xi32>
      %div3A_554 = arith.constant 200 : i32
      %div3A_555 = vector.broadcast %div3A_554 : i32 to vector<16xi32>
      %div3A_556 = arith.divsi %add3A_553, %div3A_555 : vector<16xi32>
      %sub3A_557 = arith.constant 0 : i32
      %sub3A_558 = vector.broadcast %sub3A_557 : i32 to vector<16xi32>
      %sub3A_559 = arith.subi %div3A_556, %sub3A_558 : vector<16xi32>
      %gt3A_560 = arith.constant 0.000000e+00 : f32
      %gt3A_561 = vector.broadcast %gt3A_560 : f32 to vector<16xf32>
      %gt3A_562 = arith.cmpf ogt, %get3A_551, %gt3A_561 : vector<16xf32>
      %add3A_563 = vector.broadcast %mul3A_6 : i32 to vector<16xi32>
      %add3A_564 = arith.addi %add3A_563, %sub3A_559 : vector<16xi32>
      %jit3A_565 = arith.constant 512 : i32
      %broadcast_in_dim3A_566 = vector.broadcast %jit3A_565 : i32 to vector<16xi32>
      %select_n3A_567 = arith.select %gt3A_562, %add3A_564, %broadcast_in_dim3A_566 : vector<16xi1>, vector<16xi32>
      %swap3A_568 = arith.constant 64 : index
      %swap3A_569 = tpu.vector_load %arg10[%swap3A_568] {strides = array<i32>} : memref<128xi32, #tpu.memory_space<vmem>>, vector<16xi32>,
      %swap3A_570 = vector.shape_cast %swap3A_569 : vector<16xi32> to vector<16xi32>
      %swap3A_571 = vector.shape_cast %select_n3A_567 : vector<16xi32> to vector<16xi32>
      tpu.vector_store %arg10[%swap3A_568], %swap3A_571 {strides = array<i32>} : memref<128xi32, #tpu.memory_space<vmem>>, vector<16xi32>,
      %add3A_572 = arith.constant 80 : i32
      %add3A_573 = arith.addi %mul3A_441, %add3A_572 : i32
      %get3A_574 = arith.index_cast %add3A_439 : i32 to index
      %get3A_575 = arith.constant 80 : index
      %get3A_576 = tpu.vector_load %arg7[%get3A_574, %get3A_575] {strides = array<i32>} : memref<200x128xf32, #tpu.memory_space<vmem>>, vector<1x16xf32>,
      %get3A_577 = vector.shape_cast %get3A_576 : vector<1x16xf32> to vector<16xf32>
      %add3A_578 = vector.broadcast %add3A_573 : i32 to vector<16xi32>
      %add3A_579 = arith.addi %add3A_578, %iota3A : vector<16xi32>
      %div3A_580 = arith.constant 200 : i32
      %div3A_581 = vector.broadcast %div3A_580 : i32 to vector<16xi32>
      %div3A_582 = arith.divsi %add3A_579, %div3A_581 : vector<16xi32>
      %sub3A_583 = arith.constant 0 : i32
      %sub3A_584 = vector.broadcast %sub3A_583 : i32 to vector<16xi32>
      %sub3A_585 = arith.subi %div3A_582, %sub3A_584 : vector<16xi32>
      %gt3A_586 = arith.constant 0.000000e+00 : f32
      %gt3A_587 = vector.broadcast %gt3A_586 : f32 to vector<16xf32>
      %gt3A_588 = arith.cmpf ogt, %get3A_577, %gt3A_587 : vector<16xf32>
      %add3A_589 = vector.broadcast %mul3A_6 : i32 to vector<16xi32>
      %add3A_590 = arith.addi %add3A_589, %sub3A_585 : vector<16xi32>
      %jit3A_591 = arith.constant 512 : i32
      %broadcast_in_dim3A_592 = vector.broadcast %jit3A_591 : i32 to vector<16xi32>
      %select_n3A_593 = arith.select %gt3A_588, %add3A_590, %broadcast_in_dim3A_592 : vector<16xi1>, vector<16xi32>
      %swap3A_594 = arith.constant 80 : index
      %swap3A_595 = tpu.vector_load %arg10[%swap3A_594] {strides = array<i32>} : memref<128xi32, #tpu.memory_space<vmem>>, vector<16xi32>,
      %swap3A_596 = vector.shape_cast %swap3A_595 : vector<16xi32> to vector<16xi32>
      %swap3A_597 = vector.shape_cast %select_n3A_593 : vector<16xi32> to vector<16xi32>
      tpu.vector_store %arg10[%swap3A_594], %swap3A_597 {strides = array<i32>} : memref<128xi32, #tpu.memory_space<vmem>>, vector<16xi32>,
      %add3A_598 = arith.constant 96 : i32
      %add3A_599 = arith.addi %mul3A_441, %add3A_598 : i32
      %get3A_600 = arith.index_cast %add3A_439 : i32 to index
      %get3A_601 = arith.constant 96 : index
      %get3A_602 = tpu.vector_load %arg7[%get3A_600, %get3A_601] {strides = array<i32>} : memref<200x128xf32, #tpu.memory_space<vmem>>, vector<1x16xf32>,
      %get3A_603 = vector.shape_cast %get3A_602 : vector<1x16xf32> to vector<16xf32>
      %add3A_604 = vector.broadcast %add3A_599 : i32 to vector<16xi32>
      %add3A_605 = arith.addi %add3A_604, %iota3A : vector<16xi32>
      %div3A_606 = arith.constant 200 : i32
      %div3A_607 = vector.broadcast %div3A_606 : i32 to vector<16xi32>
      %div3A_608 = arith.divsi %add3A_605, %div3A_607 : vector<16xi32>
      %sub3A_609 = arith.constant 0 : i32
      %sub3A_610 = vector.broadcast %sub3A_609 : i32 to vector<16xi32>
      %sub3A_611 = arith.subi %div3A_608, %sub3A_610 : vector<16xi32>
      %gt3A_612 = arith.constant 0.000000e+00 : f32
      %gt3A_613 = vector.broadcast %gt3A_612 : f32 to vector<16xf32>
      %gt3A_614 = arith.cmpf ogt, %get3A_603, %gt3A_613 : vector<16xf32>
      %add3A_615 = vector.broadcast %mul3A_6 : i32 to vector<16xi32>
      %add3A_616 = arith.addi %add3A_615, %sub3A_611 : vector<16xi32>
      %jit3A_617 = arith.constant 512 : i32
      %broadcast_in_dim3A_618 = vector.broadcast %jit3A_617 : i32 to vector<16xi32>
      %select_n3A_619 = arith.select %gt3A_614, %add3A_616, %broadcast_in_dim3A_618 : vector<16xi1>, vector<16xi32>
      %swap3A_620 = arith.constant 96 : index
      %swap3A_621 = tpu.vector_load %arg10[%swap3A_620] {strides = array<i32>} : memref<128xi32, #tpu.memory_space<vmem>>, vector<16xi32>,
      %swap3A_622 = vector.shape_cast %swap3A_621 : vector<16xi32> to vector<16xi32>
      %swap3A_623 = vector.shape_cast %select_n3A_619 : vector<16xi32> to vector<16xi32>
      tpu.vector_store %arg10[%swap3A_620], %swap3A_623 {strides = array<i32>} : memref<128xi32, #tpu.memory_space<vmem>>, vector<16xi32>,
      %add3A_624 = arith.constant 112 : i32
      %add3A_625 = arith.addi %mul3A_441, %add3A_624 : i32
      %get3A_626 = arith.index_cast %add3A_439 : i32 to index
      %get3A_627 = arith.constant 112 : index
      %get3A_628 = tpu.vector_load %arg7[%get3A_626, %get3A_627] {strides = array<i32>} : memref<200x128xf32, #tpu.memory_space<vmem>>, vector<1x16xf32>,
      %get3A_629 = vector.shape_cast %get3A_628 : vector<1x16xf32> to vector<16xf32>
      %add3A_630 = vector.broadcast %add3A_625 : i32 to vector<16xi32>
      %add3A_631 = arith.addi %add3A_630, %iota3A : vector<16xi32>
      %div3A_632 = arith.constant 200 : i32
      %div3A_633 = vector.broadcast %div3A_632 : i32 to vector<16xi32>
      %div3A_634 = arith.divsi %add3A_631, %div3A_633 : vector<16xi32>
      %sub3A_635 = arith.constant 0 : i32
      %sub3A_636 = vector.broadcast %sub3A_635 : i32 to vector<16xi32>
      %sub3A_637 = arith.subi %div3A_634, %sub3A_636 : vector<16xi32>
      %gt3A_638 = arith.constant 0.000000e+00 : f32
      %gt3A_639 = vector.broadcast %gt3A_638 : f32 to vector<16xf32>
      %gt3A_640 = arith.cmpf ogt, %get3A_629, %gt3A_639 : vector<16xf32>
      %add3A_641 = vector.broadcast %mul3A_6 : i32 to vector<16xi32>
      %add3A_642 = arith.addi %add3A_641, %sub3A_637 : vector<16xi32>
      %jit3A_643 = arith.constant 512 : i32
      %broadcast_in_dim3A_644 = vector.broadcast %jit3A_643 : i32 to vector<16xi32>
      %select_n3A_645 = arith.select %gt3A_640, %add3A_642, %broadcast_in_dim3A_644 : vector<16xi1>, vector<16xi32>
      %swap3A_646 = arith.constant 112 : index
      %swap3A_647 = tpu.vector_load %arg10[%swap3A_646] {strides = array<i32>} : memref<128xi32, #tpu.memory_space<vmem>>, vector<16xi32>,
      %swap3A_648 = vector.shape_cast %swap3A_647 : vector<16xi32> to vector<16xi32>
      %swap3A_649 = vector.shape_cast %select_n3A_645 : vector<16xi32> to vector<16xi32>
      tpu.vector_store %arg10[%swap3A_646], %swap3A_649 {strides = array<i32>} : memref<128xi32, #tpu.memory_space<vmem>>, vector<16xi32>,
      %dma_start3A_650 = arith.constant 1 : i32
      %dma_start3A_651 = arith.constant 0 : i32
      %dma_start3A_652 = arith.constant 0 : i32
      %dma_start3A_653 = tpu.memref_slice %arg8[%dma_start3A_650, %dma_start3A_651, %dma_start3A_652] : memref<2x128x128xf32, #tpu.memory_space<vmem>> -> memref<1x128x128xf32, #tpu.memory_space<vmem>>
      %dma_start3A_654 = tpu.memref_squeeze %dma_start3A_653 : memref<1x128x128xf32, #tpu.memory_space<vmem>> -> memref<128x128xf32, #tpu.memory_space<vmem>>
      %dma_start3A_655 = arith.constant 0 : i32
      %dma_start3A_656 = arith.constant 0 : i32
      %dma_start3A_657 = tpu.memref_slice %arg13[%dma_start3A_655, %dma_start3A_656] : memref<520x128xf32, #tpu.memory_space<vmem_shared>> -> memref<520x128xf32, #tpu.memory_space<vmem_shared>>
      tpu.enqueue_indirect_dma source(%dma_start3A_654 : memref<128x128xf32, #tpu.memory_space<vmem>>) target(%dma_start3A_657 : memref<520x128xf32, #tpu.memory_space<vmem_shared>>) offsets(%arg10 : memref<128xi32, #tpu.memory_space<vmem>>) semaphore(%arg17 : memref<!tpu.dma_semaphore, #tpu.memory_space<semaphore_mem>>) {add = true}
      %dma_wait3A_658 = arith.constant 0 : i32
      %dma_wait3A_659 = arith.constant 0 : i32
      %dma_wait3A_660 = arith.constant 0 : i32
      %dma_wait3A_661 = tpu.memref_slice %arg8[%dma_wait3A_658, %dma_wait3A_659, %dma_wait3A_660] : memref<2x128x128xf32, #tpu.memory_space<vmem>> -> memref<1x128x128xf32, #tpu.memory_space<vmem>>
      %dma_wait3A_662 = tpu.memref_squeeze %dma_wait3A_661 : memref<1x128x128xf32, #tpu.memory_space<vmem>> -> memref<128x128xf32, #tpu.memory_space<vmem>>
      %dma_wait3A_663 = arith.constant 0 : i32
      %dma_wait3A_664 = arith.constant 0 : i32
      %dma_wait3A_665 = tpu.memref_slice %arg13[%dma_wait3A_663, %dma_wait3A_664] : memref<520x128xf32, #tpu.memory_space<vmem_shared>> -> memref<520x128xf32, #tpu.memory_space<vmem_shared>>
      tpu.wait_indirect_dma semaphore(%arg16 : memref<!tpu.dma_semaphore, #tpu.memory_space<semaphore_mem>>) src(%dma_wait3A_662 : memref<128x128xf32, #tpu.memory_space<vmem>>) dst(%dma_wait3A_665 : memref<520x128xf32, #tpu.memory_space<vmem_shared>>)
      %add3A_666 = arith.constant 1 : i32
      %add3A_667 = arith.addi %scan3A_166, %add3A_666 : i32
      %lt3A = arith.constant 25 : i32
      %lt3A_668 = arith.cmpi slt, %add3A_667, %lt3A : i32
      %convert_element_type3A_669 = arith.extui %lt3A_668 : i1 to i32
      %cond3A_670 = arith.constant 0 : i32
      %cond3A_671 = arith.cmpi ne, %convert_element_type3A_669, %cond3A_670 : i32
      scf.if %cond3A_671 {
        %add3A_673 = arith.constant 2 : i32
        %add3A_674 = arith.addi %add3A_171, %add3A_673 : i32
        %mul3A_675 = arith.constant 128 : i32
        %mul3A_676 = arith.muli %add3A_674, %mul3A_675 : i32
        %add3A_677 = arith.addi %mul3A_4, %mul3A_676 : i32
        %dma_start3A_678 = arith.constant 0 : i32
        %dma_start3A_679 = arith.constant 0 : i32
        %dma_start3A_680 = arith.constant 0 : i32
        %dma_start3A_681 = tpu.memref_slice %arg8[%dma_start3A_678, %dma_start3A_679, %dma_start3A_680] : memref<2x128x128xf32, #tpu.memory_space<vmem>> -> memref<1x128x128xf32, #tpu.memory_space<vmem>>
        %dma_start3A_682 = tpu.memref_squeeze %dma_start3A_681 : memref<1x128x128xf32, #tpu.memory_space<vmem>> -> memref<128x128xf32, #tpu.memory_space<vmem>>
        %dma_start3A_683 = arith.constant 0 : i32
        %dma_start3A_684 = tpu.memref_slice %arg2[%add3A_677, %dma_start3A_683] : memref<819200x128xf32, #tpu.memory_space<hbm>> -> memref<128x128xf32, #tpu.memory_space<hbm>>
        %dma_start3A_685 = arith.constant 0 : i32
        %dma_start3A_686 = arith.constant 0 : i32
        %dma_start3A_687 = tpu.memref_slice %arg8[%dma_start3A_678, %dma_start3A_685, %dma_start3A_686] : memref<2x128x128xf32, #tpu.memory_space<vmem>> -> memref<1x128x128xf32, #tpu.memory_space<vmem>>
        %dma_start3A_688 = tpu.memref_squeeze %dma_start3A_687 : memref<1x128x128xf32, #tpu.memory_space<vmem>> -> memref<128x128xf32, #tpu.memory_space<vmem>>
        %dma_start3A_689 = arith.constant 0 : i32
        %dma_start3A_690 = tpu.memref_slice %arg2[%add3A_677, %dma_start3A_689] : memref<819200x128xf32, #tpu.memory_space<hbm>> -> memref<128x128xf32, #tpu.memory_space<hbm>>
        tpu.enqueue_dma source(%dma_start3A_690 : memref<128x128xf32, #tpu.memory_space<hbm>>) target(%dma_start3A_688 : memref<128x128xf32, #tpu.memory_space<vmem>>) target_semaphore(%arg14 : memref<!tpu.dma_semaphore, #tpu.memory_space<semaphore_mem>>)
      } else {
      }
      %scan3A_672 = arith.constant 0 : i32
      scf.yield %scan3A_672 : i32
    }
    %scan3A_60 = arith.constant 25 : i32
    %dma_wait3A_61 = arith.constant 1 : i32
    %dma_wait3A_62 = arith.constant 0 : i32
    %dma_wait3A_63 = arith.constant 0 : i32
    %dma_wait3A_64 = tpu.memref_slice %arg8[%dma_wait3A_61, %dma_wait3A_62, %dma_wait3A_63] : memref<2x128x128xf32, #tpu.memory_space<vmem>> -> memref<1x128x128xf32, #tpu.memory_space<vmem>>
    %dma_wait3A_65 = tpu.memref_squeeze %dma_wait3A_64 : memref<1x128x128xf32, #tpu.memory_space<vmem>> -> memref<128x128xf32, #tpu.memory_space<vmem>>
    %dma_wait3A_66 = arith.constant 0 : i32
    %dma_wait3A_67 = arith.constant 0 : i32
    %dma_wait3A_68 = tpu.memref_slice %arg13[%dma_wait3A_66, %dma_wait3A_67] : memref<520x128xf32, #tpu.memory_space<vmem_shared>> -> memref<520x128xf32, #tpu.memory_space<vmem_shared>>
    tpu.wait_indirect_dma semaphore(%arg17 : memref<!tpu.dma_semaphore, #tpu.memory_space<semaphore_mem>>) src(%dma_wait3A_65 : memref<128x128xf32, #tpu.memory_space<vmem>>) dst(%dma_wait3A_68 : memref<520x128xf32, #tpu.memory_space<vmem_shared>>)
    "tpu.region"() ({
      %run_scoped3A = tpu.sem_alloc : memref<!tpu.dma_semaphore, #tpu.memory_space<semaphore_mem>>
      %dma_start3A_166 = arith.constant 0 : i32
      %dma_start3A_167 = arith.constant 0 : i32
      %dma_start3A_168 = tpu.memref_slice %arg12[%dma_start3A_166, %dma_start3A_167] : memref<128x128xf32, #tpu.memory_space<vmem>> -> memref<32x128xf32, #tpu.memory_space<vmem>>
      %dma_start3A_169 = arith.constant 0 : i32
      %dma_start3A_170 = tpu.memref_slice %arg13[%mul3A_6, %dma_start3A_169] : memref<520x128xf32, #tpu.memory_space<vmem_shared>> -> memref<32x128xf32, #tpu.memory_space<vmem_shared>>
      %dma_start3A_171 = arith.constant 0 : i32
      %dma_start3A_172 = arith.constant 0 : i32
      %dma_start3A_173 = tpu.memref_slice %arg12[%dma_start3A_171, %dma_start3A_172] : memref<128x128xf32, #tpu.memory_space<vmem>> -> memref<32x128xf32, #tpu.memory_space<vmem>>
      %dma_start3A_174 = arith.constant 0 : i32
      %dma_start3A_175 = tpu.memref_slice %arg13[%mul3A_6, %dma_start3A_174] : memref<520x128xf32, #tpu.memory_space<vmem_shared>> -> memref<32x128xf32, #tpu.memory_space<vmem_shared>>
      tpu.enqueue_dma source(%dma_start3A_175 : memref<32x128xf32, #tpu.memory_space<vmem_shared>>) target(%dma_start3A_173 : memref<32x128xf32, #tpu.memory_space<vmem>>) target_semaphore(%run_scoped3A : memref<!tpu.dma_semaphore, #tpu.memory_space<semaphore_mem>>)
      %dma_wait3A_176 = arith.constant 0 : i32
      %dma_wait3A_177 = arith.constant 0 : i32
      %dma_wait3A_178 = tpu.memref_slice %arg12[%dma_wait3A_176, %dma_wait3A_177] : memref<128x128xf32, #tpu.memory_space<vmem>> -> memref<32x128xf32, #tpu.memory_space<vmem>>
      %dma_wait3A_179 = arith.constant 0 : i32
      %dma_wait3A_180 = tpu.memref_slice %arg13[%mul3A_6, %dma_wait3A_179] : memref<520x128xf32, #tpu.memory_space<vmem_shared>> -> memref<32x128xf32, #tpu.memory_space<vmem_shared>>
      %dma_wait3A_181 = arith.constant 0 : i32
      %dma_wait3A_182 = arith.constant 0 : i32
      %dma_wait3A_183 = tpu.memref_slice %arg12[%dma_wait3A_181, %dma_wait3A_182] : memref<128x128xf32, #tpu.memory_space<vmem>> -> memref<32x128xf32, #tpu.memory_space<vmem>>
      %dma_wait3A_184 = arith.constant 0 : i32
      %dma_wait3A_185 = tpu.memref_slice %arg13[%mul3A_6, %dma_wait3A_184] : memref<520x128xf32, #tpu.memory_space<vmem_shared>> -> memref<32x128xf32, #tpu.memory_space<vmem_shared>>
      tpu.wait_dma2 semaphore(%run_scoped3A : memref<!tpu.dma_semaphore, #tpu.memory_space<semaphore_mem>>) src(%dma_wait3A_185 : memref<32x128xf32, #tpu.memory_space<vmem_shared>>) dst(%dma_wait3A_183 : memref<32x128xf32, #tpu.memory_space<vmem>>)
      tpu.yield
    }) : () -> ()
    "tpu.region"() ({
      %run_scoped3A = tpu.sem_alloc : memref<!tpu.dma_semaphore, #tpu.memory_space<semaphore_mem>>
      %dma_start3A_166 = arith.constant 32 : i32
      %dma_start3A_167 = arith.constant 0 : i32
      %dma_start3A_168 = tpu.memref_slice %arg12[%dma_start3A_166, %dma_start3A_167] : memref<128x128xf32, #tpu.memory_space<vmem>> -> memref<32x128xf32, #tpu.memory_space<vmem>>
      %dma_start3A_169 = arith.constant 0 : i32
      %dma_start3A_170 = tpu.memref_slice %arg13[%mul3A_6, %dma_start3A_169] : memref<520x128xf32, #tpu.memory_space<vmem_shared>> -> memref<32x128xf32, #tpu.memory_space<vmem_shared>>
      %dma_start3A_171 = arith.constant 0 : i32
      %dma_start3A_172 = tpu.memref_slice %arg13[%mul3A_6, %dma_start3A_171] : memref<520x128xf32, #tpu.memory_space<vmem_shared>> -> memref<32x128xf32, #tpu.memory_space<vmem_shared>>
      %dma_start3A_173 = arith.constant 32 : i32
      %dma_start3A_174 = arith.constant 0 : i32
      %dma_start3A_175 = tpu.memref_slice %arg12[%dma_start3A_173, %dma_start3A_174] : memref<128x128xf32, #tpu.memory_space<vmem>> -> memref<32x128xf32, #tpu.memory_space<vmem>>
      tpu.enqueue_dma source(%dma_start3A_175 : memref<32x128xf32, #tpu.memory_space<vmem>>) target(%dma_start3A_172 : memref<32x128xf32, #tpu.memory_space<vmem_shared>>) target_semaphore(%run_scoped3A : memref<!tpu.dma_semaphore, #tpu.memory_space<semaphore_mem>>)
      %dma_wait3A_176 = arith.constant 32 : i32
      %dma_wait3A_177 = arith.constant 0 : i32
      %dma_wait3A_178 = tpu.memref_slice %arg12[%dma_wait3A_176, %dma_wait3A_177] : memref<128x128xf32, #tpu.memory_space<vmem>> -> memref<32x128xf32, #tpu.memory_space<vmem>>
      %dma_wait3A_179 = arith.constant 0 : i32
      %dma_wait3A_180 = tpu.memref_slice %arg13[%mul3A_6, %dma_wait3A_179] : memref<520x128xf32, #tpu.memory_space<vmem_shared>> -> memref<32x128xf32, #tpu.memory_space<vmem_shared>>
      %dma_wait3A_181 = arith.constant 0 : i32
      %dma_wait3A_182 = tpu.memref_slice %arg13[%mul3A_6, %dma_wait3A_181] : memref<520x128xf32, #tpu.memory_space<vmem_shared>> -> memref<32x128xf32, #tpu.memory_space<vmem_shared>>
      %dma_wait3A_183 = arith.constant 32 : i32
      %dma_wait3A_184 = arith.constant 0 : i32
      %dma_wait3A_185 = tpu.memref_slice %arg12[%dma_wait3A_183, %dma_wait3A_184] : memref<128x128xf32, #tpu.memory_space<vmem>> -> memref<32x128xf32, #tpu.memory_space<vmem>>
      tpu.wait_dma2 semaphore(%run_scoped3A : memref<!tpu.dma_semaphore, #tpu.memory_space<semaphore_mem>>) src(%dma_wait3A_185 : memref<32x128xf32, #tpu.memory_space<vmem>>) dst(%dma_wait3A_182 : memref<32x128xf32, #tpu.memory_space<vmem_shared>>)
      tpu.yield
    }) : () -> ()
    %add3A_69 = arith.constant 6400 : i32
    %add3A_70 = arith.addi %mul3A_4, %add3A_69 : i32
    %dma_start3A_71 = arith.constant 0 : i32
    %dma_start3A_72 = arith.constant 0 : i32
    %dma_start3A_73 = arith.constant 0 : i32
    %dma_start3A_74 = tpu.memref_slice %arg8[%dma_start3A_71, %dma_start3A_72, %dma_start3A_73] : memref<2x128x128xf32, #tpu.memory_space<vmem>> -> memref<1x128x128xf32, #tpu.memory_space<vmem>>
    %dma_start3A_75 = tpu.memref_squeeze %dma_start3A_74 : memref<1x128x128xf32, #tpu.memory_space<vmem>> -> memref<128x128xf32, #tpu.memory_space<vmem>>
    %dma_start3A_76 = arith.constant 0 : i32
    %dma_start3A_77 = tpu.memref_slice %arg2[%add3A_70, %dma_start3A_76] : memref<819200x128xf32, #tpu.memory_space<hbm>> -> memref<128x128xf32, #tpu.memory_space<hbm>>
    %dma_start3A_78 = arith.constant 0 : i32
    %dma_start3A_79 = arith.constant 0 : i32
    %dma_start3A_80 = tpu.memref_slice %arg8[%dma_start3A_71, %dma_start3A_78, %dma_start3A_79] : memref<2x128x128xf32, #tpu.memory_space<vmem>> -> memref<1x128x128xf32, #tpu.memory_space<vmem>>
    %dma_start3A_81 = tpu.memref_squeeze %dma_start3A_80 : memref<1x128x128xf32, #tpu.memory_space<vmem>> -> memref<128x128xf32, #tpu.memory_space<vmem>>
    %dma_start3A_82 = arith.constant 0 : i32
    %dma_start3A_83 = tpu.memref_slice %arg2[%add3A_70, %dma_start3A_82] : memref<819200x128xf32, #tpu.memory_space<hbm>> -> memref<128x128xf32, #tpu.memory_space<hbm>>
    tpu.enqueue_dma source(%dma_start3A_83 : memref<128x128xf32, #tpu.memory_space<hbm>>) target(%dma_start3A_81 : memref<128x128xf32, #tpu.memory_space<vmem>>) target_semaphore(%arg14 : memref<!tpu.dma_semaphore, #tpu.memory_space<semaphore_mem>>)
    %scan3A_84 = arith.constant 0 : i32
    %scan3A_85 = arith.constant 0 : i32
    %scan3A_86 = arith.constant 25 : i32
    %scan3A_87 = arith.addi %scan3A_85, %scan3A_86 : i32
    %scan3A_88 = arith.constant 1 : i32
    %scan3A_89 = scf.for %scan3A_166 = %scan3A_85 to %scan3A_87 step %scan3A_88 iter_args(%scan3A_167 = %scan3A_84) -> (i32)  : i32 {
      %mul3A_168 = arith.constant 2 : i32
      %mul3A_169 = arith.muli %scan3A_166, %mul3A_168 : i32
      %add3A_170 = arith.constant 50 : i32
      %add3A_171 = arith.addi %add3A_170, %mul3A_169 : i32
      %mul3A_172 = arith.constant 128 : i32
      %mul3A_173 = arith.muli %add3A_171, %mul3A_172 : i32
      %add3A_174 = arith.addi %mul3A_4, %mul3A_173 : i32
      %dma_wait3A_175 = arith.constant 0 : i32
      %dma_wait3A_176 = arith.constant 0 : i32
      %dma_wait3A_177 = arith.constant 0 : i32
      %dma_wait3A_178 = tpu.memref_slice %arg8[%dma_wait3A_175, %dma_wait3A_176, %dma_wait3A_177] : memref<2x128x128xf32, #tpu.memory_space<vmem>> -> memref<1x128x128xf32, #tpu.memory_space<vmem>>
      %dma_wait3A_179 = tpu.memref_squeeze %dma_wait3A_178 : memref<1x128x128xf32, #tpu.memory_space<vmem>> -> memref<128x128xf32, #tpu.memory_space<vmem>>
      %dma_wait3A_180 = arith.constant 0 : i32
      %dma_wait3A_181 = tpu.memref_slice %arg2[%add3A_174, %dma_wait3A_180] : memref<819200x128xf32, #tpu.memory_space<hbm>> -> memref<128x128xf32, #tpu.memory_space<hbm>>
      %dma_wait3A_182 = arith.constant 0 : i32
      %dma_wait3A_183 = arith.constant 0 : i32
      %dma_wait3A_184 = tpu.memref_slice %arg8[%dma_wait3A_175, %dma_wait3A_182, %dma_wait3A_183] : memref<2x128x128xf32, #tpu.memory_space<vmem>> -> memref<1x128x128xf32, #tpu.memory_space<vmem>>
      %dma_wait3A_185 = tpu.memref_squeeze %dma_wait3A_184 : memref<1x128x128xf32, #tpu.memory_space<vmem>> -> memref<128x128xf32, #tpu.memory_space<vmem>>
      %dma_wait3A_186 = arith.constant 0 : i32
      %dma_wait3A_187 = tpu.memref_slice %arg2[%add3A_174, %dma_wait3A_186] : memref<819200x128xf32, #tpu.memory_space<hbm>> -> memref<128x128xf32, #tpu.memory_space<hbm>>
      tpu.wait_dma2 semaphore(%arg14 : memref<!tpu.dma_semaphore, #tpu.memory_space<semaphore_mem>>) src(%dma_wait3A_187 : memref<128x128xf32, #tpu.memory_space<hbm>>) dst(%dma_wait3A_185 : memref<128x128xf32, #tpu.memory_space<vmem>>)
      %mul3A_188 = arith.constant 128 : i32
      %mul3A_189 = arith.muli %add3A_171, %mul3A_188 : i32
      %add3A_190 = arith.constant 0 : i32
      %add3A_191 = arith.addi %mul3A_189, %add3A_190 : i32
      %get3A = arith.index_cast %add3A_171 : i32 to index
      %get3A_192 = arith.constant 0 : index
      %get3A_193 = tpu.vector_load %arg7[%get3A, %get3A_192] {strides = array<i32>} : memref<200x128xf32, #tpu.memory_space<vmem>>, vector<1x16xf32>,
      %get3A_194 = vector.shape_cast %get3A_193 : vector<1x16xf32> to vector<16xf32>
      %add3A_195 = vector.broadcast %add3A_191 : i32 to vector<16xi32>
      %add3A_196 = arith.addi %add3A_195, %iota3A : vector<16xi32>
      %div3A = arith.constant 200 : i32
      %div3A_197 = vector.broadcast %div3A : i32 to vector<16xi32>
      %div3A_198 = arith.divsi %add3A_196, %div3A_197 : vector<16xi32>
      %sub3A = arith.constant 32 : i32
      %sub3A_199 = vector.broadcast %sub3A : i32 to vector<16xi32>
      %sub3A_200 = arith.subi %div3A_198, %sub3A_199 : vector<16xi32>
      %gt3A = arith.constant 0.000000e+00 : f32
      %gt3A_201 = vector.broadcast %gt3A : f32 to vector<16xf32>
      %gt3A_202 = arith.cmpf ogt, %get3A_194, %gt3A_201 : vector<16xf32>
      %add3A_203 = vector.broadcast %mul3A_6 : i32 to vector<16xi32>
      %add3A_204 = arith.addi %add3A_203, %sub3A_200 : vector<16xi32>
      %jit3A = arith.constant 512 : i32
      %broadcast_in_dim3A_205 = vector.broadcast %jit3A : i32 to vector<16xi32>
      %select_n3A = arith.select %gt3A_202, %add3A_204, %broadcast_in_dim3A_205 : vector<16xi1>, vector<16xi32>
      %swap3A = arith.constant 0 : index
      %swap3A_206 = tpu.vector_load %arg9[%swap3A] {strides = array<i32>} : memref<128xi32, #tpu.memory_space<vmem>>, vector<16xi32>,
      %swap3A_207 = vector.shape_cast %swap3A_206 : vector<16xi32> to vector<16xi32>
      %swap3A_208 = vector.shape_cast %select_n3A : vector<16xi32> to vector<16xi32>
      tpu.vector_store %arg9[%swap3A], %swap3A_208 {strides = array<i32>} : memref<128xi32, #tpu.memory_space<vmem>>, vector<16xi32>,
      %add3A_209 = arith.constant 16 : i32
      %add3A_210 = arith.addi %mul3A_189, %add3A_209 : i32
      %get3A_211 = arith.index_cast %add3A_171 : i32 to index
      %get3A_212 = arith.constant 16 : index
      %get3A_213 = tpu.vector_load %arg7[%get3A_211, %get3A_212] {strides = array<i32>} : memref<200x128xf32, #tpu.memory_space<vmem>>, vector<1x16xf32>,
      %get3A_214 = vector.shape_cast %get3A_213 : vector<1x16xf32> to vector<16xf32>
      %add3A_215 = vector.broadcast %add3A_210 : i32 to vector<16xi32>
      %add3A_216 = arith.addi %add3A_215, %iota3A : vector<16xi32>
      %div3A_217 = arith.constant 200 : i32
      %div3A_218 = vector.broadcast %div3A_217 : i32 to vector<16xi32>
      %div3A_219 = arith.divsi %add3A_216, %div3A_218 : vector<16xi32>
      %sub3A_220 = arith.constant 32 : i32
      %sub3A_221 = vector.broadcast %sub3A_220 : i32 to vector<16xi32>
      %sub3A_222 = arith.subi %div3A_219, %sub3A_221 : vector<16xi32>
      %gt3A_223 = arith.constant 0.000000e+00 : f32
      %gt3A_224 = vector.broadcast %gt3A_223 : f32 to vector<16xf32>
      %gt3A_225 = arith.cmpf ogt, %get3A_214, %gt3A_224 : vector<16xf32>
      %add3A_226 = vector.broadcast %mul3A_6 : i32 to vector<16xi32>
      %add3A_227 = arith.addi %add3A_226, %sub3A_222 : vector<16xi32>
      %jit3A_228 = arith.constant 512 : i32
      %broadcast_in_dim3A_229 = vector.broadcast %jit3A_228 : i32 to vector<16xi32>
      %select_n3A_230 = arith.select %gt3A_225, %add3A_227, %broadcast_in_dim3A_229 : vector<16xi1>, vector<16xi32>
      %swap3A_231 = arith.constant 16 : index
      %swap3A_232 = tpu.vector_load %arg9[%swap3A_231] {strides = array<i32>} : memref<128xi32, #tpu.memory_space<vmem>>, vector<16xi32>,
      %swap3A_233 = vector.shape_cast %swap3A_232 : vector<16xi32> to vector<16xi32>
      %swap3A_234 = vector.shape_cast %select_n3A_230 : vector<16xi32> to vector<16xi32>
      tpu.vector_store %arg9[%swap3A_231], %swap3A_234 {strides = array<i32>} : memref<128xi32, #tpu.memory_space<vmem>>, vector<16xi32>,
      %add3A_235 = arith.constant 32 : i32
      %add3A_236 = arith.addi %mul3A_189, %add3A_235 : i32
      %get3A_237 = arith.index_cast %add3A_171 : i32 to index
      %get3A_238 = arith.constant 32 : index
      %get3A_239 = tpu.vector_load %arg7[%get3A_237, %get3A_238] {strides = array<i32>} : memref<200x128xf32, #tpu.memory_space<vmem>>, vector<1x16xf32>,
      %get3A_240 = vector.shape_cast %get3A_239 : vector<1x16xf32> to vector<16xf32>
      %add3A_241 = vector.broadcast %add3A_236 : i32 to vector<16xi32>
      %add3A_242 = arith.addi %add3A_241, %iota3A : vector<16xi32>
      %div3A_243 = arith.constant 200 : i32
      %div3A_244 = vector.broadcast %div3A_243 : i32 to vector<16xi32>
      %div3A_245 = arith.divsi %add3A_242, %div3A_244 : vector<16xi32>
      %sub3A_246 = arith.constant 32 : i32
      %sub3A_247 = vector.broadcast %sub3A_246 : i32 to vector<16xi32>
      %sub3A_248 = arith.subi %div3A_245, %sub3A_247 : vector<16xi32>
      %gt3A_249 = arith.constant 0.000000e+00 : f32
      %gt3A_250 = vector.broadcast %gt3A_249 : f32 to vector<16xf32>
      %gt3A_251 = arith.cmpf ogt, %get3A_240, %gt3A_250 : vector<16xf32>
      %add3A_252 = vector.broadcast %mul3A_6 : i32 to vector<16xi32>
      %add3A_253 = arith.addi %add3A_252, %sub3A_248 : vector<16xi32>
      %jit3A_254 = arith.constant 512 : i32
      %broadcast_in_dim3A_255 = vector.broadcast %jit3A_254 : i32 to vector<16xi32>
      %select_n3A_256 = arith.select %gt3A_251, %add3A_253, %broadcast_in_dim3A_255 : vector<16xi1>, vector<16xi32>
      %swap3A_257 = arith.constant 32 : index
      %swap3A_258 = tpu.vector_load %arg9[%swap3A_257] {strides = array<i32>} : memref<128xi32, #tpu.memory_space<vmem>>, vector<16xi32>,
      %swap3A_259 = vector.shape_cast %swap3A_258 : vector<16xi32> to vector<16xi32>
      %swap3A_260 = vector.shape_cast %select_n3A_256 : vector<16xi32> to vector<16xi32>
      tpu.vector_store %arg9[%swap3A_257], %swap3A_260 {strides = array<i32>} : memref<128xi32, #tpu.memory_space<vmem>>, vector<16xi32>,
      %add3A_261 = arith.constant 48 : i32
      %add3A_262 = arith.addi %mul3A_189, %add3A_261 : i32
      %get3A_263 = arith.index_cast %add3A_171 : i32 to index
      %get3A_264 = arith.constant 48 : index
      %get3A_265 = tpu.vector_load %arg7[%get3A_263, %get3A_264] {strides = array<i32>} : memref<200x128xf32, #tpu.memory_space<vmem>>, vector<1x16xf32>,
      %get3A_266 = vector.shape_cast %get3A_265 : vector<1x16xf32> to vector<16xf32>
      %add3A_267 = vector.broadcast %add3A_262 : i32 to vector<16xi32>
      %add3A_268 = arith.addi %add3A_267, %iota3A : vector<16xi32>
      %div3A_269 = arith.constant 200 : i32
      %div3A_270 = vector.broadcast %div3A_269 : i32 to vector<16xi32>
      %div3A_271 = arith.divsi %add3A_268, %div3A_270 : vector<16xi32>
      %sub3A_272 = arith.constant 32 : i32
      %sub3A_273 = vector.broadcast %sub3A_272 : i32 to vector<16xi32>
      %sub3A_274 = arith.subi %div3A_271, %sub3A_273 : vector<16xi32>
      %gt3A_275 = arith.constant 0.000000e+00 : f32
      %gt3A_276 = vector.broadcast %gt3A_275 : f32 to vector<16xf32>
      %gt3A_277 = arith.cmpf ogt, %get3A_266, %gt3A_276 : vector<16xf32>
      %add3A_278 = vector.broadcast %mul3A_6 : i32 to vector<16xi32>
      %add3A_279 = arith.addi %add3A_278, %sub3A_274 : vector<16xi32>
      %jit3A_280 = arith.constant 512 : i32
      %broadcast_in_dim3A_281 = vector.broadcast %jit3A_280 : i32 to vector<16xi32>
      %select_n3A_282 = arith.select %gt3A_277, %add3A_279, %broadcast_in_dim3A_281 : vector<16xi1>, vector<16xi32>
      %swap3A_283 = arith.constant 48 : index
      %swap3A_284 = tpu.vector_load %arg9[%swap3A_283] {strides = array<i32>} : memref<128xi32, #tpu.memory_space<vmem>>, vector<16xi32>,
      %swap3A_285 = vector.shape_cast %swap3A_284 : vector<16xi32> to vector<16xi32>
      %swap3A_286 = vector.shape_cast %select_n3A_282 : vector<16xi32> to vector<16xi32>
      tpu.vector_store %arg9[%swap3A_283], %swap3A_286 {strides = array<i32>} : memref<128xi32, #tpu.memory_space<vmem>>, vector<16xi32>,
      %add3A_287 = arith.constant 64 : i32
      %add3A_288 = arith.addi %mul3A_189, %add3A_287 : i32
      %get3A_289 = arith.index_cast %add3A_171 : i32 to index
      %get3A_290 = arith.constant 64 : index
      %get3A_291 = tpu.vector_load %arg7[%get3A_289, %get3A_290] {strides = array<i32>} : memref<200x128xf32, #tpu.memory_space<vmem>>, vector<1x16xf32>,
      %get3A_292 = vector.shape_cast %get3A_291 : vector<1x16xf32> to vector<16xf32>
      %add3A_293 = vector.broadcast %add3A_288 : i32 to vector<16xi32>
      %add3A_294 = arith.addi %add3A_293, %iota3A : vector<16xi32>
      %div3A_295 = arith.constant 200 : i32
      %div3A_296 = vector.broadcast %div3A_295 : i32 to vector<16xi32>
      %div3A_297 = arith.divsi %add3A_294, %div3A_296 : vector<16xi32>
      %sub3A_298 = arith.constant 32 : i32
      %sub3A_299 = vector.broadcast %sub3A_298 : i32 to vector<16xi32>
      %sub3A_300 = arith.subi %div3A_297, %sub3A_299 : vector<16xi32>
      %gt3A_301 = arith.constant 0.000000e+00 : f32
      %gt3A_302 = vector.broadcast %gt3A_301 : f32 to vector<16xf32>
      %gt3A_303 = arith.cmpf ogt, %get3A_292, %gt3A_302 : vector<16xf32>
      %add3A_304 = vector.broadcast %mul3A_6 : i32 to vector<16xi32>
      %add3A_305 = arith.addi %add3A_304, %sub3A_300 : vector<16xi32>
      %jit3A_306 = arith.constant 512 : i32
      %broadcast_in_dim3A_307 = vector.broadcast %jit3A_306 : i32 to vector<16xi32>
      %select_n3A_308 = arith.select %gt3A_303, %add3A_305, %broadcast_in_dim3A_307 : vector<16xi1>, vector<16xi32>
      %swap3A_309 = arith.constant 64 : index
      %swap3A_310 = tpu.vector_load %arg9[%swap3A_309] {strides = array<i32>} : memref<128xi32, #tpu.memory_space<vmem>>, vector<16xi32>,
      %swap3A_311 = vector.shape_cast %swap3A_310 : vector<16xi32> to vector<16xi32>
      %swap3A_312 = vector.shape_cast %select_n3A_308 : vector<16xi32> to vector<16xi32>
      tpu.vector_store %arg9[%swap3A_309], %swap3A_312 {strides = array<i32>} : memref<128xi32, #tpu.memory_space<vmem>>, vector<16xi32>,
      %add3A_313 = arith.constant 80 : i32
      %add3A_314 = arith.addi %mul3A_189, %add3A_313 : i32
      %get3A_315 = arith.index_cast %add3A_171 : i32 to index
      %get3A_316 = arith.constant 80 : index
      %get3A_317 = tpu.vector_load %arg7[%get3A_315, %get3A_316] {strides = array<i32>} : memref<200x128xf32, #tpu.memory_space<vmem>>, vector<1x16xf32>,
      %get3A_318 = vector.shape_cast %get3A_317 : vector<1x16xf32> to vector<16xf32>
      %add3A_319 = vector.broadcast %add3A_314 : i32 to vector<16xi32>
      %add3A_320 = arith.addi %add3A_319, %iota3A : vector<16xi32>
      %div3A_321 = arith.constant 200 : i32
      %div3A_322 = vector.broadcast %div3A_321 : i32 to vector<16xi32>
      %div3A_323 = arith.divsi %add3A_320, %div3A_322 : vector<16xi32>
      %sub3A_324 = arith.constant 32 : i32
      %sub3A_325 = vector.broadcast %sub3A_324 : i32 to vector<16xi32>
      %sub3A_326 = arith.subi %div3A_323, %sub3A_325 : vector<16xi32>
      %gt3A_327 = arith.constant 0.000000e+00 : f32
      %gt3A_328 = vector.broadcast %gt3A_327 : f32 to vector<16xf32>
      %gt3A_329 = arith.cmpf ogt, %get3A_318, %gt3A_328 : vector<16xf32>
      %add3A_330 = vector.broadcast %mul3A_6 : i32 to vector<16xi32>
      %add3A_331 = arith.addi %add3A_330, %sub3A_326 : vector<16xi32>
      %jit3A_332 = arith.constant 512 : i32
      %broadcast_in_dim3A_333 = vector.broadcast %jit3A_332 : i32 to vector<16xi32>
      %select_n3A_334 = arith.select %gt3A_329, %add3A_331, %broadcast_in_dim3A_333 : vector<16xi1>, vector<16xi32>
      %swap3A_335 = arith.constant 80 : index
      %swap3A_336 = tpu.vector_load %arg9[%swap3A_335] {strides = array<i32>} : memref<128xi32, #tpu.memory_space<vmem>>, vector<16xi32>,
      %swap3A_337 = vector.shape_cast %swap3A_336 : vector<16xi32> to vector<16xi32>
      %swap3A_338 = vector.shape_cast %select_n3A_334 : vector<16xi32> to vector<16xi32>
      tpu.vector_store %arg9[%swap3A_335], %swap3A_338 {strides = array<i32>} : memref<128xi32, #tpu.memory_space<vmem>>, vector<16xi32>,
      %add3A_339 = arith.constant 96 : i32
      %add3A_340 = arith.addi %mul3A_189, %add3A_339 : i32
      %get3A_341 = arith.index_cast %add3A_171 : i32 to index
      %get3A_342 = arith.constant 96 : index
      %get3A_343 = tpu.vector_load %arg7[%get3A_341, %get3A_342] {strides = array<i32>} : memref<200x128xf32, #tpu.memory_space<vmem>>, vector<1x16xf32>,
      %get3A_344 = vector.shape_cast %get3A_343 : vector<1x16xf32> to vector<16xf32>
      %add3A_345 = vector.broadcast %add3A_340 : i32 to vector<16xi32>
      %add3A_346 = arith.addi %add3A_345, %iota3A : vector<16xi32>
      %div3A_347 = arith.constant 200 : i32
      %div3A_348 = vector.broadcast %div3A_347 : i32 to vector<16xi32>
      %div3A_349 = arith.divsi %add3A_346, %div3A_348 : vector<16xi32>
      %sub3A_350 = arith.constant 32 : i32
      %sub3A_351 = vector.broadcast %sub3A_350 : i32 to vector<16xi32>
      %sub3A_352 = arith.subi %div3A_349, %sub3A_351 : vector<16xi32>
      %gt3A_353 = arith.constant 0.000000e+00 : f32
      %gt3A_354 = vector.broadcast %gt3A_353 : f32 to vector<16xf32>
      %gt3A_355 = arith.cmpf ogt, %get3A_344, %gt3A_354 : vector<16xf32>
      %add3A_356 = vector.broadcast %mul3A_6 : i32 to vector<16xi32>
      %add3A_357 = arith.addi %add3A_356, %sub3A_352 : vector<16xi32>
      %jit3A_358 = arith.constant 512 : i32
      %broadcast_in_dim3A_359 = vector.broadcast %jit3A_358 : i32 to vector<16xi32>
      %select_n3A_360 = arith.select %gt3A_355, %add3A_357, %broadcast_in_dim3A_359 : vector<16xi1>, vector<16xi32>
      %swap3A_361 = arith.constant 96 : index
      %swap3A_362 = tpu.vector_load %arg9[%swap3A_361] {strides = array<i32>} : memref<128xi32, #tpu.memory_space<vmem>>, vector<16xi32>,
      %swap3A_363 = vector.shape_cast %swap3A_362 : vector<16xi32> to vector<16xi32>
      %swap3A_364 = vector.shape_cast %select_n3A_360 : vector<16xi32> to vector<16xi32>
      tpu.vector_store %arg9[%swap3A_361], %swap3A_364 {strides = array<i32>} : memref<128xi32, #tpu.memory_space<vmem>>, vector<16xi32>,
      %add3A_365 = arith.constant 112 : i32
      %add3A_366 = arith.addi %mul3A_189, %add3A_365 : i32
      %get3A_367 = arith.index_cast %add3A_171 : i32 to index
      %get3A_368 = arith.constant 112 : index
      %get3A_369 = tpu.vector_load %arg7[%get3A_367, %get3A_368] {strides = array<i32>} : memref<200x128xf32, #tpu.memory_space<vmem>>, vector<1x16xf32>,
      %get3A_370 = vector.shape_cast %get3A_369 : vector<1x16xf32> to vector<16xf32>
      %add3A_371 = vector.broadcast %add3A_366 : i32 to vector<16xi32>
      %add3A_372 = arith.addi %add3A_371, %iota3A : vector<16xi32>
      %div3A_373 = arith.constant 200 : i32
      %div3A_374 = vector.broadcast %div3A_373 : i32 to vector<16xi32>
      %div3A_375 = arith.divsi %add3A_372, %div3A_374 : vector<16xi32>
      %sub3A_376 = arith.constant 32 : i32
      %sub3A_377 = vector.broadcast %sub3A_376 : i32 to vector<16xi32>
      %sub3A_378 = arith.subi %div3A_375, %sub3A_377 : vector<16xi32>
      %gt3A_379 = arith.constant 0.000000e+00 : f32
      %gt3A_380 = vector.broadcast %gt3A_379 : f32 to vector<16xf32>
      %gt3A_381 = arith.cmpf ogt, %get3A_370, %gt3A_380 : vector<16xf32>
      %add3A_382 = vector.broadcast %mul3A_6 : i32 to vector<16xi32>
      %add3A_383 = arith.addi %add3A_382, %sub3A_378 : vector<16xi32>
      %jit3A_384 = arith.constant 512 : i32
      %broadcast_in_dim3A_385 = vector.broadcast %jit3A_384 : i32 to vector<16xi32>
      %select_n3A_386 = arith.select %gt3A_381, %add3A_383, %broadcast_in_dim3A_385 : vector<16xi1>, vector<16xi32>
      %swap3A_387 = arith.constant 112 : index
      %swap3A_388 = tpu.vector_load %arg9[%swap3A_387] {strides = array<i32>} : memref<128xi32, #tpu.memory_space<vmem>>, vector<16xi32>,
      %swap3A_389 = vector.shape_cast %swap3A_388 : vector<16xi32> to vector<16xi32>
      %swap3A_390 = vector.shape_cast %select_n3A_386 : vector<16xi32> to vector<16xi32>
      tpu.vector_store %arg9[%swap3A_387], %swap3A_390 {strides = array<i32>} : memref<128xi32, #tpu.memory_space<vmem>>, vector<16xi32>,
      %dma_start3A_391 = arith.constant 0 : i32
      %dma_start3A_392 = arith.constant 0 : i32
      %dma_start3A_393 = arith.constant 0 : i32
      %dma_start3A_394 = tpu.memref_slice %arg8[%dma_start3A_391, %dma_start3A_392, %dma_start3A_393] : memref<2x128x128xf32, #tpu.memory_space<vmem>> -> memref<1x128x128xf32, #tpu.memory_space<vmem>>
      %dma_start3A_395 = tpu.memref_squeeze %dma_start3A_394 : memref<1x128x128xf32, #tpu.memory_space<vmem>> -> memref<128x128xf32, #tpu.memory_space<vmem>>
      %dma_start3A_396 = arith.constant 0 : i32
      %dma_start3A_397 = arith.constant 0 : i32
      %dma_start3A_398 = tpu.memref_slice %arg13[%dma_start3A_396, %dma_start3A_397] : memref<520x128xf32, #tpu.memory_space<vmem_shared>> -> memref<520x128xf32, #tpu.memory_space<vmem_shared>>
      tpu.enqueue_indirect_dma source(%dma_start3A_395 : memref<128x128xf32, #tpu.memory_space<vmem>>) target(%dma_start3A_398 : memref<520x128xf32, #tpu.memory_space<vmem_shared>>) offsets(%arg9 : memref<128xi32, #tpu.memory_space<vmem>>) semaphore(%arg16 : memref<!tpu.dma_semaphore, #tpu.memory_space<semaphore_mem>>) {add = true}
      %gt3A_399 = arith.constant 0 : i32
      %gt3A_400 = arith.cmpi sgt, %scan3A_166, %gt3A_399 : i32
      %convert_element_type3A = arith.extui %gt3A_400 : i1 to i32
      %cond3A = arith.constant 0 : i32
      %cond3A_401 = arith.cmpi ne, %convert_element_type3A, %cond3A : i32
      scf.if %cond3A_401 {
        %dma_wait3A_673 = arith.constant 1 : i32
        %dma_wait3A_674 = arith.constant 0 : i32
        %dma_wait3A_675 = arith.constant 0 : i32
        %dma_wait3A_676 = tpu.memref_slice %arg8[%dma_wait3A_673, %dma_wait3A_674, %dma_wait3A_675] : memref<2x128x128xf32, #tpu.memory_space<vmem>> -> memref<1x128x128xf32, #tpu.memory_space<vmem>>
        %dma_wait3A_677 = tpu.memref_squeeze %dma_wait3A_676 : memref<1x128x128xf32, #tpu.memory_space<vmem>> -> memref<128x128xf32, #tpu.memory_space<vmem>>
        %dma_wait3A_678 = arith.constant 0 : i32
        %dma_wait3A_679 = arith.constant 0 : i32
        %dma_wait3A_680 = tpu.memref_slice %arg13[%dma_wait3A_678, %dma_wait3A_679] : memref<520x128xf32, #tpu.memory_space<vmem_shared>> -> memref<520x128xf32, #tpu.memory_space<vmem_shared>>
        tpu.wait_indirect_dma semaphore(%arg17 : memref<!tpu.dma_semaphore, #tpu.memory_space<semaphore_mem>>) src(%dma_wait3A_677 : memref<128x128xf32, #tpu.memory_space<vmem>>) dst(%dma_wait3A_680 : memref<520x128xf32, #tpu.memory_space<vmem_shared>>)
      } else {
      }
      %add3A_402 = arith.constant 1 : i32
      %add3A_403 = arith.addi %add3A_171, %add3A_402 : i32
      %mul3A_404 = arith.constant 128 : i32
      %mul3A_405 = arith.muli %add3A_403, %mul3A_404 : i32
      %add3A_406 = arith.addi %mul3A_4, %mul3A_405 : i32
      %dma_start3A_407 = arith.constant 1 : i32
      %dma_start3A_408 = arith.constant 0 : i32
      %dma_start3A_409 = arith.constant 0 : i32
      %dma_start3A_410 = tpu.memref_slice %arg8[%dma_start3A_407, %dma_start3A_408, %dma_start3A_409] : memref<2x128x128xf32, #tpu.memory_space<vmem>> -> memref<1x128x128xf32, #tpu.memory_space<vmem>>
      %dma_start3A_411 = tpu.memref_squeeze %dma_start3A_410 : memref<1x128x128xf32, #tpu.memory_space<vmem>> -> memref<128x128xf32, #tpu.memory_space<vmem>>
      %dma_start3A_412 = arith.constant 0 : i32
      %dma_start3A_413 = tpu.memref_slice %arg2[%add3A_406, %dma_start3A_412] : memref<819200x128xf32, #tpu.memory_space<hbm>> -> memref<128x128xf32, #tpu.memory_space<hbm>>
      %dma_start3A_414 = arith.constant 0 : i32
      %dma_start3A_415 = arith.constant 0 : i32
      %dma_start3A_416 = tpu.memref_slice %arg8[%dma_start3A_407, %dma_start3A_414, %dma_start3A_415] : memref<2x128x128xf32, #tpu.memory_space<vmem>> -> memref<1x128x128xf32, #tpu.memory_space<vmem>>
      %dma_start3A_417 = tpu.memref_squeeze %dma_start3A_416 : memref<1x128x128xf32, #tpu.memory_space<vmem>> -> memref<128x128xf32, #tpu.memory_space<vmem>>
      %dma_start3A_418 = arith.constant 0 : i32
      %dma_start3A_419 = tpu.memref_slice %arg2[%add3A_406, %dma_start3A_418] : memref<819200x128xf32, #tpu.memory_space<hbm>> -> memref<128x128xf32, #tpu.memory_space<hbm>>
      tpu.enqueue_dma source(%dma_start3A_419 : memref<128x128xf32, #tpu.memory_space<hbm>>) target(%dma_start3A_417 : memref<128x128xf32, #tpu.memory_space<vmem>>) target_semaphore(%arg15 : memref<!tpu.dma_semaphore, #tpu.memory_space<semaphore_mem>>)
      %add3A_420 = arith.constant 1 : i32
      %add3A_421 = arith.addi %add3A_171, %add3A_420 : i32
      %mul3A_422 = arith.constant 128 : i32
      %mul3A_423 = arith.muli %add3A_421, %mul3A_422 : i32
      %add3A_424 = arith.addi %mul3A_4, %mul3A_423 : i32
      %dma_wait3A_425 = arith.constant 1 : i32
      %dma_wait3A_426 = arith.constant 0 : i32
      %dma_wait3A_427 = arith.constant 0 : i32
      %dma_wait3A_428 = tpu.memref_slice %arg8[%dma_wait3A_425, %dma_wait3A_426, %dma_wait3A_427] : memref<2x128x128xf32, #tpu.memory_space<vmem>> -> memref<1x128x128xf32, #tpu.memory_space<vmem>>
      %dma_wait3A_429 = tpu.memref_squeeze %dma_wait3A_428 : memref<1x128x128xf32, #tpu.memory_space<vmem>> -> memref<128x128xf32, #tpu.memory_space<vmem>>
      %dma_wait3A_430 = arith.constant 0 : i32
      %dma_wait3A_431 = tpu.memref_slice %arg2[%add3A_424, %dma_wait3A_430] : memref<819200x128xf32, #tpu.memory_space<hbm>> -> memref<128x128xf32, #tpu.memory_space<hbm>>
      %dma_wait3A_432 = arith.constant 0 : i32
      %dma_wait3A_433 = arith.constant 0 : i32
      %dma_wait3A_434 = tpu.memref_slice %arg8[%dma_wait3A_425, %dma_wait3A_432, %dma_wait3A_433] : memref<2x128x128xf32, #tpu.memory_space<vmem>> -> memref<1x128x128xf32, #tpu.memory_space<vmem>>
      %dma_wait3A_435 = tpu.memref_squeeze %dma_wait3A_434 : memref<1x128x128xf32, #tpu.memory_space<vmem>> -> memref<128x128xf32, #tpu.memory_space<vmem>>
      %dma_wait3A_436 = arith.constant 0 : i32
      %dma_wait3A_437 = tpu.memref_slice %arg2[%add3A_424, %dma_wait3A_436] : memref<819200x128xf32, #tpu.memory_space<hbm>> -> memref<128x128xf32, #tpu.memory_space<hbm>>
      tpu.wait_dma2 semaphore(%arg15 : memref<!tpu.dma_semaphore, #tpu.memory_space<semaphore_mem>>) src(%dma_wait3A_437 : memref<128x128xf32, #tpu.memory_space<hbm>>) dst(%dma_wait3A_435 : memref<128x128xf32, #tpu.memory_space<vmem>>)
      %add3A_438 = arith.constant 1 : i32
      %add3A_439 = arith.addi %add3A_171, %add3A_438 : i32
      %mul3A_440 = arith.constant 128 : i32
      %mul3A_441 = arith.muli %add3A_439, %mul3A_440 : i32
      %add3A_442 = arith.constant 0 : i32
      %add3A_443 = arith.addi %mul3A_441, %add3A_442 : i32
      %get3A_444 = arith.index_cast %add3A_439 : i32 to index
      %get3A_445 = arith.constant 0 : index
      %get3A_446 = tpu.vector_load %arg7[%get3A_444, %get3A_445] {strides = array<i32>} : memref<200x128xf32, #tpu.memory_space<vmem>>, vector<1x16xf32>,
      %get3A_447 = vector.shape_cast %get3A_446 : vector<1x16xf32> to vector<16xf32>
      %add3A_448 = vector.broadcast %add3A_443 : i32 to vector<16xi32>
      %add3A_449 = arith.addi %add3A_448, %iota3A : vector<16xi32>
      %div3A_450 = arith.constant 200 : i32
      %div3A_451 = vector.broadcast %div3A_450 : i32 to vector<16xi32>
      %div3A_452 = arith.divsi %add3A_449, %div3A_451 : vector<16xi32>
      %sub3A_453 = arith.constant 32 : i32
      %sub3A_454 = vector.broadcast %sub3A_453 : i32 to vector<16xi32>
      %sub3A_455 = arith.subi %div3A_452, %sub3A_454 : vector<16xi32>
      %gt3A_456 = arith.constant 0.000000e+00 : f32
      %gt3A_457 = vector.broadcast %gt3A_456 : f32 to vector<16xf32>
      %gt3A_458 = arith.cmpf ogt, %get3A_447, %gt3A_457 : vector<16xf32>
      %add3A_459 = vector.broadcast %mul3A_6 : i32 to vector<16xi32>
      %add3A_460 = arith.addi %add3A_459, %sub3A_455 : vector<16xi32>
      %jit3A_461 = arith.constant 512 : i32
      %broadcast_in_dim3A_462 = vector.broadcast %jit3A_461 : i32 to vector<16xi32>
      %select_n3A_463 = arith.select %gt3A_458, %add3A_460, %broadcast_in_dim3A_462 : vector<16xi1>, vector<16xi32>
      %swap3A_464 = arith.constant 0 : index
      %swap3A_465 = tpu.vector_load %arg10[%swap3A_464] {strides = array<i32>} : memref<128xi32, #tpu.memory_space<vmem>>, vector<16xi32>,
      %swap3A_466 = vector.shape_cast %swap3A_465 : vector<16xi32> to vector<16xi32>
      %swap3A_467 = vector.shape_cast %select_n3A_463 : vector<16xi32> to vector<16xi32>
      tpu.vector_store %arg10[%swap3A_464], %swap3A_467 {strides = array<i32>} : memref<128xi32, #tpu.memory_space<vmem>>, vector<16xi32>,
      %add3A_468 = arith.constant 16 : i32
      %add3A_469 = arith.addi %mul3A_441, %add3A_468 : i32
      %get3A_470 = arith.index_cast %add3A_439 : i32 to index
      %get3A_471 = arith.constant 16 : index
      %get3A_472 = tpu.vector_load %arg7[%get3A_470, %get3A_471] {strides = array<i32>} : memref<200x128xf32, #tpu.memory_space<vmem>>, vector<1x16xf32>,
      %get3A_473 = vector.shape_cast %get3A_472 : vector<1x16xf32> to vector<16xf32>
      %add3A_474 = vector.broadcast %add3A_469 : i32 to vector<16xi32>
      %add3A_475 = arith.addi %add3A_474, %iota3A : vector<16xi32>
      %div3A_476 = arith.constant 200 : i32
      %div3A_477 = vector.broadcast %div3A_476 : i32 to vector<16xi32>
      %div3A_478 = arith.divsi %add3A_475, %div3A_477 : vector<16xi32>
      %sub3A_479 = arith.constant 32 : i32
      %sub3A_480 = vector.broadcast %sub3A_479 : i32 to vector<16xi32>
      %sub3A_481 = arith.subi %div3A_478, %sub3A_480 : vector<16xi32>
      %gt3A_482 = arith.constant 0.000000e+00 : f32
      %gt3A_483 = vector.broadcast %gt3A_482 : f32 to vector<16xf32>
      %gt3A_484 = arith.cmpf ogt, %get3A_473, %gt3A_483 : vector<16xf32>
      %add3A_485 = vector.broadcast %mul3A_6 : i32 to vector<16xi32>
      %add3A_486 = arith.addi %add3A_485, %sub3A_481 : vector<16xi32>
      %jit3A_487 = arith.constant 512 : i32
      %broadcast_in_dim3A_488 = vector.broadcast %jit3A_487 : i32 to vector<16xi32>
      %select_n3A_489 = arith.select %gt3A_484, %add3A_486, %broadcast_in_dim3A_488 : vector<16xi1>, vector<16xi32>
      %swap3A_490 = arith.constant 16 : index
      %swap3A_491 = tpu.vector_load %arg10[%swap3A_490] {strides = array<i32>} : memref<128xi32, #tpu.memory_space<vmem>>, vector<16xi32>,
      %swap3A_492 = vector.shape_cast %swap3A_491 : vector<16xi32> to vector<16xi32>
      %swap3A_493 = vector.shape_cast %select_n3A_489 : vector<16xi32> to vector<16xi32>
      tpu.vector_store %arg10[%swap3A_490], %swap3A_493 {strides = array<i32>} : memref<128xi32, #tpu.memory_space<vmem>>, vector<16xi32>,
      %add3A_494 = arith.constant 32 : i32
      %add3A_495 = arith.addi %mul3A_441, %add3A_494 : i32
      %get3A_496 = arith.index_cast %add3A_439 : i32 to index
      %get3A_497 = arith.constant 32 : index
      %get3A_498 = tpu.vector_load %arg7[%get3A_496, %get3A_497] {strides = array<i32>} : memref<200x128xf32, #tpu.memory_space<vmem>>, vector<1x16xf32>,
      %get3A_499 = vector.shape_cast %get3A_498 : vector<1x16xf32> to vector<16xf32>
      %add3A_500 = vector.broadcast %add3A_495 : i32 to vector<16xi32>
      %add3A_501 = arith.addi %add3A_500, %iota3A : vector<16xi32>
      %div3A_502 = arith.constant 200 : i32
      %div3A_503 = vector.broadcast %div3A_502 : i32 to vector<16xi32>
      %div3A_504 = arith.divsi %add3A_501, %div3A_503 : vector<16xi32>
      %sub3A_505 = arith.constant 32 : i32
      %sub3A_506 = vector.broadcast %sub3A_505 : i32 to vector<16xi32>
      %sub3A_507 = arith.subi %div3A_504, %sub3A_506 : vector<16xi32>
      %gt3A_508 = arith.constant 0.000000e+00 : f32
      %gt3A_509 = vector.broadcast %gt3A_508 : f32 to vector<16xf32>
      %gt3A_510 = arith.cmpf ogt, %get3A_499, %gt3A_509 : vector<16xf32>
      %add3A_511 = vector.broadcast %mul3A_6 : i32 to vector<16xi32>
      %add3A_512 = arith.addi %add3A_511, %sub3A_507 : vector<16xi32>
      %jit3A_513 = arith.constant 512 : i32
      %broadcast_in_dim3A_514 = vector.broadcast %jit3A_513 : i32 to vector<16xi32>
      %select_n3A_515 = arith.select %gt3A_510, %add3A_512, %broadcast_in_dim3A_514 : vector<16xi1>, vector<16xi32>
      %swap3A_516 = arith.constant 32 : index
      %swap3A_517 = tpu.vector_load %arg10[%swap3A_516] {strides = array<i32>} : memref<128xi32, #tpu.memory_space<vmem>>, vector<16xi32>,
      %swap3A_518 = vector.shape_cast %swap3A_517 : vector<16xi32> to vector<16xi32>
      %swap3A_519 = vector.shape_cast %select_n3A_515 : vector<16xi32> to vector<16xi32>
      tpu.vector_store %arg10[%swap3A_516], %swap3A_519 {strides = array<i32>} : memref<128xi32, #tpu.memory_space<vmem>>, vector<16xi32>,
      %add3A_520 = arith.constant 48 : i32
      %add3A_521 = arith.addi %mul3A_441, %add3A_520 : i32
      %get3A_522 = arith.index_cast %add3A_439 : i32 to index
      %get3A_523 = arith.constant 48 : index
      %get3A_524 = tpu.vector_load %arg7[%get3A_522, %get3A_523] {strides = array<i32>} : memref<200x128xf32, #tpu.memory_space<vmem>>, vector<1x16xf32>,
      %get3A_525 = vector.shape_cast %get3A_524 : vector<1x16xf32> to vector<16xf32>
      %add3A_526 = vector.broadcast %add3A_521 : i32 to vector<16xi32>
      %add3A_527 = arith.addi %add3A_526, %iota3A : vector<16xi32>
      %div3A_528 = arith.constant 200 : i32
      %div3A_529 = vector.broadcast %div3A_528 : i32 to vector<16xi32>
      %div3A_530 = arith.divsi %add3A_527, %div3A_529 : vector<16xi32>
      %sub3A_531 = arith.constant 32 : i32
      %sub3A_532 = vector.broadcast %sub3A_531 : i32 to vector<16xi32>
      %sub3A_533 = arith.subi %div3A_530, %sub3A_532 : vector<16xi32>
      %gt3A_534 = arith.constant 0.000000e+00 : f32
      %gt3A_535 = vector.broadcast %gt3A_534 : f32 to vector<16xf32>
      %gt3A_536 = arith.cmpf ogt, %get3A_525, %gt3A_535 : vector<16xf32>
      %add3A_537 = vector.broadcast %mul3A_6 : i32 to vector<16xi32>
      %add3A_538 = arith.addi %add3A_537, %sub3A_533 : vector<16xi32>
      %jit3A_539 = arith.constant 512 : i32
      %broadcast_in_dim3A_540 = vector.broadcast %jit3A_539 : i32 to vector<16xi32>
      %select_n3A_541 = arith.select %gt3A_536, %add3A_538, %broadcast_in_dim3A_540 : vector<16xi1>, vector<16xi32>
      %swap3A_542 = arith.constant 48 : index
      %swap3A_543 = tpu.vector_load %arg10[%swap3A_542] {strides = array<i32>} : memref<128xi32, #tpu.memory_space<vmem>>, vector<16xi32>,
      %swap3A_544 = vector.shape_cast %swap3A_543 : vector<16xi32> to vector<16xi32>
      %swap3A_545 = vector.shape_cast %select_n3A_541 : vector<16xi32> to vector<16xi32>
      tpu.vector_store %arg10[%swap3A_542], %swap3A_545 {strides = array<i32>} : memref<128xi32, #tpu.memory_space<vmem>>, vector<16xi32>,
      %add3A_546 = arith.constant 64 : i32
      %add3A_547 = arith.addi %mul3A_441, %add3A_546 : i32
      %get3A_548 = arith.index_cast %add3A_439 : i32 to index
      %get3A_549 = arith.constant 64 : index
      %get3A_550 = tpu.vector_load %arg7[%get3A_548, %get3A_549] {strides = array<i32>} : memref<200x128xf32, #tpu.memory_space<vmem>>, vector<1x16xf32>,
      %get3A_551 = vector.shape_cast %get3A_550 : vector<1x16xf32> to vector<16xf32>
      %add3A_552 = vector.broadcast %add3A_547 : i32 to vector<16xi32>
      %add3A_553 = arith.addi %add3A_552, %iota3A : vector<16xi32>
      %div3A_554 = arith.constant 200 : i32
      %div3A_555 = vector.broadcast %div3A_554 : i32 to vector<16xi32>
      %div3A_556 = arith.divsi %add3A_553, %div3A_555 : vector<16xi32>
      %sub3A_557 = arith.constant 32 : i32
      %sub3A_558 = vector.broadcast %sub3A_557 : i32 to vector<16xi32>
      %sub3A_559 = arith.subi %div3A_556, %sub3A_558 : vector<16xi32>
      %gt3A_560 = arith.constant 0.000000e+00 : f32
      %gt3A_561 = vector.broadcast %gt3A_560 : f32 to vector<16xf32>
      %gt3A_562 = arith.cmpf ogt, %get3A_551, %gt3A_561 : vector<16xf32>
      %add3A_563 = vector.broadcast %mul3A_6 : i32 to vector<16xi32>
      %add3A_564 = arith.addi %add3A_563, %sub3A_559 : vector<16xi32>
      %jit3A_565 = arith.constant 512 : i32
      %broadcast_in_dim3A_566 = vector.broadcast %jit3A_565 : i32 to vector<16xi32>
      %select_n3A_567 = arith.select %gt3A_562, %add3A_564, %broadcast_in_dim3A_566 : vector<16xi1>, vector<16xi32>
      %swap3A_568 = arith.constant 64 : index
      %swap3A_569 = tpu.vector_load %arg10[%swap3A_568] {strides = array<i32>} : memref<128xi32, #tpu.memory_space<vmem>>, vector<16xi32>,
      %swap3A_570 = vector.shape_cast %swap3A_569 : vector<16xi32> to vector<16xi32>
      %swap3A_571 = vector.shape_cast %select_n3A_567 : vector<16xi32> to vector<16xi32>
      tpu.vector_store %arg10[%swap3A_568], %swap3A_571 {strides = array<i32>} : memref<128xi32, #tpu.memory_space<vmem>>, vector<16xi32>,
      %add3A_572 = arith.constant 80 : i32
      %add3A_573 = arith.addi %mul3A_441, %add3A_572 : i32
      %get3A_574 = arith.index_cast %add3A_439 : i32 to index
      %get3A_575 = arith.constant 80 : index
      %get3A_576 = tpu.vector_load %arg7[%get3A_574, %get3A_575] {strides = array<i32>} : memref<200x128xf32, #tpu.memory_space<vmem>>, vector<1x16xf32>,
      %get3A_577 = vector.shape_cast %get3A_576 : vector<1x16xf32> to vector<16xf32>
      %add3A_578 = vector.broadcast %add3A_573 : i32 to vector<16xi32>
      %add3A_579 = arith.addi %add3A_578, %iota3A : vector<16xi32>
      %div3A_580 = arith.constant 200 : i32
      %div3A_581 = vector.broadcast %div3A_580 : i32 to vector<16xi32>
      %div3A_582 = arith.divsi %add3A_579, %div3A_581 : vector<16xi32>
      %sub3A_583 = arith.constant 32 : i32
      %sub3A_584 = vector.broadcast %sub3A_583 : i32 to vector<16xi32>
      %sub3A_585 = arith.subi %div3A_582, %sub3A_584 : vector<16xi32>
      %gt3A_586 = arith.constant 0.000000e+00 : f32
      %gt3A_587 = vector.broadcast %gt3A_586 : f32 to vector<16xf32>
      %gt3A_588 = arith.cmpf ogt, %get3A_577, %gt3A_587 : vector<16xf32>
      %add3A_589 = vector.broadcast %mul3A_6 : i32 to vector<16xi32>
      %add3A_590 = arith.addi %add3A_589, %sub3A_585 : vector<16xi32>
      %jit3A_591 = arith.constant 512 : i32
      %broadcast_in_dim3A_592 = vector.broadcast %jit3A_591 : i32 to vector<16xi32>
      %select_n3A_593 = arith.select %gt3A_588, %add3A_590, %broadcast_in_dim3A_592 : vector<16xi1>, vector<16xi32>
      %swap3A_594 = arith.constant 80 : index
      %swap3A_595 = tpu.vector_load %arg10[%swap3A_594] {strides = array<i32>} : memref<128xi32, #tpu.memory_space<vmem>>, vector<16xi32>,
      %swap3A_596 = vector.shape_cast %swap3A_595 : vector<16xi32> to vector<16xi32>
      %swap3A_597 = vector.shape_cast %select_n3A_593 : vector<16xi32> to vector<16xi32>
      tpu.vector_store %arg10[%swap3A_594], %swap3A_597 {strides = array<i32>} : memref<128xi32, #tpu.memory_space<vmem>>, vector<16xi32>,
      %add3A_598 = arith.constant 96 : i32
      %add3A_599 = arith.addi %mul3A_441, %add3A_598 : i32
      %get3A_600 = arith.index_cast %add3A_439 : i32 to index
      %get3A_601 = arith.constant 96 : index
      %get3A_602 = tpu.vector_load %arg7[%get3A_600, %get3A_601] {strides = array<i32>} : memref<200x128xf32, #tpu.memory_space<vmem>>, vector<1x16xf32>,
      %get3A_603 = vector.shape_cast %get3A_602 : vector<1x16xf32> to vector<16xf32>
      %add3A_604 = vector.broadcast %add3A_599 : i32 to vector<16xi32>
      %add3A_605 = arith.addi %add3A_604, %iota3A : vector<16xi32>
      %div3A_606 = arith.constant 200 : i32
      %div3A_607 = vector.broadcast %div3A_606 : i32 to vector<16xi32>
      %div3A_608 = arith.divsi %add3A_605, %div3A_607 : vector<16xi32>
      %sub3A_609 = arith.constant 32 : i32
      %sub3A_610 = vector.broadcast %sub3A_609 : i32 to vector<16xi32>
      %sub3A_611 = arith.subi %div3A_608, %sub3A_610 : vector<16xi32>
      %gt3A_612 = arith.constant 0.000000e+00 : f32
      %gt3A_613 = vector.broadcast %gt3A_612 : f32 to vector<16xf32>
      %gt3A_614 = arith.cmpf ogt, %get3A_603, %gt3A_613 : vector<16xf32>
      %add3A_615 = vector.broadcast %mul3A_6 : i32 to vector<16xi32>
      %add3A_616 = arith.addi %add3A_615, %sub3A_611 : vector<16xi32>
      %jit3A_617 = arith.constant 512 : i32
      %broadcast_in_dim3A_618 = vector.broadcast %jit3A_617 : i32 to vector<16xi32>
      %select_n3A_619 = arith.select %gt3A_614, %add3A_616, %broadcast_in_dim3A_618 : vector<16xi1>, vector<16xi32>
      %swap3A_620 = arith.constant 96 : index
      %swap3A_621 = tpu.vector_load %arg10[%swap3A_620] {strides = array<i32>} : memref<128xi32, #tpu.memory_space<vmem>>, vector<16xi32>,
      %swap3A_622 = vector.shape_cast %swap3A_621 : vector<16xi32> to vector<16xi32>
      %swap3A_623 = vector.shape_cast %select_n3A_619 : vector<16xi32> to vector<16xi32>
      tpu.vector_store %arg10[%swap3A_620], %swap3A_623 {strides = array<i32>} : memref<128xi32, #tpu.memory_space<vmem>>, vector<16xi32>,
      %add3A_624 = arith.constant 112 : i32
      %add3A_625 = arith.addi %mul3A_441, %add3A_624 : i32
      %get3A_626 = arith.index_cast %add3A_439 : i32 to index
      %get3A_627 = arith.constant 112 : index
      %get3A_628 = tpu.vector_load %arg7[%get3A_626, %get3A_627] {strides = array<i32>} : memref<200x128xf32, #tpu.memory_space<vmem>>, vector<1x16xf32>,
      %get3A_629 = vector.shape_cast %get3A_628 : vector<1x16xf32> to vector<16xf32>
      %add3A_630 = vector.broadcast %add3A_625 : i32 to vector<16xi32>
      %add3A_631 = arith.addi %add3A_630, %iota3A : vector<16xi32>
      %div3A_632 = arith.constant 200 : i32
      %div3A_633 = vector.broadcast %div3A_632 : i32 to vector<16xi32>
      %div3A_634 = arith.divsi %add3A_631, %div3A_633 : vector<16xi32>
      %sub3A_635 = arith.constant 32 : i32
      %sub3A_636 = vector.broadcast %sub3A_635 : i32 to vector<16xi32>
      %sub3A_637 = arith.subi %div3A_634, %sub3A_636 : vector<16xi32>
      %gt3A_638 = arith.constant 0.000000e+00 : f32
      %gt3A_639 = vector.broadcast %gt3A_638 : f32 to vector<16xf32>
      %gt3A_640 = arith.cmpf ogt, %get3A_629, %gt3A_639 : vector<16xf32>
      %add3A_641 = vector.broadcast %mul3A_6 : i32 to vector<16xi32>
      %add3A_642 = arith.addi %add3A_641, %sub3A_637 : vector<16xi32>
      %jit3A_643 = arith.constant 512 : i32
      %broadcast_in_dim3A_644 = vector.broadcast %jit3A_643 : i32 to vector<16xi32>
      %select_n3A_645 = arith.select %gt3A_640, %add3A_642, %broadcast_in_dim3A_644 : vector<16xi1>, vector<16xi32>
      %swap3A_646 = arith.constant 112 : index
      %swap3A_647 = tpu.vector_load %arg10[%swap3A_646] {strides = array<i32>} : memref<128xi32, #tpu.memory_space<vmem>>, vector<16xi32>,
      %swap3A_648 = vector.shape_cast %swap3A_647 : vector<16xi32> to vector<16xi32>
      %swap3A_649 = vector.shape_cast %select_n3A_645 : vector<16xi32> to vector<16xi32>
      tpu.vector_store %arg10[%swap3A_646], %swap3A_649 {strides = array<i32>} : memref<128xi32, #tpu.memory_space<vmem>>, vector<16xi32>,
      %dma_start3A_650 = arith.constant 1 : i32
      %dma_start3A_651 = arith.constant 0 : i32
      %dma_start3A_652 = arith.constant 0 : i32
      %dma_start3A_653 = tpu.memref_slice %arg8[%dma_start3A_650, %dma_start3A_651, %dma_start3A_652] : memref<2x128x128xf32, #tpu.memory_space<vmem>> -> memref<1x128x128xf32, #tpu.memory_space<vmem>>
      %dma_start3A_654 = tpu.memref_squeeze %dma_start3A_653 : memref<1x128x128xf32, #tpu.memory_space<vmem>> -> memref<128x128xf32, #tpu.memory_space<vmem>>
      %dma_start3A_655 = arith.constant 0 : i32
      %dma_start3A_656 = arith.constant 0 : i32
      %dma_start3A_657 = tpu.memref_slice %arg13[%dma_start3A_655, %dma_start3A_656] : memref<520x128xf32, #tpu.memory_space<vmem_shared>> -> memref<520x128xf32, #tpu.memory_space<vmem_shared>>
      tpu.enqueue_indirect_dma source(%dma_start3A_654 : memref<128x128xf32, #tpu.memory_space<vmem>>) target(%dma_start3A_657 : memref<520x128xf32, #tpu.memory_space<vmem_shared>>) offsets(%arg10 : memref<128xi32, #tpu.memory_space<vmem>>) semaphore(%arg17 : memref<!tpu.dma_semaphore, #tpu.memory_space<semaphore_mem>>) {add = true}
      %dma_wait3A_658 = arith.constant 0 : i32
      %dma_wait3A_659 = arith.constant 0 : i32
      %dma_wait3A_660 = arith.constant 0 : i32
      %dma_wait3A_661 = tpu.memref_slice %arg8[%dma_wait3A_658, %dma_wait3A_659, %dma_wait3A_660] : memref<2x128x128xf32, #tpu.memory_space<vmem>> -> memref<1x128x128xf32, #tpu.memory_space<vmem>>
      %dma_wait3A_662 = tpu.memref_squeeze %dma_wait3A_661 : memref<1x128x128xf32, #tpu.memory_space<vmem>> -> memref<128x128xf32, #tpu.memory_space<vmem>>
      %dma_wait3A_663 = arith.constant 0 : i32
      %dma_wait3A_664 = arith.constant 0 : i32
      %dma_wait3A_665 = tpu.memref_slice %arg13[%dma_wait3A_663, %dma_wait3A_664] : memref<520x128xf32, #tpu.memory_space<vmem_shared>> -> memref<520x128xf32, #tpu.memory_space<vmem_shared>>
      tpu.wait_indirect_dma semaphore(%arg16 : memref<!tpu.dma_semaphore, #tpu.memory_space<semaphore_mem>>) src(%dma_wait3A_662 : memref<128x128xf32, #tpu.memory_space<vmem>>) dst(%dma_wait3A_665 : memref<520x128xf32, #tpu.memory_space<vmem_shared>>)
      %add3A_666 = arith.constant 1 : i32
      %add3A_667 = arith.addi %scan3A_166, %add3A_666 : i32
      %lt3A = arith.constant 25 : i32
      %lt3A_668 = arith.cmpi slt, %add3A_667, %lt3A : i32
      %convert_element_type3A_669 = arith.extui %lt3A_668 : i1 to i32
      %cond3A_670 = arith.constant 0 : i32
      %cond3A_671 = arith.cmpi ne, %convert_element_type3A_669, %cond3A_670 : i32
      scf.if %cond3A_671 {
        %add3A_673 = arith.constant 2 : i32
        %add3A_674 = arith.addi %add3A_171, %add3A_673 : i32
        %mul3A_675 = arith.constant 128 : i32
        %mul3A_676 = arith.muli %add3A_674, %mul3A_675 : i32
        %add3A_677 = arith.addi %mul3A_4, %mul3A_676 : i32
        %dma_start3A_678 = arith.constant 0 : i32
        %dma_start3A_679 = arith.constant 0 : i32
        %dma_start3A_680 = arith.constant 0 : i32
        %dma_start3A_681 = tpu.memref_slice %arg8[%dma_start3A_678, %dma_start3A_679, %dma_start3A_680] : memref<2x128x128xf32, #tpu.memory_space<vmem>> -> memref<1x128x128xf32, #tpu.memory_space<vmem>>
        %dma_start3A_682 = tpu.memref_squeeze %dma_start3A_681 : memref<1x128x128xf32, #tpu.memory_space<vmem>> -> memref<128x128xf32, #tpu.memory_space<vmem>>
        %dma_start3A_683 = arith.constant 0 : i32
        %dma_start3A_684 = tpu.memref_slice %arg2[%add3A_677, %dma_start3A_683] : memref<819200x128xf32, #tpu.memory_space<hbm>> -> memref<128x128xf32, #tpu.memory_space<hbm>>
        %dma_start3A_685 = arith.constant 0 : i32
        %dma_start3A_686 = arith.constant 0 : i32
        %dma_start3A_687 = tpu.memref_slice %arg8[%dma_start3A_678, %dma_start3A_685, %dma_start3A_686] : memref<2x128x128xf32, #tpu.memory_space<vmem>> -> memref<1x128x128xf32, #tpu.memory_space<vmem>>
        %dma_start3A_688 = tpu.memref_squeeze %dma_start3A_687 : memref<1x128x128xf32, #tpu.memory_space<vmem>> -> memref<128x128xf32, #tpu.memory_space<vmem>>
        %dma_start3A_689 = arith.constant 0 : i32
        %dma_start3A_690 = tpu.memref_slice %arg2[%add3A_677, %dma_start3A_689] : memref<819200x128xf32, #tpu.memory_space<hbm>> -> memref<128x128xf32, #tpu.memory_space<hbm>>
        tpu.enqueue_dma source(%dma_start3A_690 : memref<128x128xf32, #tpu.memory_space<hbm>>) target(%dma_start3A_688 : memref<128x128xf32, #tpu.memory_space<vmem>>) target_semaphore(%arg14 : memref<!tpu.dma_semaphore, #tpu.memory_space<semaphore_mem>>)
      } else {
      }
      %scan3A_672 = arith.constant 0 : i32
      scf.yield %scan3A_672 : i32
    }
    %scan3A_90 = arith.constant 25 : i32
    %dma_wait3A_91 = arith.constant 1 : i32
    %dma_wait3A_92 = arith.constant 0 : i32
    %dma_wait3A_93 = arith.constant 0 : i32
    %dma_wait3A_94 = tpu.memref_slice %arg8[%dma_wait3A_91, %dma_wait3A_92, %dma_wait3A_93] : memref<2x128x128xf32, #tpu.memory_space<vmem>> -> memref<1x128x128xf32, #tpu.memory_space<vmem>>
    %dma_wait3A_95 = tpu.memref_squeeze %dma_wait3A_94 : memref<1x128x128xf32, #tpu.memory_space<vmem>> -> memref<128x128xf32, #tpu.memory_space<vmem>>
    %dma_wait3A_96 = arith.constant 0 : i32
    %dma_wait3A_97 = arith.constant 0 : i32
    %dma_wait3A_98 = tpu.memref_slice %arg13[%dma_wait3A_96, %dma_wait3A_97] : memref<520x128xf32, #tpu.memory_space<vmem_shared>> -> memref<520x128xf32, #tpu.memory_space<vmem_shared>>
    tpu.wait_indirect_dma semaphore(%arg17 : memref<!tpu.dma_semaphore, #tpu.memory_space<semaphore_mem>>) src(%dma_wait3A_95 : memref<128x128xf32, #tpu.memory_space<vmem>>) dst(%dma_wait3A_98 : memref<520x128xf32, #tpu.memory_space<vmem_shared>>)
    "tpu.region"() ({
      %run_scoped3A = tpu.sem_alloc : memref<!tpu.dma_semaphore, #tpu.memory_space<semaphore_mem>>
      %dma_start3A_166 = arith.constant 32 : i32
      %dma_start3A_167 = arith.constant 0 : i32
      %dma_start3A_168 = tpu.memref_slice %arg12[%dma_start3A_166, %dma_start3A_167] : memref<128x128xf32, #tpu.memory_space<vmem>> -> memref<32x128xf32, #tpu.memory_space<vmem>>
      %dma_start3A_169 = arith.constant 0 : i32
      %dma_start3A_170 = tpu.memref_slice %arg13[%mul3A_6, %dma_start3A_169] : memref<520x128xf32, #tpu.memory_space<vmem_shared>> -> memref<32x128xf32, #tpu.memory_space<vmem_shared>>
      %dma_start3A_171 = arith.constant 32 : i32
      %dma_start3A_172 = arith.constant 0 : i32
      %dma_start3A_173 = tpu.memref_slice %arg12[%dma_start3A_171, %dma_start3A_172] : memref<128x128xf32, #tpu.memory_space<vmem>> -> memref<32x128xf32, #tpu.memory_space<vmem>>
      %dma_start3A_174 = arith.constant 0 : i32
      %dma_start3A_175 = tpu.memref_slice %arg13[%mul3A_6, %dma_start3A_174] : memref<520x128xf32, #tpu.memory_space<vmem_shared>> -> memref<32x128xf32, #tpu.memory_space<vmem_shared>>
      tpu.enqueue_dma source(%dma_start3A_175 : memref<32x128xf32, #tpu.memory_space<vmem_shared>>) target(%dma_start3A_173 : memref<32x128xf32, #tpu.memory_space<vmem>>) target_semaphore(%run_scoped3A : memref<!tpu.dma_semaphore, #tpu.memory_space<semaphore_mem>>)
      %dma_wait3A_176 = arith.constant 32 : i32
      %dma_wait3A_177 = arith.constant 0 : i32
      %dma_wait3A_178 = tpu.memref_slice %arg12[%dma_wait3A_176, %dma_wait3A_177] : memref<128x128xf32, #tpu.memory_space<vmem>> -> memref<32x128xf32, #tpu.memory_space<vmem>>
      %dma_wait3A_179 = arith.constant 0 : i32
      %dma_wait3A_180 = tpu.memref_slice %arg13[%mul3A_6, %dma_wait3A_179] : memref<520x128xf32, #tpu.memory_space<vmem_shared>> -> memref<32x128xf32, #tpu.memory_space<vmem_shared>>
      %dma_wait3A_181 = arith.constant 32 : i32
      %dma_wait3A_182 = arith.constant 0 : i32
      %dma_wait3A_183 = tpu.memref_slice %arg12[%dma_wait3A_181, %dma_wait3A_182] : memref<128x128xf32, #tpu.memory_space<vmem>> -> memref<32x128xf32, #tpu.memory_space<vmem>>
      %dma_wait3A_184 = arith.constant 0 : i32
      %dma_wait3A_185 = tpu.memref_slice %arg13[%mul3A_6, %dma_wait3A_184] : memref<520x128xf32, #tpu.memory_space<vmem_shared>> -> memref<32x128xf32, #tpu.memory_space<vmem_shared>>
      tpu.wait_dma2 semaphore(%run_scoped3A : memref<!tpu.dma_semaphore, #tpu.memory_space<semaphore_mem>>) src(%dma_wait3A_185 : memref<32x128xf32, #tpu.memory_space<vmem_shared>>) dst(%dma_wait3A_183 : memref<32x128xf32, #tpu.memory_space<vmem>>)
      tpu.yield
    }) : () -> ()
    "tpu.region"() ({
      %run_scoped3A = tpu.sem_alloc : memref<!tpu.dma_semaphore, #tpu.memory_space<semaphore_mem>>
      %dma_start3A_166 = arith.constant 64 : i32
      %dma_start3A_167 = arith.constant 0 : i32
      %dma_start3A_168 = tpu.memref_slice %arg12[%dma_start3A_166, %dma_start3A_167] : memref<128x128xf32, #tpu.memory_space<vmem>> -> memref<32x128xf32, #tpu.memory_space<vmem>>
      %dma_start3A_169 = arith.constant 0 : i32
      %dma_start3A_170 = tpu.memref_slice %arg13[%mul3A_6, %dma_start3A_169] : memref<520x128xf32, #tpu.memory_space<vmem_shared>> -> memref<32x128xf32, #tpu.memory_space<vmem_shared>>
      %dma_start3A_171 = arith.constant 0 : i32
      %dma_start3A_172 = tpu.memref_slice %arg13[%mul3A_6, %dma_start3A_171] : memref<520x128xf32, #tpu.memory_space<vmem_shared>> -> memref<32x128xf32, #tpu.memory_space<vmem_shared>>
      %dma_start3A_173 = arith.constant 64 : i32
      %dma_start3A_174 = arith.constant 0 : i32
      %dma_start3A_175 = tpu.memref_slice %arg12[%dma_start3A_173, %dma_start3A_174] : memref<128x128xf32, #tpu.memory_space<vmem>> -> memref<32x128xf32, #tpu.memory_space<vmem>>
      tpu.enqueue_dma source(%dma_start3A_175 : memref<32x128xf32, #tpu.memory_space<vmem>>) target(%dma_start3A_172 : memref<32x128xf32, #tpu.memory_space<vmem_shared>>) target_semaphore(%run_scoped3A : memref<!tpu.dma_semaphore, #tpu.memory_space<semaphore_mem>>)
      %dma_wait3A_176 = arith.constant 64 : i32
      %dma_wait3A_177 = arith.constant 0 : i32
      %dma_wait3A_178 = tpu.memref_slice %arg12[%dma_wait3A_176, %dma_wait3A_177] : memref<128x128xf32, #tpu.memory_space<vmem>> -> memref<32x128xf32, #tpu.memory_space<vmem>>
      %dma_wait3A_179 = arith.constant 0 : i32
      %dma_wait3A_180 = tpu.memref_slice %arg13[%mul3A_6, %dma_wait3A_179] : memref<520x128xf32, #tpu.memory_space<vmem_shared>> -> memref<32x128xf32, #tpu.memory_space<vmem_shared>>
      %dma_wait3A_181 = arith.constant 0 : i32
      %dma_wait3A_182 = tpu.memref_slice %arg13[%mul3A_6, %dma_wait3A_181] : memref<520x128xf32, #tpu.memory_space<vmem_shared>> -> memref<32x128xf32, #tpu.memory_space<vmem_shared>>
      %dma_wait3A_183 = arith.constant 64 : i32
      %dma_wait3A_184 = arith.constant 0 : i32
      %dma_wait3A_185 = tpu.memref_slice %arg12[%dma_wait3A_183, %dma_wait3A_184] : memref<128x128xf32, #tpu.memory_space<vmem>> -> memref<32x128xf32, #tpu.memory_space<vmem>>
      tpu.wait_dma2 semaphore(%run_scoped3A : memref<!tpu.dma_semaphore, #tpu.memory_space<semaphore_mem>>) src(%dma_wait3A_185 : memref<32x128xf32, #tpu.memory_space<vmem>>) dst(%dma_wait3A_182 : memref<32x128xf32, #tpu.memory_space<vmem_shared>>)
      tpu.yield
    }) : () -> ()
    %add3A_99 = arith.constant 12800 : i32
    %add3A_100 = arith.addi %mul3A_4, %add3A_99 : i32
    %dma_start3A_101 = arith.constant 0 : i32
    %dma_start3A_102 = arith.constant 0 : i32
    %dma_start3A_103 = arith.constant 0 : i32
    %dma_start3A_104 = tpu.memref_slice %arg8[%dma_start3A_101, %dma_start3A_102, %dma_start3A_103] : memref<2x128x128xf32, #tpu.memory_space<vmem>> -> memref<1x128x128xf32, #tpu.memory_space<vmem>>
    %dma_start3A_105 = tpu.memref_squeeze %dma_start3A_104 : memref<1x128x128xf32, #tpu.memory_space<vmem>> -> memref<128x128xf32, #tpu.memory_space<vmem>>
    %dma_start3A_106 = arith.constant 0 : i32
    %dma_start3A_107 = tpu.memref_slice %arg2[%add3A_100, %dma_start3A_106] : memref<819200x128xf32, #tpu.memory_space<hbm>> -> memref<128x128xf32, #tpu.memory_space<hbm>>
    %dma_start3A_108 = arith.constant 0 : i32
    %dma_start3A_109 = arith.constant 0 : i32
    %dma_start3A_110 = tpu.memref_slice %arg8[%dma_start3A_101, %dma_start3A_108, %dma_start3A_109] : memref<2x128x128xf32, #tpu.memory_space<vmem>> -> memref<1x128x128xf32, #tpu.memory_space<vmem>>
    %dma_start3A_111 = tpu.memref_squeeze %dma_start3A_110 : memref<1x128x128xf32, #tpu.memory_space<vmem>> -> memref<128x128xf32, #tpu.memory_space<vmem>>
    %dma_start3A_112 = arith.constant 0 : i32
    %dma_start3A_113 = tpu.memref_slice %arg2[%add3A_100, %dma_start3A_112] : memref<819200x128xf32, #tpu.memory_space<hbm>> -> memref<128x128xf32, #tpu.memory_space<hbm>>
    tpu.enqueue_dma source(%dma_start3A_113 : memref<128x128xf32, #tpu.memory_space<hbm>>) target(%dma_start3A_111 : memref<128x128xf32, #tpu.memory_space<vmem>>) target_semaphore(%arg14 : memref<!tpu.dma_semaphore, #tpu.memory_space<semaphore_mem>>)
    %scan3A_114 = arith.constant 0 : i32
    %scan3A_115 = arith.constant 0 : i32
    %scan3A_116 = arith.constant 25 : i32
    %scan3A_117 = arith.addi %scan3A_115, %scan3A_116 : i32
    %scan3A_118 = arith.constant 1 : i32
    %scan3A_119 = scf.for %scan3A_166 = %scan3A_115 to %scan3A_117 step %scan3A_118 iter_args(%scan3A_167 = %scan3A_114) -> (i32)  : i32 {
      %mul3A_168 = arith.constant 2 : i32
      %mul3A_169 = arith.muli %scan3A_166, %mul3A_168 : i32
      %add3A_170 = arith.constant 100 : i32
      %add3A_171 = arith.addi %add3A_170, %mul3A_169 : i32
      %mul3A_172 = arith.constant 128 : i32
      %mul3A_173 = arith.muli %add3A_171, %mul3A_172 : i32
      %add3A_174 = arith.addi %mul3A_4, %mul3A_173 : i32
      %dma_wait3A_175 = arith.constant 0 : i32
      %dma_wait3A_176 = arith.constant 0 : i32
      %dma_wait3A_177 = arith.constant 0 : i32
      %dma_wait3A_178 = tpu.memref_slice %arg8[%dma_wait3A_175, %dma_wait3A_176, %dma_wait3A_177] : memref<2x128x128xf32, #tpu.memory_space<vmem>> -> memref<1x128x128xf32, #tpu.memory_space<vmem>>
      %dma_wait3A_179 = tpu.memref_squeeze %dma_wait3A_178 : memref<1x128x128xf32, #tpu.memory_space<vmem>> -> memref<128x128xf32, #tpu.memory_space<vmem>>
      %dma_wait3A_180 = arith.constant 0 : i32
      %dma_wait3A_181 = tpu.memref_slice %arg2[%add3A_174, %dma_wait3A_180] : memref<819200x128xf32, #tpu.memory_space<hbm>> -> memref<128x128xf32, #tpu.memory_space<hbm>>
      %dma_wait3A_182 = arith.constant 0 : i32
      %dma_wait3A_183 = arith.constant 0 : i32
      %dma_wait3A_184 = tpu.memref_slice %arg8[%dma_wait3A_175, %dma_wait3A_182, %dma_wait3A_183] : memref<2x128x128xf32, #tpu.memory_space<vmem>> -> memref<1x128x128xf32, #tpu.memory_space<vmem>>
      %dma_wait3A_185 = tpu.memref_squeeze %dma_wait3A_184 : memref<1x128x128xf32, #tpu.memory_space<vmem>> -> memref<128x128xf32, #tpu.memory_space<vmem>>
      %dma_wait3A_186 = arith.constant 0 : i32
      %dma_wait3A_187 = tpu.memref_slice %arg2[%add3A_174, %dma_wait3A_186] : memref<819200x128xf32, #tpu.memory_space<hbm>> -> memref<128x128xf32, #tpu.memory_space<hbm>>
      tpu.wait_dma2 semaphore(%arg14 : memref<!tpu.dma_semaphore, #tpu.memory_space<semaphore_mem>>) src(%dma_wait3A_187 : memref<128x128xf32, #tpu.memory_space<hbm>>) dst(%dma_wait3A_185 : memref<128x128xf32, #tpu.memory_space<vmem>>)
      %mul3A_188 = arith.constant 128 : i32
      %mul3A_189 = arith.muli %add3A_171, %mul3A_188 : i32
      %add3A_190 = arith.constant 0 : i32
      %add3A_191 = arith.addi %mul3A_189, %add3A_190 : i32
      %get3A = arith.index_cast %add3A_171 : i32 to index
      %get3A_192 = arith.constant 0 : index
      %get3A_193 = tpu.vector_load %arg7[%get3A, %get3A_192] {strides = array<i32>} : memref<200x128xf32, #tpu.memory_space<vmem>>, vector<1x16xf32>,
      %get3A_194 = vector.shape_cast %get3A_193 : vector<1x16xf32> to vector<16xf32>
      %add3A_195 = vector.broadcast %add3A_191 : i32 to vector<16xi32>
      %add3A_196 = arith.addi %add3A_195, %iota3A : vector<16xi32>
      %div3A = arith.constant 200 : i32
      %div3A_197 = vector.broadcast %div3A : i32 to vector<16xi32>
      %div3A_198 = arith.divsi %add3A_196, %div3A_197 : vector<16xi32>
      %sub3A = arith.constant 64 : i32
      %sub3A_199 = vector.broadcast %sub3A : i32 to vector<16xi32>
      %sub3A_200 = arith.subi %div3A_198, %sub3A_199 : vector<16xi32>
      %gt3A = arith.constant 0.000000e+00 : f32
      %gt3A_201 = vector.broadcast %gt3A : f32 to vector<16xf32>
      %gt3A_202 = arith.cmpf ogt, %get3A_194, %gt3A_201 : vector<16xf32>
      %add3A_203 = vector.broadcast %mul3A_6 : i32 to vector<16xi32>
      %add3A_204 = arith.addi %add3A_203, %sub3A_200 : vector<16xi32>
      %jit3A = arith.constant 512 : i32
      %broadcast_in_dim3A_205 = vector.broadcast %jit3A : i32 to vector<16xi32>
      %select_n3A = arith.select %gt3A_202, %add3A_204, %broadcast_in_dim3A_205 : vector<16xi1>, vector<16xi32>
      %swap3A = arith.constant 0 : index
      %swap3A_206 = tpu.vector_load %arg9[%swap3A] {strides = array<i32>} : memref<128xi32, #tpu.memory_space<vmem>>, vector<16xi32>,
      %swap3A_207 = vector.shape_cast %swap3A_206 : vector<16xi32> to vector<16xi32>
      %swap3A_208 = vector.shape_cast %select_n3A : vector<16xi32> to vector<16xi32>
      tpu.vector_store %arg9[%swap3A], %swap3A_208 {strides = array<i32>} : memref<128xi32, #tpu.memory_space<vmem>>, vector<16xi32>,
      %add3A_209 = arith.constant 16 : i32
      %add3A_210 = arith.addi %mul3A_189, %add3A_209 : i32
      %get3A_211 = arith.index_cast %add3A_171 : i32 to index
      %get3A_212 = arith.constant 16 : index
      %get3A_213 = tpu.vector_load %arg7[%get3A_211, %get3A_212] {strides = array<i32>} : memref<200x128xf32, #tpu.memory_space<vmem>>, vector<1x16xf32>,
      %get3A_214 = vector.shape_cast %get3A_213 : vector<1x16xf32> to vector<16xf32>
      %add3A_215 = vector.broadcast %add3A_210 : i32 to vector<16xi32>
      %add3A_216 = arith.addi %add3A_215, %iota3A : vector<16xi32>
      %div3A_217 = arith.constant 200 : i32
      %div3A_218 = vector.broadcast %div3A_217 : i32 to vector<16xi32>
      %div3A_219 = arith.divsi %add3A_216, %div3A_218 : vector<16xi32>
      %sub3A_220 = arith.constant 64 : i32
      %sub3A_221 = vector.broadcast %sub3A_220 : i32 to vector<16xi32>
      %sub3A_222 = arith.subi %div3A_219, %sub3A_221 : vector<16xi32>
      %gt3A_223 = arith.constant 0.000000e+00 : f32
      %gt3A_224 = vector.broadcast %gt3A_223 : f32 to vector<16xf32>
      %gt3A_225 = arith.cmpf ogt, %get3A_214, %gt3A_224 : vector<16xf32>
      %add3A_226 = vector.broadcast %mul3A_6 : i32 to vector<16xi32>
      %add3A_227 = arith.addi %add3A_226, %sub3A_222 : vector<16xi32>
      %jit3A_228 = arith.constant 512 : i32
      %broadcast_in_dim3A_229 = vector.broadcast %jit3A_228 : i32 to vector<16xi32>
      %select_n3A_230 = arith.select %gt3A_225, %add3A_227, %broadcast_in_dim3A_229 : vector<16xi1>, vector<16xi32>
      %swap3A_231 = arith.constant 16 : index
      %swap3A_232 = tpu.vector_load %arg9[%swap3A_231] {strides = array<i32>} : memref<128xi32, #tpu.memory_space<vmem>>, vector<16xi32>,
      %swap3A_233 = vector.shape_cast %swap3A_232 : vector<16xi32> to vector<16xi32>
      %swap3A_234 = vector.shape_cast %select_n3A_230 : vector<16xi32> to vector<16xi32>
      tpu.vector_store %arg9[%swap3A_231], %swap3A_234 {strides = array<i32>} : memref<128xi32, #tpu.memory_space<vmem>>, vector<16xi32>,
      %add3A_235 = arith.constant 32 : i32
      %add3A_236 = arith.addi %mul3A_189, %add3A_235 : i32
      %get3A_237 = arith.index_cast %add3A_171 : i32 to index
      %get3A_238 = arith.constant 32 : index
      %get3A_239 = tpu.vector_load %arg7[%get3A_237, %get3A_238] {strides = array<i32>} : memref<200x128xf32, #tpu.memory_space<vmem>>, vector<1x16xf32>,
      %get3A_240 = vector.shape_cast %get3A_239 : vector<1x16xf32> to vector<16xf32>
      %add3A_241 = vector.broadcast %add3A_236 : i32 to vector<16xi32>
      %add3A_242 = arith.addi %add3A_241, %iota3A : vector<16xi32>
      %div3A_243 = arith.constant 200 : i32
      %div3A_244 = vector.broadcast %div3A_243 : i32 to vector<16xi32>
      %div3A_245 = arith.divsi %add3A_242, %div3A_244 : vector<16xi32>
      %sub3A_246 = arith.constant 64 : i32
      %sub3A_247 = vector.broadcast %sub3A_246 : i32 to vector<16xi32>
      %sub3A_248 = arith.subi %div3A_245, %sub3A_247 : vector<16xi32>
      %gt3A_249 = arith.constant 0.000000e+00 : f32
      %gt3A_250 = vector.broadcast %gt3A_249 : f32 to vector<16xf32>
      %gt3A_251 = arith.cmpf ogt, %get3A_240, %gt3A_250 : vector<16xf32>
      %add3A_252 = vector.broadcast %mul3A_6 : i32 to vector<16xi32>
      %add3A_253 = arith.addi %add3A_252, %sub3A_248 : vector<16xi32>
      %jit3A_254 = arith.constant 512 : i32
      %broadcast_in_dim3A_255 = vector.broadcast %jit3A_254 : i32 to vector<16xi32>
      %select_n3A_256 = arith.select %gt3A_251, %add3A_253, %broadcast_in_dim3A_255 : vector<16xi1>, vector<16xi32>
      %swap3A_257 = arith.constant 32 : index
      %swap3A_258 = tpu.vector_load %arg9[%swap3A_257] {strides = array<i32>} : memref<128xi32, #tpu.memory_space<vmem>>, vector<16xi32>,
      %swap3A_259 = vector.shape_cast %swap3A_258 : vector<16xi32> to vector<16xi32>
      %swap3A_260 = vector.shape_cast %select_n3A_256 : vector<16xi32> to vector<16xi32>
      tpu.vector_store %arg9[%swap3A_257], %swap3A_260 {strides = array<i32>} : memref<128xi32, #tpu.memory_space<vmem>>, vector<16xi32>,
      %add3A_261 = arith.constant 48 : i32
      %add3A_262 = arith.addi %mul3A_189, %add3A_261 : i32
      %get3A_263 = arith.index_cast %add3A_171 : i32 to index
      %get3A_264 = arith.constant 48 : index
      %get3A_265 = tpu.vector_load %arg7[%get3A_263, %get3A_264] {strides = array<i32>} : memref<200x128xf32, #tpu.memory_space<vmem>>, vector<1x16xf32>,
      %get3A_266 = vector.shape_cast %get3A_265 : vector<1x16xf32> to vector<16xf32>
      %add3A_267 = vector.broadcast %add3A_262 : i32 to vector<16xi32>
      %add3A_268 = arith.addi %add3A_267, %iota3A : vector<16xi32>
      %div3A_269 = arith.constant 200 : i32
      %div3A_270 = vector.broadcast %div3A_269 : i32 to vector<16xi32>
      %div3A_271 = arith.divsi %add3A_268, %div3A_270 : vector<16xi32>
      %sub3A_272 = arith.constant 64 : i32
      %sub3A_273 = vector.broadcast %sub3A_272 : i32 to vector<16xi32>
      %sub3A_274 = arith.subi %div3A_271, %sub3A_273 : vector<16xi32>
      %gt3A_275 = arith.constant 0.000000e+00 : f32
      %gt3A_276 = vector.broadcast %gt3A_275 : f32 to vector<16xf32>
      %gt3A_277 = arith.cmpf ogt, %get3A_266, %gt3A_276 : vector<16xf32>
      %add3A_278 = vector.broadcast %mul3A_6 : i32 to vector<16xi32>
      %add3A_279 = arith.addi %add3A_278, %sub3A_274 : vector<16xi32>
      %jit3A_280 = arith.constant 512 : i32
      %broadcast_in_dim3A_281 = vector.broadcast %jit3A_280 : i32 to vector<16xi32>
      %select_n3A_282 = arith.select %gt3A_277, %add3A_279, %broadcast_in_dim3A_281 : vector<16xi1>, vector<16xi32>
      %swap3A_283 = arith.constant 48 : index
      %swap3A_284 = tpu.vector_load %arg9[%swap3A_283] {strides = array<i32>} : memref<128xi32, #tpu.memory_space<vmem>>, vector<16xi32>,
      %swap3A_285 = vector.shape_cast %swap3A_284 : vector<16xi32> to vector<16xi32>
      %swap3A_286 = vector.shape_cast %select_n3A_282 : vector<16xi32> to vector<16xi32>
      tpu.vector_store %arg9[%swap3A_283], %swap3A_286 {strides = array<i32>} : memref<128xi32, #tpu.memory_space<vmem>>, vector<16xi32>,
      %add3A_287 = arith.constant 64 : i32
      %add3A_288 = arith.addi %mul3A_189, %add3A_287 : i32
      %get3A_289 = arith.index_cast %add3A_171 : i32 to index
      %get3A_290 = arith.constant 64 : index
      %get3A_291 = tpu.vector_load %arg7[%get3A_289, %get3A_290] {strides = array<i32>} : memref<200x128xf32, #tpu.memory_space<vmem>>, vector<1x16xf32>,
      %get3A_292 = vector.shape_cast %get3A_291 : vector<1x16xf32> to vector<16xf32>
      %add3A_293 = vector.broadcast %add3A_288 : i32 to vector<16xi32>
      %add3A_294 = arith.addi %add3A_293, %iota3A : vector<16xi32>
      %div3A_295 = arith.constant 200 : i32
      %div3A_296 = vector.broadcast %div3A_295 : i32 to vector<16xi32>
      %div3A_297 = arith.divsi %add3A_294, %div3A_296 : vector<16xi32>
      %sub3A_298 = arith.constant 64 : i32
      %sub3A_299 = vector.broadcast %sub3A_298 : i32 to vector<16xi32>
      %sub3A_300 = arith.subi %div3A_297, %sub3A_299 : vector<16xi32>
      %gt3A_301 = arith.constant 0.000000e+00 : f32
      %gt3A_302 = vector.broadcast %gt3A_301 : f32 to vector<16xf32>
      %gt3A_303 = arith.cmpf ogt, %get3A_292, %gt3A_302 : vector<16xf32>
      %add3A_304 = vector.broadcast %mul3A_6 : i32 to vector<16xi32>
      %add3A_305 = arith.addi %add3A_304, %sub3A_300 : vector<16xi32>
      %jit3A_306 = arith.constant 512 : i32
      %broadcast_in_dim3A_307 = vector.broadcast %jit3A_306 : i32 to vector<16xi32>
      %select_n3A_308 = arith.select %gt3A_303, %add3A_305, %broadcast_in_dim3A_307 : vector<16xi1>, vector<16xi32>
      %swap3A_309 = arith.constant 64 : index
      %swap3A_310 = tpu.vector_load %arg9[%swap3A_309] {strides = array<i32>} : memref<128xi32, #tpu.memory_space<vmem>>, vector<16xi32>,
      %swap3A_311 = vector.shape_cast %swap3A_310 : vector<16xi32> to vector<16xi32>
      %swap3A_312 = vector.shape_cast %select_n3A_308 : vector<16xi32> to vector<16xi32>
      tpu.vector_store %arg9[%swap3A_309], %swap3A_312 {strides = array<i32>} : memref<128xi32, #tpu.memory_space<vmem>>, vector<16xi32>,
      %add3A_313 = arith.constant 80 : i32
      %add3A_314 = arith.addi %mul3A_189, %add3A_313 : i32
      %get3A_315 = arith.index_cast %add3A_171 : i32 to index
      %get3A_316 = arith.constant 80 : index
      %get3A_317 = tpu.vector_load %arg7[%get3A_315, %get3A_316] {strides = array<i32>} : memref<200x128xf32, #tpu.memory_space<vmem>>, vector<1x16xf32>,
      %get3A_318 = vector.shape_cast %get3A_317 : vector<1x16xf32> to vector<16xf32>
      %add3A_319 = vector.broadcast %add3A_314 : i32 to vector<16xi32>
      %add3A_320 = arith.addi %add3A_319, %iota3A : vector<16xi32>
      %div3A_321 = arith.constant 200 : i32
      %div3A_322 = vector.broadcast %div3A_321 : i32 to vector<16xi32>
      %div3A_323 = arith.divsi %add3A_320, %div3A_322 : vector<16xi32>
      %sub3A_324 = arith.constant 64 : i32
      %sub3A_325 = vector.broadcast %sub3A_324 : i32 to vector<16xi32>
      %sub3A_326 = arith.subi %div3A_323, %sub3A_325 : vector<16xi32>
      %gt3A_327 = arith.constant 0.000000e+00 : f32
      %gt3A_328 = vector.broadcast %gt3A_327 : f32 to vector<16xf32>
      %gt3A_329 = arith.cmpf ogt, %get3A_318, %gt3A_328 : vector<16xf32>
      %add3A_330 = vector.broadcast %mul3A_6 : i32 to vector<16xi32>
      %add3A_331 = arith.addi %add3A_330, %sub3A_326 : vector<16xi32>
      %jit3A_332 = arith.constant 512 : i32
      %broadcast_in_dim3A_333 = vector.broadcast %jit3A_332 : i32 to vector<16xi32>
      %select_n3A_334 = arith.select %gt3A_329, %add3A_331, %broadcast_in_dim3A_333 : vector<16xi1>, vector<16xi32>
      %swap3A_335 = arith.constant 80 : index
      %swap3A_336 = tpu.vector_load %arg9[%swap3A_335] {strides = array<i32>} : memref<128xi32, #tpu.memory_space<vmem>>, vector<16xi32>,
      %swap3A_337 = vector.shape_cast %swap3A_336 : vector<16xi32> to vector<16xi32>
      %swap3A_338 = vector.shape_cast %select_n3A_334 : vector<16xi32> to vector<16xi32>
      tpu.vector_store %arg9[%swap3A_335], %swap3A_338 {strides = array<i32>} : memref<128xi32, #tpu.memory_space<vmem>>, vector<16xi32>,
      %add3A_339 = arith.constant 96 : i32
      %add3A_340 = arith.addi %mul3A_189, %add3A_339 : i32
      %get3A_341 = arith.index_cast %add3A_171 : i32 to index
      %get3A_342 = arith.constant 96 : index
      %get3A_343 = tpu.vector_load %arg7[%get3A_341, %get3A_342] {strides = array<i32>} : memref<200x128xf32, #tpu.memory_space<vmem>>, vector<1x16xf32>,
      %get3A_344 = vector.shape_cast %get3A_343 : vector<1x16xf32> to vector<16xf32>
      %add3A_345 = vector.broadcast %add3A_340 : i32 to vector<16xi32>
      %add3A_346 = arith.addi %add3A_345, %iota3A : vector<16xi32>
      %div3A_347 = arith.constant 200 : i32
      %div3A_348 = vector.broadcast %div3A_347 : i32 to vector<16xi32>
      %div3A_349 = arith.divsi %add3A_346, %div3A_348 : vector<16xi32>
      %sub3A_350 = arith.constant 64 : i32
      %sub3A_351 = vector.broadcast %sub3A_350 : i32 to vector<16xi32>
      %sub3A_352 = arith.subi %div3A_349, %sub3A_351 : vector<16xi32>
      %gt3A_353 = arith.constant 0.000000e+00 : f32
      %gt3A_354 = vector.broadcast %gt3A_353 : f32 to vector<16xf32>
      %gt3A_355 = arith.cmpf ogt, %get3A_344, %gt3A_354 : vector<16xf32>
      %add3A_356 = vector.broadcast %mul3A_6 : i32 to vector<16xi32>
      %add3A_357 = arith.addi %add3A_356, %sub3A_352 : vector<16xi32>
      %jit3A_358 = arith.constant 512 : i32
      %broadcast_in_dim3A_359 = vector.broadcast %jit3A_358 : i32 to vector<16xi32>
      %select_n3A_360 = arith.select %gt3A_355, %add3A_357, %broadcast_in_dim3A_359 : vector<16xi1>, vector<16xi32>
      %swap3A_361 = arith.constant 96 : index
      %swap3A_362 = tpu.vector_load %arg9[%swap3A_361] {strides = array<i32>} : memref<128xi32, #tpu.memory_space<vmem>>, vector<16xi32>,
      %swap3A_363 = vector.shape_cast %swap3A_362 : vector<16xi32> to vector<16xi32>
      %swap3A_364 = vector.shape_cast %select_n3A_360 : vector<16xi32> to vector<16xi32>
      tpu.vector_store %arg9[%swap3A_361], %swap3A_364 {strides = array<i32>} : memref<128xi32, #tpu.memory_space<vmem>>, vector<16xi32>,
      %add3A_365 = arith.constant 112 : i32
      %add3A_366 = arith.addi %mul3A_189, %add3A_365 : i32
      %get3A_367 = arith.index_cast %add3A_171 : i32 to index
      %get3A_368 = arith.constant 112 : index
      %get3A_369 = tpu.vector_load %arg7[%get3A_367, %get3A_368] {strides = array<i32>} : memref<200x128xf32, #tpu.memory_space<vmem>>, vector<1x16xf32>,
      %get3A_370 = vector.shape_cast %get3A_369 : vector<1x16xf32> to vector<16xf32>
      %add3A_371 = vector.broadcast %add3A_366 : i32 to vector<16xi32>
      %add3A_372 = arith.addi %add3A_371, %iota3A : vector<16xi32>
      %div3A_373 = arith.constant 200 : i32
      %div3A_374 = vector.broadcast %div3A_373 : i32 to vector<16xi32>
      %div3A_375 = arith.divsi %add3A_372, %div3A_374 : vector<16xi32>
      %sub3A_376 = arith.constant 64 : i32
      %sub3A_377 = vector.broadcast %sub3A_376 : i32 to vector<16xi32>
      %sub3A_378 = arith.subi %div3A_375, %sub3A_377 : vector<16xi32>
      %gt3A_379 = arith.constant 0.000000e+00 : f32
      %gt3A_380 = vector.broadcast %gt3A_379 : f32 to vector<16xf32>
      %gt3A_381 = arith.cmpf ogt, %get3A_370, %gt3A_380 : vector<16xf32>
      %add3A_382 = vector.broadcast %mul3A_6 : i32 to vector<16xi32>
      %add3A_383 = arith.addi %add3A_382, %sub3A_378 : vector<16xi32>
      %jit3A_384 = arith.constant 512 : i32
      %broadcast_in_dim3A_385 = vector.broadcast %jit3A_384 : i32 to vector<16xi32>
      %select_n3A_386 = arith.select %gt3A_381, %add3A_383, %broadcast_in_dim3A_385 : vector<16xi1>, vector<16xi32>
      %swap3A_387 = arith.constant 112 : index
      %swap3A_388 = tpu.vector_load %arg9[%swap3A_387] {strides = array<i32>} : memref<128xi32, #tpu.memory_space<vmem>>, vector<16xi32>,
      %swap3A_389 = vector.shape_cast %swap3A_388 : vector<16xi32> to vector<16xi32>
      %swap3A_390 = vector.shape_cast %select_n3A_386 : vector<16xi32> to vector<16xi32>
      tpu.vector_store %arg9[%swap3A_387], %swap3A_390 {strides = array<i32>} : memref<128xi32, #tpu.memory_space<vmem>>, vector<16xi32>,
      %dma_start3A_391 = arith.constant 0 : i32
      %dma_start3A_392 = arith.constant 0 : i32
      %dma_start3A_393 = arith.constant 0 : i32
      %dma_start3A_394 = tpu.memref_slice %arg8[%dma_start3A_391, %dma_start3A_392, %dma_start3A_393] : memref<2x128x128xf32, #tpu.memory_space<vmem>> -> memref<1x128x128xf32, #tpu.memory_space<vmem>>
      %dma_start3A_395 = tpu.memref_squeeze %dma_start3A_394 : memref<1x128x128xf32, #tpu.memory_space<vmem>> -> memref<128x128xf32, #tpu.memory_space<vmem>>
      %dma_start3A_396 = arith.constant 0 : i32
      %dma_start3A_397 = arith.constant 0 : i32
      %dma_start3A_398 = tpu.memref_slice %arg13[%dma_start3A_396, %dma_start3A_397] : memref<520x128xf32, #tpu.memory_space<vmem_shared>> -> memref<520x128xf32, #tpu.memory_space<vmem_shared>>
      tpu.enqueue_indirect_dma source(%dma_start3A_395 : memref<128x128xf32, #tpu.memory_space<vmem>>) target(%dma_start3A_398 : memref<520x128xf32, #tpu.memory_space<vmem_shared>>) offsets(%arg9 : memref<128xi32, #tpu.memory_space<vmem>>) semaphore(%arg16 : memref<!tpu.dma_semaphore, #tpu.memory_space<semaphore_mem>>) {add = true}
      %gt3A_399 = arith.constant 0 : i32
      %gt3A_400 = arith.cmpi sgt, %scan3A_166, %gt3A_399 : i32
      %convert_element_type3A = arith.extui %gt3A_400 : i1 to i32
      %cond3A = arith.constant 0 : i32
      %cond3A_401 = arith.cmpi ne, %convert_element_type3A, %cond3A : i32
      scf.if %cond3A_401 {
        %dma_wait3A_673 = arith.constant 1 : i32
        %dma_wait3A_674 = arith.constant 0 : i32
        %dma_wait3A_675 = arith.constant 0 : i32
        %dma_wait3A_676 = tpu.memref_slice %arg8[%dma_wait3A_673, %dma_wait3A_674, %dma_wait3A_675] : memref<2x128x128xf32, #tpu.memory_space<vmem>> -> memref<1x128x128xf32, #tpu.memory_space<vmem>>
        %dma_wait3A_677 = tpu.memref_squeeze %dma_wait3A_676 : memref<1x128x128xf32, #tpu.memory_space<vmem>> -> memref<128x128xf32, #tpu.memory_space<vmem>>
        %dma_wait3A_678 = arith.constant 0 : i32
        %dma_wait3A_679 = arith.constant 0 : i32
        %dma_wait3A_680 = tpu.memref_slice %arg13[%dma_wait3A_678, %dma_wait3A_679] : memref<520x128xf32, #tpu.memory_space<vmem_shared>> -> memref<520x128xf32, #tpu.memory_space<vmem_shared>>
        tpu.wait_indirect_dma semaphore(%arg17 : memref<!tpu.dma_semaphore, #tpu.memory_space<semaphore_mem>>) src(%dma_wait3A_677 : memref<128x128xf32, #tpu.memory_space<vmem>>) dst(%dma_wait3A_680 : memref<520x128xf32, #tpu.memory_space<vmem_shared>>)
      } else {
      }
      %add3A_402 = arith.constant 1 : i32
      %add3A_403 = arith.addi %add3A_171, %add3A_402 : i32
      %mul3A_404 = arith.constant 128 : i32
      %mul3A_405 = arith.muli %add3A_403, %mul3A_404 : i32
      %add3A_406 = arith.addi %mul3A_4, %mul3A_405 : i32
      %dma_start3A_407 = arith.constant 1 : i32
      %dma_start3A_408 = arith.constant 0 : i32
      %dma_start3A_409 = arith.constant 0 : i32
      %dma_start3A_410 = tpu.memref_slice %arg8[%dma_start3A_407, %dma_start3A_408, %dma_start3A_409] : memref<2x128x128xf32, #tpu.memory_space<vmem>> -> memref<1x128x128xf32, #tpu.memory_space<vmem>>
      %dma_start3A_411 = tpu.memref_squeeze %dma_start3A_410 : memref<1x128x128xf32, #tpu.memory_space<vmem>> -> memref<128x128xf32, #tpu.memory_space<vmem>>
      %dma_start3A_412 = arith.constant 0 : i32
      %dma_start3A_413 = tpu.memref_slice %arg2[%add3A_406, %dma_start3A_412] : memref<819200x128xf32, #tpu.memory_space<hbm>> -> memref<128x128xf32, #tpu.memory_space<hbm>>
      %dma_start3A_414 = arith.constant 0 : i32
      %dma_start3A_415 = arith.constant 0 : i32
      %dma_start3A_416 = tpu.memref_slice %arg8[%dma_start3A_407, %dma_start3A_414, %dma_start3A_415] : memref<2x128x128xf32, #tpu.memory_space<vmem>> -> memref<1x128x128xf32, #tpu.memory_space<vmem>>
      %dma_start3A_417 = tpu.memref_squeeze %dma_start3A_416 : memref<1x128x128xf32, #tpu.memory_space<vmem>> -> memref<128x128xf32, #tpu.memory_space<vmem>>
      %dma_start3A_418 = arith.constant 0 : i32
      %dma_start3A_419 = tpu.memref_slice %arg2[%add3A_406, %dma_start3A_418] : memref<819200x128xf32, #tpu.memory_space<hbm>> -> memref<128x128xf32, #tpu.memory_space<hbm>>
      tpu.enqueue_dma source(%dma_start3A_419 : memref<128x128xf32, #tpu.memory_space<hbm>>) target(%dma_start3A_417 : memref<128x128xf32, #tpu.memory_space<vmem>>) target_semaphore(%arg15 : memref<!tpu.dma_semaphore, #tpu.memory_space<semaphore_mem>>)
      %add3A_420 = arith.constant 1 : i32
      %add3A_421 = arith.addi %add3A_171, %add3A_420 : i32
      %mul3A_422 = arith.constant 128 : i32
      %mul3A_423 = arith.muli %add3A_421, %mul3A_422 : i32
      %add3A_424 = arith.addi %mul3A_4, %mul3A_423 : i32
      %dma_wait3A_425 = arith.constant 1 : i32
      %dma_wait3A_426 = arith.constant 0 : i32
      %dma_wait3A_427 = arith.constant 0 : i32
      %dma_wait3A_428 = tpu.memref_slice %arg8[%dma_wait3A_425, %dma_wait3A_426, %dma_wait3A_427] : memref<2x128x128xf32, #tpu.memory_space<vmem>> -> memref<1x128x128xf32, #tpu.memory_space<vmem>>
      %dma_wait3A_429 = tpu.memref_squeeze %dma_wait3A_428 : memref<1x128x128xf32, #tpu.memory_space<vmem>> -> memref<128x128xf32, #tpu.memory_space<vmem>>
      %dma_wait3A_430 = arith.constant 0 : i32
      %dma_wait3A_431 = tpu.memref_slice %arg2[%add3A_424, %dma_wait3A_430] : memref<819200x128xf32, #tpu.memory_space<hbm>> -> memref<128x128xf32, #tpu.memory_space<hbm>>
      %dma_wait3A_432 = arith.constant 0 : i32
      %dma_wait3A_433 = arith.constant 0 : i32
      %dma_wait3A_434 = tpu.memref_slice %arg8[%dma_wait3A_425, %dma_wait3A_432, %dma_wait3A_433] : memref<2x128x128xf32, #tpu.memory_space<vmem>> -> memref<1x128x128xf32, #tpu.memory_space<vmem>>
      %dma_wait3A_435 = tpu.memref_squeeze %dma_wait3A_434 : memref<1x128x128xf32, #tpu.memory_space<vmem>> -> memref<128x128xf32, #tpu.memory_space<vmem>>
      %dma_wait3A_436 = arith.constant 0 : i32
      %dma_wait3A_437 = tpu.memref_slice %arg2[%add3A_424, %dma_wait3A_436] : memref<819200x128xf32, #tpu.memory_space<hbm>> -> memref<128x128xf32, #tpu.memory_space<hbm>>
      tpu.wait_dma2 semaphore(%arg15 : memref<!tpu.dma_semaphore, #tpu.memory_space<semaphore_mem>>) src(%dma_wait3A_437 : memref<128x128xf32, #tpu.memory_space<hbm>>) dst(%dma_wait3A_435 : memref<128x128xf32, #tpu.memory_space<vmem>>)
      %add3A_438 = arith.constant 1 : i32
      %add3A_439 = arith.addi %add3A_171, %add3A_438 : i32
      %mul3A_440 = arith.constant 128 : i32
      %mul3A_441 = arith.muli %add3A_439, %mul3A_440 : i32
      %add3A_442 = arith.constant 0 : i32
      %add3A_443 = arith.addi %mul3A_441, %add3A_442 : i32
      %get3A_444 = arith.index_cast %add3A_439 : i32 to index
      %get3A_445 = arith.constant 0 : index
      %get3A_446 = tpu.vector_load %arg7[%get3A_444, %get3A_445] {strides = array<i32>} : memref<200x128xf32, #tpu.memory_space<vmem>>, vector<1x16xf32>,
      %get3A_447 = vector.shape_cast %get3A_446 : vector<1x16xf32> to vector<16xf32>
      %add3A_448 = vector.broadcast %add3A_443 : i32 to vector<16xi32>
      %add3A_449 = arith.addi %add3A_448, %iota3A : vector<16xi32>
      %div3A_450 = arith.constant 200 : i32
      %div3A_451 = vector.broadcast %div3A_450 : i32 to vector<16xi32>
      %div3A_452 = arith.divsi %add3A_449, %div3A_451 : vector<16xi32>
      %sub3A_453 = arith.constant 64 : i32
      %sub3A_454 = vector.broadcast %sub3A_453 : i32 to vector<16xi32>
      %sub3A_455 = arith.subi %div3A_452, %sub3A_454 : vector<16xi32>
      %gt3A_456 = arith.constant 0.000000e+00 : f32
      %gt3A_457 = vector.broadcast %gt3A_456 : f32 to vector<16xf32>
      %gt3A_458 = arith.cmpf ogt, %get3A_447, %gt3A_457 : vector<16xf32>
      %add3A_459 = vector.broadcast %mul3A_6 : i32 to vector<16xi32>
      %add3A_460 = arith.addi %add3A_459, %sub3A_455 : vector<16xi32>
      %jit3A_461 = arith.constant 512 : i32
      %broadcast_in_dim3A_462 = vector.broadcast %jit3A_461 : i32 to vector<16xi32>
      %select_n3A_463 = arith.select %gt3A_458, %add3A_460, %broadcast_in_dim3A_462 : vector<16xi1>, vector<16xi32>
      %swap3A_464 = arith.constant 0 : index
      %swap3A_465 = tpu.vector_load %arg10[%swap3A_464] {strides = array<i32>} : memref<128xi32, #tpu.memory_space<vmem>>, vector<16xi32>,
      %swap3A_466 = vector.shape_cast %swap3A_465 : vector<16xi32> to vector<16xi32>
      %swap3A_467 = vector.shape_cast %select_n3A_463 : vector<16xi32> to vector<16xi32>
      tpu.vector_store %arg10[%swap3A_464], %swap3A_467 {strides = array<i32>} : memref<128xi32, #tpu.memory_space<vmem>>, vector<16xi32>,
      %add3A_468 = arith.constant 16 : i32
      %add3A_469 = arith.addi %mul3A_441, %add3A_468 : i32
      %get3A_470 = arith.index_cast %add3A_439 : i32 to index
      %get3A_471 = arith.constant 16 : index
      %get3A_472 = tpu.vector_load %arg7[%get3A_470, %get3A_471] {strides = array<i32>} : memref<200x128xf32, #tpu.memory_space<vmem>>, vector<1x16xf32>,
      %get3A_473 = vector.shape_cast %get3A_472 : vector<1x16xf32> to vector<16xf32>
      %add3A_474 = vector.broadcast %add3A_469 : i32 to vector<16xi32>
      %add3A_475 = arith.addi %add3A_474, %iota3A : vector<16xi32>
      %div3A_476 = arith.constant 200 : i32
      %div3A_477 = vector.broadcast %div3A_476 : i32 to vector<16xi32>
      %div3A_478 = arith.divsi %add3A_475, %div3A_477 : vector<16xi32>
      %sub3A_479 = arith.constant 64 : i32
      %sub3A_480 = vector.broadcast %sub3A_479 : i32 to vector<16xi32>
      %sub3A_481 = arith.subi %div3A_478, %sub3A_480 : vector<16xi32>
      %gt3A_482 = arith.constant 0.000000e+00 : f32
      %gt3A_483 = vector.broadcast %gt3A_482 : f32 to vector<16xf32>
      %gt3A_484 = arith.cmpf ogt, %get3A_473, %gt3A_483 : vector<16xf32>
      %add3A_485 = vector.broadcast %mul3A_6 : i32 to vector<16xi32>
      %add3A_486 = arith.addi %add3A_485, %sub3A_481 : vector<16xi32>
      %jit3A_487 = arith.constant 512 : i32
      %broadcast_in_dim3A_488 = vector.broadcast %jit3A_487 : i32 to vector<16xi32>
      %select_n3A_489 = arith.select %gt3A_484, %add3A_486, %broadcast_in_dim3A_488 : vector<16xi1>, vector<16xi32>
      %swap3A_490 = arith.constant 16 : index
      %swap3A_491 = tpu.vector_load %arg10[%swap3A_490] {strides = array<i32>} : memref<128xi32, #tpu.memory_space<vmem>>, vector<16xi32>,
      %swap3A_492 = vector.shape_cast %swap3A_491 : vector<16xi32> to vector<16xi32>
      %swap3A_493 = vector.shape_cast %select_n3A_489 : vector<16xi32> to vector<16xi32>
      tpu.vector_store %arg10[%swap3A_490], %swap3A_493 {strides = array<i32>} : memref<128xi32, #tpu.memory_space<vmem>>, vector<16xi32>,
      %add3A_494 = arith.constant 32 : i32
      %add3A_495 = arith.addi %mul3A_441, %add3A_494 : i32
      %get3A_496 = arith.index_cast %add3A_439 : i32 to index
      %get3A_497 = arith.constant 32 : index
      %get3A_498 = tpu.vector_load %arg7[%get3A_496, %get3A_497] {strides = array<i32>} : memref<200x128xf32, #tpu.memory_space<vmem>>, vector<1x16xf32>,
      %get3A_499 = vector.shape_cast %get3A_498 : vector<1x16xf32> to vector<16xf32>
      %add3A_500 = vector.broadcast %add3A_495 : i32 to vector<16xi32>
      %add3A_501 = arith.addi %add3A_500, %iota3A : vector<16xi32>
      %div3A_502 = arith.constant 200 : i32
      %div3A_503 = vector.broadcast %div3A_502 : i32 to vector<16xi32>
      %div3A_504 = arith.divsi %add3A_501, %div3A_503 : vector<16xi32>
      %sub3A_505 = arith.constant 64 : i32
      %sub3A_506 = vector.broadcast %sub3A_505 : i32 to vector<16xi32>
      %sub3A_507 = arith.subi %div3A_504, %sub3A_506 : vector<16xi32>
      %gt3A_508 = arith.constant 0.000000e+00 : f32
      %gt3A_509 = vector.broadcast %gt3A_508 : f32 to vector<16xf32>
      %gt3A_510 = arith.cmpf ogt, %get3A_499, %gt3A_509 : vector<16xf32>
      %add3A_511 = vector.broadcast %mul3A_6 : i32 to vector<16xi32>
      %add3A_512 = arith.addi %add3A_511, %sub3A_507 : vector<16xi32>
      %jit3A_513 = arith.constant 512 : i32
      %broadcast_in_dim3A_514 = vector.broadcast %jit3A_513 : i32 to vector<16xi32>
      %select_n3A_515 = arith.select %gt3A_510, %add3A_512, %broadcast_in_dim3A_514 : vector<16xi1>, vector<16xi32>
      %swap3A_516 = arith.constant 32 : index
      %swap3A_517 = tpu.vector_load %arg10[%swap3A_516] {strides = array<i32>} : memref<128xi32, #tpu.memory_space<vmem>>, vector<16xi32>,
      %swap3A_518 = vector.shape_cast %swap3A_517 : vector<16xi32> to vector<16xi32>
      %swap3A_519 = vector.shape_cast %select_n3A_515 : vector<16xi32> to vector<16xi32>
      tpu.vector_store %arg10[%swap3A_516], %swap3A_519 {strides = array<i32>} : memref<128xi32, #tpu.memory_space<vmem>>, vector<16xi32>,
      %add3A_520 = arith.constant 48 : i32
      %add3A_521 = arith.addi %mul3A_441, %add3A_520 : i32
      %get3A_522 = arith.index_cast %add3A_439 : i32 to index
      %get3A_523 = arith.constant 48 : index
      %get3A_524 = tpu.vector_load %arg7[%get3A_522, %get3A_523] {strides = array<i32>} : memref<200x128xf32, #tpu.memory_space<vmem>>, vector<1x16xf32>,
      %get3A_525 = vector.shape_cast %get3A_524 : vector<1x16xf32> to vector<16xf32>
      %add3A_526 = vector.broadcast %add3A_521 : i32 to vector<16xi32>
      %add3A_527 = arith.addi %add3A_526, %iota3A : vector<16xi32>
      %div3A_528 = arith.constant 200 : i32
      %div3A_529 = vector.broadcast %div3A_528 : i32 to vector<16xi32>
      %div3A_530 = arith.divsi %add3A_527, %div3A_529 : vector<16xi32>
      %sub3A_531 = arith.constant 64 : i32
      %sub3A_532 = vector.broadcast %sub3A_531 : i32 to vector<16xi32>
      %sub3A_533 = arith.subi %div3A_530, %sub3A_532 : vector<16xi32>
      %gt3A_534 = arith.constant 0.000000e+00 : f32
      %gt3A_535 = vector.broadcast %gt3A_534 : f32 to vector<16xf32>
      %gt3A_536 = arith.cmpf ogt, %get3A_525, %gt3A_535 : vector<16xf32>
      %add3A_537 = vector.broadcast %mul3A_6 : i32 to vector<16xi32>
      %add3A_538 = arith.addi %add3A_537, %sub3A_533 : vector<16xi32>
      %jit3A_539 = arith.constant 512 : i32
      %broadcast_in_dim3A_540 = vector.broadcast %jit3A_539 : i32 to vector<16xi32>
      %select_n3A_541 = arith.select %gt3A_536, %add3A_538, %broadcast_in_dim3A_540 : vector<16xi1>, vector<16xi32>
      %swap3A_542 = arith.constant 48 : index
      %swap3A_543 = tpu.vector_load %arg10[%swap3A_542] {strides = array<i32>} : memref<128xi32, #tpu.memory_space<vmem>>, vector<16xi32>,
      %swap3A_544 = vector.shape_cast %swap3A_543 : vector<16xi32> to vector<16xi32>
      %swap3A_545 = vector.shape_cast %select_n3A_541 : vector<16xi32> to vector<16xi32>
      tpu.vector_store %arg10[%swap3A_542], %swap3A_545 {strides = array<i32>} : memref<128xi32, #tpu.memory_space<vmem>>, vector<16xi32>,
      %add3A_546 = arith.constant 64 : i32
      %add3A_547 = arith.addi %mul3A_441, %add3A_546 : i32
      %get3A_548 = arith.index_cast %add3A_439 : i32 to index
      %get3A_549 = arith.constant 64 : index
      %get3A_550 = tpu.vector_load %arg7[%get3A_548, %get3A_549] {strides = array<i32>} : memref<200x128xf32, #tpu.memory_space<vmem>>, vector<1x16xf32>,
      %get3A_551 = vector.shape_cast %get3A_550 : vector<1x16xf32> to vector<16xf32>
      %add3A_552 = vector.broadcast %add3A_547 : i32 to vector<16xi32>
      %add3A_553 = arith.addi %add3A_552, %iota3A : vector<16xi32>
      %div3A_554 = arith.constant 200 : i32
      %div3A_555 = vector.broadcast %div3A_554 : i32 to vector<16xi32>
      %div3A_556 = arith.divsi %add3A_553, %div3A_555 : vector<16xi32>
      %sub3A_557 = arith.constant 64 : i32
      %sub3A_558 = vector.broadcast %sub3A_557 : i32 to vector<16xi32>
      %sub3A_559 = arith.subi %div3A_556, %sub3A_558 : vector<16xi32>
      %gt3A_560 = arith.constant 0.000000e+00 : f32
      %gt3A_561 = vector.broadcast %gt3A_560 : f32 to vector<16xf32>
      %gt3A_562 = arith.cmpf ogt, %get3A_551, %gt3A_561 : vector<16xf32>
      %add3A_563 = vector.broadcast %mul3A_6 : i32 to vector<16xi32>
      %add3A_564 = arith.addi %add3A_563, %sub3A_559 : vector<16xi32>
      %jit3A_565 = arith.constant 512 : i32
      %broadcast_in_dim3A_566 = vector.broadcast %jit3A_565 : i32 to vector<16xi32>
      %select_n3A_567 = arith.select %gt3A_562, %add3A_564, %broadcast_in_dim3A_566 : vector<16xi1>, vector<16xi32>
      %swap3A_568 = arith.constant 64 : index
      %swap3A_569 = tpu.vector_load %arg10[%swap3A_568] {strides = array<i32>} : memref<128xi32, #tpu.memory_space<vmem>>, vector<16xi32>,
      %swap3A_570 = vector.shape_cast %swap3A_569 : vector<16xi32> to vector<16xi32>
      %swap3A_571 = vector.shape_cast %select_n3A_567 : vector<16xi32> to vector<16xi32>
      tpu.vector_store %arg10[%swap3A_568], %swap3A_571 {strides = array<i32>} : memref<128xi32, #tpu.memory_space<vmem>>, vector<16xi32>,
      %add3A_572 = arith.constant 80 : i32
      %add3A_573 = arith.addi %mul3A_441, %add3A_572 : i32
      %get3A_574 = arith.index_cast %add3A_439 : i32 to index
      %get3A_575 = arith.constant 80 : index
      %get3A_576 = tpu.vector_load %arg7[%get3A_574, %get3A_575] {strides = array<i32>} : memref<200x128xf32, #tpu.memory_space<vmem>>, vector<1x16xf32>,
      %get3A_577 = vector.shape_cast %get3A_576 : vector<1x16xf32> to vector<16xf32>
      %add3A_578 = vector.broadcast %add3A_573 : i32 to vector<16xi32>
      %add3A_579 = arith.addi %add3A_578, %iota3A : vector<16xi32>
      %div3A_580 = arith.constant 200 : i32
      %div3A_581 = vector.broadcast %div3A_580 : i32 to vector<16xi32>
      %div3A_582 = arith.divsi %add3A_579, %div3A_581 : vector<16xi32>
      %sub3A_583 = arith.constant 64 : i32
      %sub3A_584 = vector.broadcast %sub3A_583 : i32 to vector<16xi32>
      %sub3A_585 = arith.subi %div3A_582, %sub3A_584 : vector<16xi32>
      %gt3A_586 = arith.constant 0.000000e+00 : f32
      %gt3A_587 = vector.broadcast %gt3A_586 : f32 to vector<16xf32>
      %gt3A_588 = arith.cmpf ogt, %get3A_577, %gt3A_587 : vector<16xf32>
      %add3A_589 = vector.broadcast %mul3A_6 : i32 to vector<16xi32>
      %add3A_590 = arith.addi %add3A_589, %sub3A_585 : vector<16xi32>
      %jit3A_591 = arith.constant 512 : i32
      %broadcast_in_dim3A_592 = vector.broadcast %jit3A_591 : i32 to vector<16xi32>
      %select_n3A_593 = arith.select %gt3A_588, %add3A_590, %broadcast_in_dim3A_592 : vector<16xi1>, vector<16xi32>
      %swap3A_594 = arith.constant 80 : index
      %swap3A_595 = tpu.vector_load %arg10[%swap3A_594] {strides = array<i32>} : memref<128xi32, #tpu.memory_space<vmem>>, vector<16xi32>,
      %swap3A_596 = vector.shape_cast %swap3A_595 : vector<16xi32> to vector<16xi32>
      %swap3A_597 = vector.shape_cast %select_n3A_593 : vector<16xi32> to vector<16xi32>
      tpu.vector_store %arg10[%swap3A_594], %swap3A_597 {strides = array<i32>} : memref<128xi32, #tpu.memory_space<vmem>>, vector<16xi32>,
      %add3A_598 = arith.constant 96 : i32
      %add3A_599 = arith.addi %mul3A_441, %add3A_598 : i32
      %get3A_600 = arith.index_cast %add3A_439 : i32 to index
      %get3A_601 = arith.constant 96 : index
      %get3A_602 = tpu.vector_load %arg7[%get3A_600, %get3A_601] {strides = array<i32>} : memref<200x128xf32, #tpu.memory_space<vmem>>, vector<1x16xf32>,
      %get3A_603 = vector.shape_cast %get3A_602 : vector<1x16xf32> to vector<16xf32>
      %add3A_604 = vector.broadcast %add3A_599 : i32 to vector<16xi32>
      %add3A_605 = arith.addi %add3A_604, %iota3A : vector<16xi32>
      %div3A_606 = arith.constant 200 : i32
      %div3A_607 = vector.broadcast %div3A_606 : i32 to vector<16xi32>
      %div3A_608 = arith.divsi %add3A_605, %div3A_607 : vector<16xi32>
      %sub3A_609 = arith.constant 64 : i32
      %sub3A_610 = vector.broadcast %sub3A_609 : i32 to vector<16xi32>
      %sub3A_611 = arith.subi %div3A_608, %sub3A_610 : vector<16xi32>
      %gt3A_612 = arith.constant 0.000000e+00 : f32
      %gt3A_613 = vector.broadcast %gt3A_612 : f32 to vector<16xf32>
      %gt3A_614 = arith.cmpf ogt, %get3A_603, %gt3A_613 : vector<16xf32>
      %add3A_615 = vector.broadcast %mul3A_6 : i32 to vector<16xi32>
      %add3A_616 = arith.addi %add3A_615, %sub3A_611 : vector<16xi32>
      %jit3A_617 = arith.constant 512 : i32
      %broadcast_in_dim3A_618 = vector.broadcast %jit3A_617 : i32 to vector<16xi32>
      %select_n3A_619 = arith.select %gt3A_614, %add3A_616, %broadcast_in_dim3A_618 : vector<16xi1>, vector<16xi32>
      %swap3A_620 = arith.constant 96 : index
      %swap3A_621 = tpu.vector_load %arg10[%swap3A_620] {strides = array<i32>} : memref<128xi32, #tpu.memory_space<vmem>>, vector<16xi32>,
      %swap3A_622 = vector.shape_cast %swap3A_621 : vector<16xi32> to vector<16xi32>
      %swap3A_623 = vector.shape_cast %select_n3A_619 : vector<16xi32> to vector<16xi32>
      tpu.vector_store %arg10[%swap3A_620], %swap3A_623 {strides = array<i32>} : memref<128xi32, #tpu.memory_space<vmem>>, vector<16xi32>,
      %add3A_624 = arith.constant 112 : i32
      %add3A_625 = arith.addi %mul3A_441, %add3A_624 : i32
      %get3A_626 = arith.index_cast %add3A_439 : i32 to index
      %get3A_627 = arith.constant 112 : index
      %get3A_628 = tpu.vector_load %arg7[%get3A_626, %get3A_627] {strides = array<i32>} : memref<200x128xf32, #tpu.memory_space<vmem>>, vector<1x16xf32>,
      %get3A_629 = vector.shape_cast %get3A_628 : vector<1x16xf32> to vector<16xf32>
      %add3A_630 = vector.broadcast %add3A_625 : i32 to vector<16xi32>
      %add3A_631 = arith.addi %add3A_630, %iota3A : vector<16xi32>
      %div3A_632 = arith.constant 200 : i32
      %div3A_633 = vector.broadcast %div3A_632 : i32 to vector<16xi32>
      %div3A_634 = arith.divsi %add3A_631, %div3A_633 : vector<16xi32>
      %sub3A_635 = arith.constant 64 : i32
      %sub3A_636 = vector.broadcast %sub3A_635 : i32 to vector<16xi32>
      %sub3A_637 = arith.subi %div3A_634, %sub3A_636 : vector<16xi32>
      %gt3A_638 = arith.constant 0.000000e+00 : f32
      %gt3A_639 = vector.broadcast %gt3A_638 : f32 to vector<16xf32>
      %gt3A_640 = arith.cmpf ogt, %get3A_629, %gt3A_639 : vector<16xf32>
      %add3A_641 = vector.broadcast %mul3A_6 : i32 to vector<16xi32>
      %add3A_642 = arith.addi %add3A_641, %sub3A_637 : vector<16xi32>
      %jit3A_643 = arith.constant 512 : i32
      %broadcast_in_dim3A_644 = vector.broadcast %jit3A_643 : i32 to vector<16xi32>
      %select_n3A_645 = arith.select %gt3A_640, %add3A_642, %broadcast_in_dim3A_644 : vector<16xi1>, vector<16xi32>
      %swap3A_646 = arith.constant 112 : index
      %swap3A_647 = tpu.vector_load %arg10[%swap3A_646] {strides = array<i32>} : memref<128xi32, #tpu.memory_space<vmem>>, vector<16xi32>,
      %swap3A_648 = vector.shape_cast %swap3A_647 : vector<16xi32> to vector<16xi32>
      %swap3A_649 = vector.shape_cast %select_n3A_645 : vector<16xi32> to vector<16xi32>
      tpu.vector_store %arg10[%swap3A_646], %swap3A_649 {strides = array<i32>} : memref<128xi32, #tpu.memory_space<vmem>>, vector<16xi32>,
      %dma_start3A_650 = arith.constant 1 : i32
      %dma_start3A_651 = arith.constant 0 : i32
      %dma_start3A_652 = arith.constant 0 : i32
      %dma_start3A_653 = tpu.memref_slice %arg8[%dma_start3A_650, %dma_start3A_651, %dma_start3A_652] : memref<2x128x128xf32, #tpu.memory_space<vmem>> -> memref<1x128x128xf32, #tpu.memory_space<vmem>>
      %dma_start3A_654 = tpu.memref_squeeze %dma_start3A_653 : memref<1x128x128xf32, #tpu.memory_space<vmem>> -> memref<128x128xf32, #tpu.memory_space<vmem>>
      %dma_start3A_655 = arith.constant 0 : i32
      %dma_start3A_656 = arith.constant 0 : i32
      %dma_start3A_657 = tpu.memref_slice %arg13[%dma_start3A_655, %dma_start3A_656] : memref<520x128xf32, #tpu.memory_space<vmem_shared>> -> memref<520x128xf32, #tpu.memory_space<vmem_shared>>
      tpu.enqueue_indirect_dma source(%dma_start3A_654 : memref<128x128xf32, #tpu.memory_space<vmem>>) target(%dma_start3A_657 : memref<520x128xf32, #tpu.memory_space<vmem_shared>>) offsets(%arg10 : memref<128xi32, #tpu.memory_space<vmem>>) semaphore(%arg17 : memref<!tpu.dma_semaphore, #tpu.memory_space<semaphore_mem>>) {add = true}
      %dma_wait3A_658 = arith.constant 0 : i32
      %dma_wait3A_659 = arith.constant 0 : i32
      %dma_wait3A_660 = arith.constant 0 : i32
      %dma_wait3A_661 = tpu.memref_slice %arg8[%dma_wait3A_658, %dma_wait3A_659, %dma_wait3A_660] : memref<2x128x128xf32, #tpu.memory_space<vmem>> -> memref<1x128x128xf32, #tpu.memory_space<vmem>>
      %dma_wait3A_662 = tpu.memref_squeeze %dma_wait3A_661 : memref<1x128x128xf32, #tpu.memory_space<vmem>> -> memref<128x128xf32, #tpu.memory_space<vmem>>
      %dma_wait3A_663 = arith.constant 0 : i32
      %dma_wait3A_664 = arith.constant 0 : i32
      %dma_wait3A_665 = tpu.memref_slice %arg13[%dma_wait3A_663, %dma_wait3A_664] : memref<520x128xf32, #tpu.memory_space<vmem_shared>> -> memref<520x128xf32, #tpu.memory_space<vmem_shared>>
      tpu.wait_indirect_dma semaphore(%arg16 : memref<!tpu.dma_semaphore, #tpu.memory_space<semaphore_mem>>) src(%dma_wait3A_662 : memref<128x128xf32, #tpu.memory_space<vmem>>) dst(%dma_wait3A_665 : memref<520x128xf32, #tpu.memory_space<vmem_shared>>)
      %add3A_666 = arith.constant 1 : i32
      %add3A_667 = arith.addi %scan3A_166, %add3A_666 : i32
      %lt3A = arith.constant 25 : i32
      %lt3A_668 = arith.cmpi slt, %add3A_667, %lt3A : i32
      %convert_element_type3A_669 = arith.extui %lt3A_668 : i1 to i32
      %cond3A_670 = arith.constant 0 : i32
      %cond3A_671 = arith.cmpi ne, %convert_element_type3A_669, %cond3A_670 : i32
      scf.if %cond3A_671 {
        %add3A_673 = arith.constant 2 : i32
        %add3A_674 = arith.addi %add3A_171, %add3A_673 : i32
        %mul3A_675 = arith.constant 128 : i32
        %mul3A_676 = arith.muli %add3A_674, %mul3A_675 : i32
        %add3A_677 = arith.addi %mul3A_4, %mul3A_676 : i32
        %dma_start3A_678 = arith.constant 0 : i32
        %dma_start3A_679 = arith.constant 0 : i32
        %dma_start3A_680 = arith.constant 0 : i32
        %dma_start3A_681 = tpu.memref_slice %arg8[%dma_start3A_678, %dma_start3A_679, %dma_start3A_680] : memref<2x128x128xf32, #tpu.memory_space<vmem>> -> memref<1x128x128xf32, #tpu.memory_space<vmem>>
        %dma_start3A_682 = tpu.memref_squeeze %dma_start3A_681 : memref<1x128x128xf32, #tpu.memory_space<vmem>> -> memref<128x128xf32, #tpu.memory_space<vmem>>
        %dma_start3A_683 = arith.constant 0 : i32
        %dma_start3A_684 = tpu.memref_slice %arg2[%add3A_677, %dma_start3A_683] : memref<819200x128xf32, #tpu.memory_space<hbm>> -> memref<128x128xf32, #tpu.memory_space<hbm>>
        %dma_start3A_685 = arith.constant 0 : i32
        %dma_start3A_686 = arith.constant 0 : i32
        %dma_start3A_687 = tpu.memref_slice %arg8[%dma_start3A_678, %dma_start3A_685, %dma_start3A_686] : memref<2x128x128xf32, #tpu.memory_space<vmem>> -> memref<1x128x128xf32, #tpu.memory_space<vmem>>
        %dma_start3A_688 = tpu.memref_squeeze %dma_start3A_687 : memref<1x128x128xf32, #tpu.memory_space<vmem>> -> memref<128x128xf32, #tpu.memory_space<vmem>>
        %dma_start3A_689 = arith.constant 0 : i32
        %dma_start3A_690 = tpu.memref_slice %arg2[%add3A_677, %dma_start3A_689] : memref<819200x128xf32, #tpu.memory_space<hbm>> -> memref<128x128xf32, #tpu.memory_space<hbm>>
        tpu.enqueue_dma source(%dma_start3A_690 : memref<128x128xf32, #tpu.memory_space<hbm>>) target(%dma_start3A_688 : memref<128x128xf32, #tpu.memory_space<vmem>>) target_semaphore(%arg14 : memref<!tpu.dma_semaphore, #tpu.memory_space<semaphore_mem>>)
      } else {
      }
      %scan3A_672 = arith.constant 0 : i32
      scf.yield %scan3A_672 : i32
    }
    %scan3A_120 = arith.constant 25 : i32
    %dma_wait3A_121 = arith.constant 1 : i32
    %dma_wait3A_122 = arith.constant 0 : i32
    %dma_wait3A_123 = arith.constant 0 : i32
    %dma_wait3A_124 = tpu.memref_slice %arg8[%dma_wait3A_121, %dma_wait3A_122, %dma_wait3A_123] : memref<2x128x128xf32, #tpu.memory_space<vmem>> -> memref<1x128x128xf32, #tpu.memory_space<vmem>>
    %dma_wait3A_125 = tpu.memref_squeeze %dma_wait3A_124 : memref<1x128x128xf32, #tpu.memory_space<vmem>> -> memref<128x128xf32, #tpu.memory_space<vmem>>
    %dma_wait3A_126 = arith.constant 0 : i32
    %dma_wait3A_127 = arith.constant 0 : i32
    %dma_wait3A_128 = tpu.memref_slice %arg13[%dma_wait3A_126, %dma_wait3A_127] : memref<520x128xf32, #tpu.memory_space<vmem_shared>> -> memref<520x128xf32, #tpu.memory_space<vmem_shared>>
    tpu.wait_indirect_dma semaphore(%arg17 : memref<!tpu.dma_semaphore, #tpu.memory_space<semaphore_mem>>) src(%dma_wait3A_125 : memref<128x128xf32, #tpu.memory_space<vmem>>) dst(%dma_wait3A_128 : memref<520x128xf32, #tpu.memory_space<vmem_shared>>)
    "tpu.region"() ({
      %run_scoped3A = tpu.sem_alloc : memref<!tpu.dma_semaphore, #tpu.memory_space<semaphore_mem>>
      %dma_start3A_166 = arith.constant 64 : i32
      %dma_start3A_167 = arith.constant 0 : i32
      %dma_start3A_168 = tpu.memref_slice %arg12[%dma_start3A_166, %dma_start3A_167] : memref<128x128xf32, #tpu.memory_space<vmem>> -> memref<32x128xf32, #tpu.memory_space<vmem>>
      %dma_start3A_169 = arith.constant 0 : i32
      %dma_start3A_170 = tpu.memref_slice %arg13[%mul3A_6, %dma_start3A_169] : memref<520x128xf32, #tpu.memory_space<vmem_shared>> -> memref<32x128xf32, #tpu.memory_space<vmem_shared>>
      %dma_start3A_171 = arith.constant 64 : i32
      %dma_start3A_172 = arith.constant 0 : i32
      %dma_start3A_173 = tpu.memref_slice %arg12[%dma_start3A_171, %dma_start3A_172] : memref<128x128xf32, #tpu.memory_space<vmem>> -> memref<32x128xf32, #tpu.memory_space<vmem>>
      %dma_start3A_174 = arith.constant 0 : i32
      %dma_start3A_175 = tpu.memref_slice %arg13[%mul3A_6, %dma_start3A_174] : memref<520x128xf32, #tpu.memory_space<vmem_shared>> -> memref<32x128xf32, #tpu.memory_space<vmem_shared>>
      tpu.enqueue_dma source(%dma_start3A_175 : memref<32x128xf32, #tpu.memory_space<vmem_shared>>) target(%dma_start3A_173 : memref<32x128xf32, #tpu.memory_space<vmem>>) target_semaphore(%run_scoped3A : memref<!tpu.dma_semaphore, #tpu.memory_space<semaphore_mem>>)
      %dma_wait3A_176 = arith.constant 64 : i32
      %dma_wait3A_177 = arith.constant 0 : i32
      %dma_wait3A_178 = tpu.memref_slice %arg12[%dma_wait3A_176, %dma_wait3A_177] : memref<128x128xf32, #tpu.memory_space<vmem>> -> memref<32x128xf32, #tpu.memory_space<vmem>>
      %dma_wait3A_179 = arith.constant 0 : i32
      %dma_wait3A_180 = tpu.memref_slice %arg13[%mul3A_6, %dma_wait3A_179] : memref<520x128xf32, #tpu.memory_space<vmem_shared>> -> memref<32x128xf32, #tpu.memory_space<vmem_shared>>
      %dma_wait3A_181 = arith.constant 64 : i32
      %dma_wait3A_182 = arith.constant 0 : i32
      %dma_wait3A_183 = tpu.memref_slice %arg12[%dma_wait3A_181, %dma_wait3A_182] : memref<128x128xf32, #tpu.memory_space<vmem>> -> memref<32x128xf32, #tpu.memory_space<vmem>>
      %dma_wait3A_184 = arith.constant 0 : i32
      %dma_wait3A_185 = tpu.memref_slice %arg13[%mul3A_6, %dma_wait3A_184] : memref<520x128xf32, #tpu.memory_space<vmem_shared>> -> memref<32x128xf32, #tpu.memory_space<vmem_shared>>
      tpu.wait_dma2 semaphore(%run_scoped3A : memref<!tpu.dma_semaphore, #tpu.memory_space<semaphore_mem>>) src(%dma_wait3A_185 : memref<32x128xf32, #tpu.memory_space<vmem_shared>>) dst(%dma_wait3A_183 : memref<32x128xf32, #tpu.memory_space<vmem>>)
      tpu.yield
    }) : () -> ()
    "tpu.region"() ({
      %run_scoped3A = tpu.sem_alloc : memref<!tpu.dma_semaphore, #tpu.memory_space<semaphore_mem>>
      %dma_start3A_166 = arith.constant 96 : i32
      %dma_start3A_167 = arith.constant 0 : i32
      %dma_start3A_168 = tpu.memref_slice %arg12[%dma_start3A_166, %dma_start3A_167] : memref<128x128xf32, #tpu.memory_space<vmem>> -> memref<32x128xf32, #tpu.memory_space<vmem>>
      %dma_start3A_169 = arith.constant 0 : i32
      %dma_start3A_170 = tpu.memref_slice %arg13[%mul3A_6, %dma_start3A_169] : memref<520x128xf32, #tpu.memory_space<vmem_shared>> -> memref<32x128xf32, #tpu.memory_space<vmem_shared>>
      %dma_start3A_171 = arith.constant 0 : i32
      %dma_start3A_172 = tpu.memref_slice %arg13[%mul3A_6, %dma_start3A_171] : memref<520x128xf32, #tpu.memory_space<vmem_shared>> -> memref<32x128xf32, #tpu.memory_space<vmem_shared>>
      %dma_start3A_173 = arith.constant 96 : i32
      %dma_start3A_174 = arith.constant 0 : i32
      %dma_start3A_175 = tpu.memref_slice %arg12[%dma_start3A_173, %dma_start3A_174] : memref<128x128xf32, #tpu.memory_space<vmem>> -> memref<32x128xf32, #tpu.memory_space<vmem>>
      tpu.enqueue_dma source(%dma_start3A_175 : memref<32x128xf32, #tpu.memory_space<vmem>>) target(%dma_start3A_172 : memref<32x128xf32, #tpu.memory_space<vmem_shared>>) target_semaphore(%run_scoped3A : memref<!tpu.dma_semaphore, #tpu.memory_space<semaphore_mem>>)
      %dma_wait3A_176 = arith.constant 96 : i32
      %dma_wait3A_177 = arith.constant 0 : i32
      %dma_wait3A_178 = tpu.memref_slice %arg12[%dma_wait3A_176, %dma_wait3A_177] : memref<128x128xf32, #tpu.memory_space<vmem>> -> memref<32x128xf32, #tpu.memory_space<vmem>>
      %dma_wait3A_179 = arith.constant 0 : i32
      %dma_wait3A_180 = tpu.memref_slice %arg13[%mul3A_6, %dma_wait3A_179] : memref<520x128xf32, #tpu.memory_space<vmem_shared>> -> memref<32x128xf32, #tpu.memory_space<vmem_shared>>
      %dma_wait3A_181 = arith.constant 0 : i32
      %dma_wait3A_182 = tpu.memref_slice %arg13[%mul3A_6, %dma_wait3A_181] : memref<520x128xf32, #tpu.memory_space<vmem_shared>> -> memref<32x128xf32, #tpu.memory_space<vmem_shared>>
      %dma_wait3A_183 = arith.constant 96 : i32
      %dma_wait3A_184 = arith.constant 0 : i32
      %dma_wait3A_185 = tpu.memref_slice %arg12[%dma_wait3A_183, %dma_wait3A_184] : memref<128x128xf32, #tpu.memory_space<vmem>> -> memref<32x128xf32, #tpu.memory_space<vmem>>
      tpu.wait_dma2 semaphore(%run_scoped3A : memref<!tpu.dma_semaphore, #tpu.memory_space<semaphore_mem>>) src(%dma_wait3A_185 : memref<32x128xf32, #tpu.memory_space<vmem>>) dst(%dma_wait3A_182 : memref<32x128xf32, #tpu.memory_space<vmem_shared>>)
      tpu.yield
    }) : () -> ()
    %add3A_129 = arith.constant 19200 : i32
    %add3A_130 = arith.addi %mul3A_4, %add3A_129 : i32
    %dma_start3A_131 = arith.constant 0 : i32
    %dma_start3A_132 = arith.constant 0 : i32
    %dma_start3A_133 = arith.constant 0 : i32
    %dma_start3A_134 = tpu.memref_slice %arg8[%dma_start3A_131, %dma_start3A_132, %dma_start3A_133] : memref<2x128x128xf32, #tpu.memory_space<vmem>> -> memref<1x128x128xf32, #tpu.memory_space<vmem>>
    %dma_start3A_135 = tpu.memref_squeeze %dma_start3A_134 : memref<1x128x128xf32, #tpu.memory_space<vmem>> -> memref<128x128xf32, #tpu.memory_space<vmem>>
    %dma_start3A_136 = arith.constant 0 : i32
    %dma_start3A_137 = tpu.memref_slice %arg2[%add3A_130, %dma_start3A_136] : memref<819200x128xf32, #tpu.memory_space<hbm>> -> memref<128x128xf32, #tpu.memory_space<hbm>>
    %dma_start3A_138 = arith.constant 0 : i32
    %dma_start3A_139 = arith.constant 0 : i32
    %dma_start3A_140 = tpu.memref_slice %arg8[%dma_start3A_131, %dma_start3A_138, %dma_start3A_139] : memref<2x128x128xf32, #tpu.memory_space<vmem>> -> memref<1x128x128xf32, #tpu.memory_space<vmem>>
    %dma_start3A_141 = tpu.memref_squeeze %dma_start3A_140 : memref<1x128x128xf32, #tpu.memory_space<vmem>> -> memref<128x128xf32, #tpu.memory_space<vmem>>
    %dma_start3A_142 = arith.constant 0 : i32
    %dma_start3A_143 = tpu.memref_slice %arg2[%add3A_130, %dma_start3A_142] : memref<819200x128xf32, #tpu.memory_space<hbm>> -> memref<128x128xf32, #tpu.memory_space<hbm>>
    tpu.enqueue_dma source(%dma_start3A_143 : memref<128x128xf32, #tpu.memory_space<hbm>>) target(%dma_start3A_141 : memref<128x128xf32, #tpu.memory_space<vmem>>) target_semaphore(%arg14 : memref<!tpu.dma_semaphore, #tpu.memory_space<semaphore_mem>>)
    %scan3A_144 = arith.constant 0 : i32
    %scan3A_145 = arith.constant 0 : i32
    %scan3A_146 = arith.constant 25 : i32
    %scan3A_147 = arith.addi %scan3A_145, %scan3A_146 : i32
    %scan3A_148 = arith.constant 1 : i32
    %scan3A_149 = scf.for %scan3A_166 = %scan3A_145 to %scan3A_147 step %scan3A_148 iter_args(%scan3A_167 = %scan3A_144) -> (i32)  : i32 {
      %mul3A_168 = arith.constant 2 : i32
      %mul3A_169 = arith.muli %scan3A_166, %mul3A_168 : i32
      %add3A_170 = arith.constant 150 : i32
      %add3A_171 = arith.addi %add3A_170, %mul3A_169 : i32
      %mul3A_172 = arith.constant 128 : i32
      %mul3A_173 = arith.muli %add3A_171, %mul3A_172 : i32
      %add3A_174 = arith.addi %mul3A_4, %mul3A_173 : i32
      %dma_wait3A_175 = arith.constant 0 : i32
      %dma_wait3A_176 = arith.constant 0 : i32
      %dma_wait3A_177 = arith.constant 0 : i32
      %dma_wait3A_178 = tpu.memref_slice %arg8[%dma_wait3A_175, %dma_wait3A_176, %dma_wait3A_177] : memref<2x128x128xf32, #tpu.memory_space<vmem>> -> memref<1x128x128xf32, #tpu.memory_space<vmem>>
      %dma_wait3A_179 = tpu.memref_squeeze %dma_wait3A_178 : memref<1x128x128xf32, #tpu.memory_space<vmem>> -> memref<128x128xf32, #tpu.memory_space<vmem>>
      %dma_wait3A_180 = arith.constant 0 : i32
      %dma_wait3A_181 = tpu.memref_slice %arg2[%add3A_174, %dma_wait3A_180] : memref<819200x128xf32, #tpu.memory_space<hbm>> -> memref<128x128xf32, #tpu.memory_space<hbm>>
      %dma_wait3A_182 = arith.constant 0 : i32
      %dma_wait3A_183 = arith.constant 0 : i32
      %dma_wait3A_184 = tpu.memref_slice %arg8[%dma_wait3A_175, %dma_wait3A_182, %dma_wait3A_183] : memref<2x128x128xf32, #tpu.memory_space<vmem>> -> memref<1x128x128xf32, #tpu.memory_space<vmem>>
      %dma_wait3A_185 = tpu.memref_squeeze %dma_wait3A_184 : memref<1x128x128xf32, #tpu.memory_space<vmem>> -> memref<128x128xf32, #tpu.memory_space<vmem>>
      %dma_wait3A_186 = arith.constant 0 : i32
      %dma_wait3A_187 = tpu.memref_slice %arg2[%add3A_174, %dma_wait3A_186] : memref<819200x128xf32, #tpu.memory_space<hbm>> -> memref<128x128xf32, #tpu.memory_space<hbm>>
      tpu.wait_dma2 semaphore(%arg14 : memref<!tpu.dma_semaphore, #tpu.memory_space<semaphore_mem>>) src(%dma_wait3A_187 : memref<128x128xf32, #tpu.memory_space<hbm>>) dst(%dma_wait3A_185 : memref<128x128xf32, #tpu.memory_space<vmem>>)
      %mul3A_188 = arith.constant 128 : i32
      %mul3A_189 = arith.muli %add3A_171, %mul3A_188 : i32
      %add3A_190 = arith.constant 0 : i32
      %add3A_191 = arith.addi %mul3A_189, %add3A_190 : i32
      %get3A = arith.index_cast %add3A_171 : i32 to index
      %get3A_192 = arith.constant 0 : index
      %get3A_193 = tpu.vector_load %arg7[%get3A, %get3A_192] {strides = array<i32>} : memref<200x128xf32, #tpu.memory_space<vmem>>, vector<1x16xf32>,
      %get3A_194 = vector.shape_cast %get3A_193 : vector<1x16xf32> to vector<16xf32>
      %add3A_195 = vector.broadcast %add3A_191 : i32 to vector<16xi32>
      %add3A_196 = arith.addi %add3A_195, %iota3A : vector<16xi32>
      %div3A = arith.constant 200 : i32
      %div3A_197 = vector.broadcast %div3A : i32 to vector<16xi32>
      %div3A_198 = arith.divsi %add3A_196, %div3A_197 : vector<16xi32>
      %sub3A = arith.constant 96 : i32
      %sub3A_199 = vector.broadcast %sub3A : i32 to vector<16xi32>
      %sub3A_200 = arith.subi %div3A_198, %sub3A_199 : vector<16xi32>
      %gt3A = arith.constant 0.000000e+00 : f32
      %gt3A_201 = vector.broadcast %gt3A : f32 to vector<16xf32>
      %gt3A_202 = arith.cmpf ogt, %get3A_194, %gt3A_201 : vector<16xf32>
      %add3A_203 = vector.broadcast %mul3A_6 : i32 to vector<16xi32>
      %add3A_204 = arith.addi %add3A_203, %sub3A_200 : vector<16xi32>
      %jit3A = arith.constant 512 : i32
      %broadcast_in_dim3A_205 = vector.broadcast %jit3A : i32 to vector<16xi32>
      %select_n3A = arith.select %gt3A_202, %add3A_204, %broadcast_in_dim3A_205 : vector<16xi1>, vector<16xi32>
      %swap3A = arith.constant 0 : index
      %swap3A_206 = tpu.vector_load %arg9[%swap3A] {strides = array<i32>} : memref<128xi32, #tpu.memory_space<vmem>>, vector<16xi32>,
      %swap3A_207 = vector.shape_cast %swap3A_206 : vector<16xi32> to vector<16xi32>
      %swap3A_208 = vector.shape_cast %select_n3A : vector<16xi32> to vector<16xi32>
      tpu.vector_store %arg9[%swap3A], %swap3A_208 {strides = array<i32>} : memref<128xi32, #tpu.memory_space<vmem>>, vector<16xi32>,
      %add3A_209 = arith.constant 16 : i32
      %add3A_210 = arith.addi %mul3A_189, %add3A_209 : i32
      %get3A_211 = arith.index_cast %add3A_171 : i32 to index
      %get3A_212 = arith.constant 16 : index
      %get3A_213 = tpu.vector_load %arg7[%get3A_211, %get3A_212] {strides = array<i32>} : memref<200x128xf32, #tpu.memory_space<vmem>>, vector<1x16xf32>,
      %get3A_214 = vector.shape_cast %get3A_213 : vector<1x16xf32> to vector<16xf32>
      %add3A_215 = vector.broadcast %add3A_210 : i32 to vector<16xi32>
      %add3A_216 = arith.addi %add3A_215, %iota3A : vector<16xi32>
      %div3A_217 = arith.constant 200 : i32
      %div3A_218 = vector.broadcast %div3A_217 : i32 to vector<16xi32>
      %div3A_219 = arith.divsi %add3A_216, %div3A_218 : vector<16xi32>
      %sub3A_220 = arith.constant 96 : i32
      %sub3A_221 = vector.broadcast %sub3A_220 : i32 to vector<16xi32>
      %sub3A_222 = arith.subi %div3A_219, %sub3A_221 : vector<16xi32>
      %gt3A_223 = arith.constant 0.000000e+00 : f32
      %gt3A_224 = vector.broadcast %gt3A_223 : f32 to vector<16xf32>
      %gt3A_225 = arith.cmpf ogt, %get3A_214, %gt3A_224 : vector<16xf32>
      %add3A_226 = vector.broadcast %mul3A_6 : i32 to vector<16xi32>
      %add3A_227 = arith.addi %add3A_226, %sub3A_222 : vector<16xi32>
      %jit3A_228 = arith.constant 512 : i32
      %broadcast_in_dim3A_229 = vector.broadcast %jit3A_228 : i32 to vector<16xi32>
      %select_n3A_230 = arith.select %gt3A_225, %add3A_227, %broadcast_in_dim3A_229 : vector<16xi1>, vector<16xi32>
      %swap3A_231 = arith.constant 16 : index
      %swap3A_232 = tpu.vector_load %arg9[%swap3A_231] {strides = array<i32>} : memref<128xi32, #tpu.memory_space<vmem>>, vector<16xi32>,
      %swap3A_233 = vector.shape_cast %swap3A_232 : vector<16xi32> to vector<16xi32>
      %swap3A_234 = vector.shape_cast %select_n3A_230 : vector<16xi32> to vector<16xi32>
      tpu.vector_store %arg9[%swap3A_231], %swap3A_234 {strides = array<i32>} : memref<128xi32, #tpu.memory_space<vmem>>, vector<16xi32>,
      %add3A_235 = arith.constant 32 : i32
      %add3A_236 = arith.addi %mul3A_189, %add3A_235 : i32
      %get3A_237 = arith.index_cast %add3A_171 : i32 to index
      %get3A_238 = arith.constant 32 : index
      %get3A_239 = tpu.vector_load %arg7[%get3A_237, %get3A_238] {strides = array<i32>} : memref<200x128xf32, #tpu.memory_space<vmem>>, vector<1x16xf32>,
      %get3A_240 = vector.shape_cast %get3A_239 : vector<1x16xf32> to vector<16xf32>
      %add3A_241 = vector.broadcast %add3A_236 : i32 to vector<16xi32>
      %add3A_242 = arith.addi %add3A_241, %iota3A : vector<16xi32>
      %div3A_243 = arith.constant 200 : i32
      %div3A_244 = vector.broadcast %div3A_243 : i32 to vector<16xi32>
      %div3A_245 = arith.divsi %add3A_242, %div3A_244 : vector<16xi32>
      %sub3A_246 = arith.constant 96 : i32
      %sub3A_247 = vector.broadcast %sub3A_246 : i32 to vector<16xi32>
      %sub3A_248 = arith.subi %div3A_245, %sub3A_247 : vector<16xi32>
      %gt3A_249 = arith.constant 0.000000e+00 : f32
      %gt3A_250 = vector.broadcast %gt3A_249 : f32 to vector<16xf32>
      %gt3A_251 = arith.cmpf ogt, %get3A_240, %gt3A_250 : vector<16xf32>
      %add3A_252 = vector.broadcast %mul3A_6 : i32 to vector<16xi32>
      %add3A_253 = arith.addi %add3A_252, %sub3A_248 : vector<16xi32>
      %jit3A_254 = arith.constant 512 : i32
      %broadcast_in_dim3A_255 = vector.broadcast %jit3A_254 : i32 to vector<16xi32>
      %select_n3A_256 = arith.select %gt3A_251, %add3A_253, %broadcast_in_dim3A_255 : vector<16xi1>, vector<16xi32>
      %swap3A_257 = arith.constant 32 : index
      %swap3A_258 = tpu.vector_load %arg9[%swap3A_257] {strides = array<i32>} : memref<128xi32, #tpu.memory_space<vmem>>, vector<16xi32>,
      %swap3A_259 = vector.shape_cast %swap3A_258 : vector<16xi32> to vector<16xi32>
      %swap3A_260 = vector.shape_cast %select_n3A_256 : vector<16xi32> to vector<16xi32>
      tpu.vector_store %arg9[%swap3A_257], %swap3A_260 {strides = array<i32>} : memref<128xi32, #tpu.memory_space<vmem>>, vector<16xi32>,
      %add3A_261 = arith.constant 48 : i32
      %add3A_262 = arith.addi %mul3A_189, %add3A_261 : i32
      %get3A_263 = arith.index_cast %add3A_171 : i32 to index
      %get3A_264 = arith.constant 48 : index
      %get3A_265 = tpu.vector_load %arg7[%get3A_263, %get3A_264] {strides = array<i32>} : memref<200x128xf32, #tpu.memory_space<vmem>>, vector<1x16xf32>,
      %get3A_266 = vector.shape_cast %get3A_265 : vector<1x16xf32> to vector<16xf32>
      %add3A_267 = vector.broadcast %add3A_262 : i32 to vector<16xi32>
      %add3A_268 = arith.addi %add3A_267, %iota3A : vector<16xi32>
      %div3A_269 = arith.constant 200 : i32
      %div3A_270 = vector.broadcast %div3A_269 : i32 to vector<16xi32>
      %div3A_271 = arith.divsi %add3A_268, %div3A_270 : vector<16xi32>
      %sub3A_272 = arith.constant 96 : i32
      %sub3A_273 = vector.broadcast %sub3A_272 : i32 to vector<16xi32>
      %sub3A_274 = arith.subi %div3A_271, %sub3A_273 : vector<16xi32>
      %gt3A_275 = arith.constant 0.000000e+00 : f32
      %gt3A_276 = vector.broadcast %gt3A_275 : f32 to vector<16xf32>
      %gt3A_277 = arith.cmpf ogt, %get3A_266, %gt3A_276 : vector<16xf32>
      %add3A_278 = vector.broadcast %mul3A_6 : i32 to vector<16xi32>
      %add3A_279 = arith.addi %add3A_278, %sub3A_274 : vector<16xi32>
      %jit3A_280 = arith.constant 512 : i32
      %broadcast_in_dim3A_281 = vector.broadcast %jit3A_280 : i32 to vector<16xi32>
      %select_n3A_282 = arith.select %gt3A_277, %add3A_279, %broadcast_in_dim3A_281 : vector<16xi1>, vector<16xi32>
      %swap3A_283 = arith.constant 48 : index
      %swap3A_284 = tpu.vector_load %arg9[%swap3A_283] {strides = array<i32>} : memref<128xi32, #tpu.memory_space<vmem>>, vector<16xi32>,
      %swap3A_285 = vector.shape_cast %swap3A_284 : vector<16xi32> to vector<16xi32>
      %swap3A_286 = vector.shape_cast %select_n3A_282 : vector<16xi32> to vector<16xi32>
      tpu.vector_store %arg9[%swap3A_283], %swap3A_286 {strides = array<i32>} : memref<128xi32, #tpu.memory_space<vmem>>, vector<16xi32>,
      %add3A_287 = arith.constant 64 : i32
      %add3A_288 = arith.addi %mul3A_189, %add3A_287 : i32
      %get3A_289 = arith.index_cast %add3A_171 : i32 to index
      %get3A_290 = arith.constant 64 : index
      %get3A_291 = tpu.vector_load %arg7[%get3A_289, %get3A_290] {strides = array<i32>} : memref<200x128xf32, #tpu.memory_space<vmem>>, vector<1x16xf32>,
      %get3A_292 = vector.shape_cast %get3A_291 : vector<1x16xf32> to vector<16xf32>
      %add3A_293 = vector.broadcast %add3A_288 : i32 to vector<16xi32>
      %add3A_294 = arith.addi %add3A_293, %iota3A : vector<16xi32>
      %div3A_295 = arith.constant 200 : i32
      %div3A_296 = vector.broadcast %div3A_295 : i32 to vector<16xi32>
      %div3A_297 = arith.divsi %add3A_294, %div3A_296 : vector<16xi32>
      %sub3A_298 = arith.constant 96 : i32
      %sub3A_299 = vector.broadcast %sub3A_298 : i32 to vector<16xi32>
      %sub3A_300 = arith.subi %div3A_297, %sub3A_299 : vector<16xi32>
      %gt3A_301 = arith.constant 0.000000e+00 : f32
      %gt3A_302 = vector.broadcast %gt3A_301 : f32 to vector<16xf32>
      %gt3A_303 = arith.cmpf ogt, %get3A_292, %gt3A_302 : vector<16xf32>
      %add3A_304 = vector.broadcast %mul3A_6 : i32 to vector<16xi32>
      %add3A_305 = arith.addi %add3A_304, %sub3A_300 : vector<16xi32>
      %jit3A_306 = arith.constant 512 : i32
      %broadcast_in_dim3A_307 = vector.broadcast %jit3A_306 : i32 to vector<16xi32>
      %select_n3A_308 = arith.select %gt3A_303, %add3A_305, %broadcast_in_dim3A_307 : vector<16xi1>, vector<16xi32>
      %swap3A_309 = arith.constant 64 : index
      %swap3A_310 = tpu.vector_load %arg9[%swap3A_309] {strides = array<i32>} : memref<128xi32, #tpu.memory_space<vmem>>, vector<16xi32>,
      %swap3A_311 = vector.shape_cast %swap3A_310 : vector<16xi32> to vector<16xi32>
      %swap3A_312 = vector.shape_cast %select_n3A_308 : vector<16xi32> to vector<16xi32>
      tpu.vector_store %arg9[%swap3A_309], %swap3A_312 {strides = array<i32>} : memref<128xi32, #tpu.memory_space<vmem>>, vector<16xi32>,
      %add3A_313 = arith.constant 80 : i32
      %add3A_314 = arith.addi %mul3A_189, %add3A_313 : i32
      %get3A_315 = arith.index_cast %add3A_171 : i32 to index
      %get3A_316 = arith.constant 80 : index
      %get3A_317 = tpu.vector_load %arg7[%get3A_315, %get3A_316] {strides = array<i32>} : memref<200x128xf32, #tpu.memory_space<vmem>>, vector<1x16xf32>,
      %get3A_318 = vector.shape_cast %get3A_317 : vector<1x16xf32> to vector<16xf32>
      %add3A_319 = vector.broadcast %add3A_314 : i32 to vector<16xi32>
      %add3A_320 = arith.addi %add3A_319, %iota3A : vector<16xi32>
      %div3A_321 = arith.constant 200 : i32
      %div3A_322 = vector.broadcast %div3A_321 : i32 to vector<16xi32>
      %div3A_323 = arith.divsi %add3A_320, %div3A_322 : vector<16xi32>
      %sub3A_324 = arith.constant 96 : i32
      %sub3A_325 = vector.broadcast %sub3A_324 : i32 to vector<16xi32>
      %sub3A_326 = arith.subi %div3A_323, %sub3A_325 : vector<16xi32>
      %gt3A_327 = arith.constant 0.000000e+00 : f32
      %gt3A_328 = vector.broadcast %gt3A_327 : f32 to vector<16xf32>
      %gt3A_329 = arith.cmpf ogt, %get3A_318, %gt3A_328 : vector<16xf32>
      %add3A_330 = vector.broadcast %mul3A_6 : i32 to vector<16xi32>
      %add3A_331 = arith.addi %add3A_330, %sub3A_326 : vector<16xi32>
      %jit3A_332 = arith.constant 512 : i32
      %broadcast_in_dim3A_333 = vector.broadcast %jit3A_332 : i32 to vector<16xi32>
      %select_n3A_334 = arith.select %gt3A_329, %add3A_331, %broadcast_in_dim3A_333 : vector<16xi1>, vector<16xi32>
      %swap3A_335 = arith.constant 80 : index
      %swap3A_336 = tpu.vector_load %arg9[%swap3A_335] {strides = array<i32>} : memref<128xi32, #tpu.memory_space<vmem>>, vector<16xi32>,
      %swap3A_337 = vector.shape_cast %swap3A_336 : vector<16xi32> to vector<16xi32>
      %swap3A_338 = vector.shape_cast %select_n3A_334 : vector<16xi32> to vector<16xi32>
      tpu.vector_store %arg9[%swap3A_335], %swap3A_338 {strides = array<i32>} : memref<128xi32, #tpu.memory_space<vmem>>, vector<16xi32>,
      %add3A_339 = arith.constant 96 : i32
      %add3A_340 = arith.addi %mul3A_189, %add3A_339 : i32
      %get3A_341 = arith.index_cast %add3A_171 : i32 to index
      %get3A_342 = arith.constant 96 : index
      %get3A_343 = tpu.vector_load %arg7[%get3A_341, %get3A_342] {strides = array<i32>} : memref<200x128xf32, #tpu.memory_space<vmem>>, vector<1x16xf32>,
      %get3A_344 = vector.shape_cast %get3A_343 : vector<1x16xf32> to vector<16xf32>
      %add3A_345 = vector.broadcast %add3A_340 : i32 to vector<16xi32>
      %add3A_346 = arith.addi %add3A_345, %iota3A : vector<16xi32>
      %div3A_347 = arith.constant 200 : i32
      %div3A_348 = vector.broadcast %div3A_347 : i32 to vector<16xi32>
      %div3A_349 = arith.divsi %add3A_346, %div3A_348 : vector<16xi32>
      %sub3A_350 = arith.constant 96 : i32
      %sub3A_351 = vector.broadcast %sub3A_350 : i32 to vector<16xi32>
      %sub3A_352 = arith.subi %div3A_349, %sub3A_351 : vector<16xi32>
      %gt3A_353 = arith.constant 0.000000e+00 : f32
      %gt3A_354 = vector.broadcast %gt3A_353 : f32 to vector<16xf32>
      %gt3A_355 = arith.cmpf ogt, %get3A_344, %gt3A_354 : vector<16xf32>
      %add3A_356 = vector.broadcast %mul3A_6 : i32 to vector<16xi32>
      %add3A_357 = arith.addi %add3A_356, %sub3A_352 : vector<16xi32>
      %jit3A_358 = arith.constant 512 : i32
      %broadcast_in_dim3A_359 = vector.broadcast %jit3A_358 : i32 to vector<16xi32>
      %select_n3A_360 = arith.select %gt3A_355, %add3A_357, %broadcast_in_dim3A_359 : vector<16xi1>, vector<16xi32>
      %swap3A_361 = arith.constant 96 : index
      %swap3A_362 = tpu.vector_load %arg9[%swap3A_361] {strides = array<i32>} : memref<128xi32, #tpu.memory_space<vmem>>, vector<16xi32>,
      %swap3A_363 = vector.shape_cast %swap3A_362 : vector<16xi32> to vector<16xi32>
      %swap3A_364 = vector.shape_cast %select_n3A_360 : vector<16xi32> to vector<16xi32>
      tpu.vector_store %arg9[%swap3A_361], %swap3A_364 {strides = array<i32>} : memref<128xi32, #tpu.memory_space<vmem>>, vector<16xi32>,
      %add3A_365 = arith.constant 112 : i32
      %add3A_366 = arith.addi %mul3A_189, %add3A_365 : i32
      %get3A_367 = arith.index_cast %add3A_171 : i32 to index
      %get3A_368 = arith.constant 112 : index
      %get3A_369 = tpu.vector_load %arg7[%get3A_367, %get3A_368] {strides = array<i32>} : memref<200x128xf32, #tpu.memory_space<vmem>>, vector<1x16xf32>,
      %get3A_370 = vector.shape_cast %get3A_369 : vector<1x16xf32> to vector<16xf32>
      %add3A_371 = vector.broadcast %add3A_366 : i32 to vector<16xi32>
      %add3A_372 = arith.addi %add3A_371, %iota3A : vector<16xi32>
      %div3A_373 = arith.constant 200 : i32
      %div3A_374 = vector.broadcast %div3A_373 : i32 to vector<16xi32>
      %div3A_375 = arith.divsi %add3A_372, %div3A_374 : vector<16xi32>
      %sub3A_376 = arith.constant 96 : i32
      %sub3A_377 = vector.broadcast %sub3A_376 : i32 to vector<16xi32>
      %sub3A_378 = arith.subi %div3A_375, %sub3A_377 : vector<16xi32>
      %gt3A_379 = arith.constant 0.000000e+00 : f32
      %gt3A_380 = vector.broadcast %gt3A_379 : f32 to vector<16xf32>
      %gt3A_381 = arith.cmpf ogt, %get3A_370, %gt3A_380 : vector<16xf32>
      %add3A_382 = vector.broadcast %mul3A_6 : i32 to vector<16xi32>
      %add3A_383 = arith.addi %add3A_382, %sub3A_378 : vector<16xi32>
      %jit3A_384 = arith.constant 512 : i32
      %broadcast_in_dim3A_385 = vector.broadcast %jit3A_384 : i32 to vector<16xi32>
      %select_n3A_386 = arith.select %gt3A_381, %add3A_383, %broadcast_in_dim3A_385 : vector<16xi1>, vector<16xi32>
      %swap3A_387 = arith.constant 112 : index
      %swap3A_388 = tpu.vector_load %arg9[%swap3A_387] {strides = array<i32>} : memref<128xi32, #tpu.memory_space<vmem>>, vector<16xi32>,
      %swap3A_389 = vector.shape_cast %swap3A_388 : vector<16xi32> to vector<16xi32>
      %swap3A_390 = vector.shape_cast %select_n3A_386 : vector<16xi32> to vector<16xi32>
      tpu.vector_store %arg9[%swap3A_387], %swap3A_390 {strides = array<i32>} : memref<128xi32, #tpu.memory_space<vmem>>, vector<16xi32>,
      %dma_start3A_391 = arith.constant 0 : i32
      %dma_start3A_392 = arith.constant 0 : i32
      %dma_start3A_393 = arith.constant 0 : i32
      %dma_start3A_394 = tpu.memref_slice %arg8[%dma_start3A_391, %dma_start3A_392, %dma_start3A_393] : memref<2x128x128xf32, #tpu.memory_space<vmem>> -> memref<1x128x128xf32, #tpu.memory_space<vmem>>
      %dma_start3A_395 = tpu.memref_squeeze %dma_start3A_394 : memref<1x128x128xf32, #tpu.memory_space<vmem>> -> memref<128x128xf32, #tpu.memory_space<vmem>>
      %dma_start3A_396 = arith.constant 0 : i32
      %dma_start3A_397 = arith.constant 0 : i32
      %dma_start3A_398 = tpu.memref_slice %arg13[%dma_start3A_396, %dma_start3A_397] : memref<520x128xf32, #tpu.memory_space<vmem_shared>> -> memref<520x128xf32, #tpu.memory_space<vmem_shared>>
      tpu.enqueue_indirect_dma source(%dma_start3A_395 : memref<128x128xf32, #tpu.memory_space<vmem>>) target(%dma_start3A_398 : memref<520x128xf32, #tpu.memory_space<vmem_shared>>) offsets(%arg9 : memref<128xi32, #tpu.memory_space<vmem>>) semaphore(%arg16 : memref<!tpu.dma_semaphore, #tpu.memory_space<semaphore_mem>>) {add = true}
      %gt3A_399 = arith.constant 0 : i32
      %gt3A_400 = arith.cmpi sgt, %scan3A_166, %gt3A_399 : i32
      %convert_element_type3A = arith.extui %gt3A_400 : i1 to i32
      %cond3A = arith.constant 0 : i32
      %cond3A_401 = arith.cmpi ne, %convert_element_type3A, %cond3A : i32
      scf.if %cond3A_401 {
        %dma_wait3A_673 = arith.constant 1 : i32
        %dma_wait3A_674 = arith.constant 0 : i32
        %dma_wait3A_675 = arith.constant 0 : i32
        %dma_wait3A_676 = tpu.memref_slice %arg8[%dma_wait3A_673, %dma_wait3A_674, %dma_wait3A_675] : memref<2x128x128xf32, #tpu.memory_space<vmem>> -> memref<1x128x128xf32, #tpu.memory_space<vmem>>
        %dma_wait3A_677 = tpu.memref_squeeze %dma_wait3A_676 : memref<1x128x128xf32, #tpu.memory_space<vmem>> -> memref<128x128xf32, #tpu.memory_space<vmem>>
        %dma_wait3A_678 = arith.constant 0 : i32
        %dma_wait3A_679 = arith.constant 0 : i32
        %dma_wait3A_680 = tpu.memref_slice %arg13[%dma_wait3A_678, %dma_wait3A_679] : memref<520x128xf32, #tpu.memory_space<vmem_shared>> -> memref<520x128xf32, #tpu.memory_space<vmem_shared>>
        tpu.wait_indirect_dma semaphore(%arg17 : memref<!tpu.dma_semaphore, #tpu.memory_space<semaphore_mem>>) src(%dma_wait3A_677 : memref<128x128xf32, #tpu.memory_space<vmem>>) dst(%dma_wait3A_680 : memref<520x128xf32, #tpu.memory_space<vmem_shared>>)
      } else {
      }
      %add3A_402 = arith.constant 1 : i32
      %add3A_403 = arith.addi %add3A_171, %add3A_402 : i32
      %mul3A_404 = arith.constant 128 : i32
      %mul3A_405 = arith.muli %add3A_403, %mul3A_404 : i32
      %add3A_406 = arith.addi %mul3A_4, %mul3A_405 : i32
      %dma_start3A_407 = arith.constant 1 : i32
      %dma_start3A_408 = arith.constant 0 : i32
      %dma_start3A_409 = arith.constant 0 : i32
      %dma_start3A_410 = tpu.memref_slice %arg8[%dma_start3A_407, %dma_start3A_408, %dma_start3A_409] : memref<2x128x128xf32, #tpu.memory_space<vmem>> -> memref<1x128x128xf32, #tpu.memory_space<vmem>>
      %dma_start3A_411 = tpu.memref_squeeze %dma_start3A_410 : memref<1x128x128xf32, #tpu.memory_space<vmem>> -> memref<128x128xf32, #tpu.memory_space<vmem>>
      %dma_start3A_412 = arith.constant 0 : i32
      %dma_start3A_413 = tpu.memref_slice %arg2[%add3A_406, %dma_start3A_412] : memref<819200x128xf32, #tpu.memory_space<hbm>> -> memref<128x128xf32, #tpu.memory_space<hbm>>
      %dma_start3A_414 = arith.constant 0 : i32
      %dma_start3A_415 = arith.constant 0 : i32
      %dma_start3A_416 = tpu.memref_slice %arg8[%dma_start3A_407, %dma_start3A_414, %dma_start3A_415] : memref<2x128x128xf32, #tpu.memory_space<vmem>> -> memref<1x128x128xf32, #tpu.memory_space<vmem>>
      %dma_start3A_417 = tpu.memref_squeeze %dma_start3A_416 : memref<1x128x128xf32, #tpu.memory_space<vmem>> -> memref<128x128xf32, #tpu.memory_space<vmem>>
      %dma_start3A_418 = arith.constant 0 : i32
      %dma_start3A_419 = tpu.memref_slice %arg2[%add3A_406, %dma_start3A_418] : memref<819200x128xf32, #tpu.memory_space<hbm>> -> memref<128x128xf32, #tpu.memory_space<hbm>>
      tpu.enqueue_dma source(%dma_start3A_419 : memref<128x128xf32, #tpu.memory_space<hbm>>) target(%dma_start3A_417 : memref<128x128xf32, #tpu.memory_space<vmem>>) target_semaphore(%arg15 : memref<!tpu.dma_semaphore, #tpu.memory_space<semaphore_mem>>)
      %add3A_420 = arith.constant 1 : i32
      %add3A_421 = arith.addi %add3A_171, %add3A_420 : i32
      %mul3A_422 = arith.constant 128 : i32
      %mul3A_423 = arith.muli %add3A_421, %mul3A_422 : i32
      %add3A_424 = arith.addi %mul3A_4, %mul3A_423 : i32
      %dma_wait3A_425 = arith.constant 1 : i32
      %dma_wait3A_426 = arith.constant 0 : i32
      %dma_wait3A_427 = arith.constant 0 : i32
      %dma_wait3A_428 = tpu.memref_slice %arg8[%dma_wait3A_425, %dma_wait3A_426, %dma_wait3A_427] : memref<2x128x128xf32, #tpu.memory_space<vmem>> -> memref<1x128x128xf32, #tpu.memory_space<vmem>>
      %dma_wait3A_429 = tpu.memref_squeeze %dma_wait3A_428 : memref<1x128x128xf32, #tpu.memory_space<vmem>> -> memref<128x128xf32, #tpu.memory_space<vmem>>
      %dma_wait3A_430 = arith.constant 0 : i32
      %dma_wait3A_431 = tpu.memref_slice %arg2[%add3A_424, %dma_wait3A_430] : memref<819200x128xf32, #tpu.memory_space<hbm>> -> memref<128x128xf32, #tpu.memory_space<hbm>>
      %dma_wait3A_432 = arith.constant 0 : i32
      %dma_wait3A_433 = arith.constant 0 : i32
      %dma_wait3A_434 = tpu.memref_slice %arg8[%dma_wait3A_425, %dma_wait3A_432, %dma_wait3A_433] : memref<2x128x128xf32, #tpu.memory_space<vmem>> -> memref<1x128x128xf32, #tpu.memory_space<vmem>>
      %dma_wait3A_435 = tpu.memref_squeeze %dma_wait3A_434 : memref<1x128x128xf32, #tpu.memory_space<vmem>> -> memref<128x128xf32, #tpu.memory_space<vmem>>
      %dma_wait3A_436 = arith.constant 0 : i32
      %dma_wait3A_437 = tpu.memref_slice %arg2[%add3A_424, %dma_wait3A_436] : memref<819200x128xf32, #tpu.memory_space<hbm>> -> memref<128x128xf32, #tpu.memory_space<hbm>>
      tpu.wait_dma2 semaphore(%arg15 : memref<!tpu.dma_semaphore, #tpu.memory_space<semaphore_mem>>) src(%dma_wait3A_437 : memref<128x128xf32, #tpu.memory_space<hbm>>) dst(%dma_wait3A_435 : memref<128x128xf32, #tpu.memory_space<vmem>>)
      %add3A_438 = arith.constant 1 : i32
      %add3A_439 = arith.addi %add3A_171, %add3A_438 : i32
      %mul3A_440 = arith.constant 128 : i32
      %mul3A_441 = arith.muli %add3A_439, %mul3A_440 : i32
      %add3A_442 = arith.constant 0 : i32
      %add3A_443 = arith.addi %mul3A_441, %add3A_442 : i32
      %get3A_444 = arith.index_cast %add3A_439 : i32 to index
      %get3A_445 = arith.constant 0 : index
      %get3A_446 = tpu.vector_load %arg7[%get3A_444, %get3A_445] {strides = array<i32>} : memref<200x128xf32, #tpu.memory_space<vmem>>, vector<1x16xf32>,
      %get3A_447 = vector.shape_cast %get3A_446 : vector<1x16xf32> to vector<16xf32>
      %add3A_448 = vector.broadcast %add3A_443 : i32 to vector<16xi32>
      %add3A_449 = arith.addi %add3A_448, %iota3A : vector<16xi32>
      %div3A_450 = arith.constant 200 : i32
      %div3A_451 = vector.broadcast %div3A_450 : i32 to vector<16xi32>
      %div3A_452 = arith.divsi %add3A_449, %div3A_451 : vector<16xi32>
      %sub3A_453 = arith.constant 96 : i32
      %sub3A_454 = vector.broadcast %sub3A_453 : i32 to vector<16xi32>
      %sub3A_455 = arith.subi %div3A_452, %sub3A_454 : vector<16xi32>
      %gt3A_456 = arith.constant 0.000000e+00 : f32
      %gt3A_457 = vector.broadcast %gt3A_456 : f32 to vector<16xf32>
      %gt3A_458 = arith.cmpf ogt, %get3A_447, %gt3A_457 : vector<16xf32>
      %add3A_459 = vector.broadcast %mul3A_6 : i32 to vector<16xi32>
      %add3A_460 = arith.addi %add3A_459, %sub3A_455 : vector<16xi32>
      %jit3A_461 = arith.constant 512 : i32
      %broadcast_in_dim3A_462 = vector.broadcast %jit3A_461 : i32 to vector<16xi32>
      %select_n3A_463 = arith.select %gt3A_458, %add3A_460, %broadcast_in_dim3A_462 : vector<16xi1>, vector<16xi32>
      %swap3A_464 = arith.constant 0 : index
      %swap3A_465 = tpu.vector_load %arg10[%swap3A_464] {strides = array<i32>} : memref<128xi32, #tpu.memory_space<vmem>>, vector<16xi32>,
      %swap3A_466 = vector.shape_cast %swap3A_465 : vector<16xi32> to vector<16xi32>
      %swap3A_467 = vector.shape_cast %select_n3A_463 : vector<16xi32> to vector<16xi32>
      tpu.vector_store %arg10[%swap3A_464], %swap3A_467 {strides = array<i32>} : memref<128xi32, #tpu.memory_space<vmem>>, vector<16xi32>,
      %add3A_468 = arith.constant 16 : i32
      %add3A_469 = arith.addi %mul3A_441, %add3A_468 : i32
      %get3A_470 = arith.index_cast %add3A_439 : i32 to index
      %get3A_471 = arith.constant 16 : index
      %get3A_472 = tpu.vector_load %arg7[%get3A_470, %get3A_471] {strides = array<i32>} : memref<200x128xf32, #tpu.memory_space<vmem>>, vector<1x16xf32>,
      %get3A_473 = vector.shape_cast %get3A_472 : vector<1x16xf32> to vector<16xf32>
      %add3A_474 = vector.broadcast %add3A_469 : i32 to vector<16xi32>
      %add3A_475 = arith.addi %add3A_474, %iota3A : vector<16xi32>
      %div3A_476 = arith.constant 200 : i32
      %div3A_477 = vector.broadcast %div3A_476 : i32 to vector<16xi32>
      %div3A_478 = arith.divsi %add3A_475, %div3A_477 : vector<16xi32>
      %sub3A_479 = arith.constant 96 : i32
      %sub3A_480 = vector.broadcast %sub3A_479 : i32 to vector<16xi32>
      %sub3A_481 = arith.subi %div3A_478, %sub3A_480 : vector<16xi32>
      %gt3A_482 = arith.constant 0.000000e+00 : f32
      %gt3A_483 = vector.broadcast %gt3A_482 : f32 to vector<16xf32>
      %gt3A_484 = arith.cmpf ogt, %get3A_473, %gt3A_483 : vector<16xf32>
      %add3A_485 = vector.broadcast %mul3A_6 : i32 to vector<16xi32>
      %add3A_486 = arith.addi %add3A_485, %sub3A_481 : vector<16xi32>
      %jit3A_487 = arith.constant 512 : i32
      %broadcast_in_dim3A_488 = vector.broadcast %jit3A_487 : i32 to vector<16xi32>
      %select_n3A_489 = arith.select %gt3A_484, %add3A_486, %broadcast_in_dim3A_488 : vector<16xi1>, vector<16xi32>
      %swap3A_490 = arith.constant 16 : index
      %swap3A_491 = tpu.vector_load %arg10[%swap3A_490] {strides = array<i32>} : memref<128xi32, #tpu.memory_space<vmem>>, vector<16xi32>,
      %swap3A_492 = vector.shape_cast %swap3A_491 : vector<16xi32> to vector<16xi32>
      %swap3A_493 = vector.shape_cast %select_n3A_489 : vector<16xi32> to vector<16xi32>
      tpu.vector_store %arg10[%swap3A_490], %swap3A_493 {strides = array<i32>} : memref<128xi32, #tpu.memory_space<vmem>>, vector<16xi32>,
      %add3A_494 = arith.constant 32 : i32
      %add3A_495 = arith.addi %mul3A_441, %add3A_494 : i32
      %get3A_496 = arith.index_cast %add3A_439 : i32 to index
      %get3A_497 = arith.constant 32 : index
      %get3A_498 = tpu.vector_load %arg7[%get3A_496, %get3A_497] {strides = array<i32>} : memref<200x128xf32, #tpu.memory_space<vmem>>, vector<1x16xf32>,
      %get3A_499 = vector.shape_cast %get3A_498 : vector<1x16xf32> to vector<16xf32>
      %add3A_500 = vector.broadcast %add3A_495 : i32 to vector<16xi32>
      %add3A_501 = arith.addi %add3A_500, %iota3A : vector<16xi32>
      %div3A_502 = arith.constant 200 : i32
      %div3A_503 = vector.broadcast %div3A_502 : i32 to vector<16xi32>
      %div3A_504 = arith.divsi %add3A_501, %div3A_503 : vector<16xi32>
      %sub3A_505 = arith.constant 96 : i32
      %sub3A_506 = vector.broadcast %sub3A_505 : i32 to vector<16xi32>
      %sub3A_507 = arith.subi %div3A_504, %sub3A_506 : vector<16xi32>
      %gt3A_508 = arith.constant 0.000000e+00 : f32
      %gt3A_509 = vector.broadcast %gt3A_508 : f32 to vector<16xf32>
      %gt3A_510 = arith.cmpf ogt, %get3A_499, %gt3A_509 : vector<16xf32>
      %add3A_511 = vector.broadcast %mul3A_6 : i32 to vector<16xi32>
      %add3A_512 = arith.addi %add3A_511, %sub3A_507 : vector<16xi32>
      %jit3A_513 = arith.constant 512 : i32
      %broadcast_in_dim3A_514 = vector.broadcast %jit3A_513 : i32 to vector<16xi32>
      %select_n3A_515 = arith.select %gt3A_510, %add3A_512, %broadcast_in_dim3A_514 : vector<16xi1>, vector<16xi32>
      %swap3A_516 = arith.constant 32 : index
      %swap3A_517 = tpu.vector_load %arg10[%swap3A_516] {strides = array<i32>} : memref<128xi32, #tpu.memory_space<vmem>>, vector<16xi32>,
      %swap3A_518 = vector.shape_cast %swap3A_517 : vector<16xi32> to vector<16xi32>
      %swap3A_519 = vector.shape_cast %select_n3A_515 : vector<16xi32> to vector<16xi32>
      tpu.vector_store %arg10[%swap3A_516], %swap3A_519 {strides = array<i32>} : memref<128xi32, #tpu.memory_space<vmem>>, vector<16xi32>,
      %add3A_520 = arith.constant 48 : i32
      %add3A_521 = arith.addi %mul3A_441, %add3A_520 : i32
      %get3A_522 = arith.index_cast %add3A_439 : i32 to index
      %get3A_523 = arith.constant 48 : index
      %get3A_524 = tpu.vector_load %arg7[%get3A_522, %get3A_523] {strides = array<i32>} : memref<200x128xf32, #tpu.memory_space<vmem>>, vector<1x16xf32>,
      %get3A_525 = vector.shape_cast %get3A_524 : vector<1x16xf32> to vector<16xf32>
      %add3A_526 = vector.broadcast %add3A_521 : i32 to vector<16xi32>
      %add3A_527 = arith.addi %add3A_526, %iota3A : vector<16xi32>
      %div3A_528 = arith.constant 200 : i32
      %div3A_529 = vector.broadcast %div3A_528 : i32 to vector<16xi32>
      %div3A_530 = arith.divsi %add3A_527, %div3A_529 : vector<16xi32>
      %sub3A_531 = arith.constant 96 : i32
      %sub3A_532 = vector.broadcast %sub3A_531 : i32 to vector<16xi32>
      %sub3A_533 = arith.subi %div3A_530, %sub3A_532 : vector<16xi32>
      %gt3A_534 = arith.constant 0.000000e+00 : f32
      %gt3A_535 = vector.broadcast %gt3A_534 : f32 to vector<16xf32>
      %gt3A_536 = arith.cmpf ogt, %get3A_525, %gt3A_535 : vector<16xf32>
      %add3A_537 = vector.broadcast %mul3A_6 : i32 to vector<16xi32>
      %add3A_538 = arith.addi %add3A_537, %sub3A_533 : vector<16xi32>
      %jit3A_539 = arith.constant 512 : i32
      %broadcast_in_dim3A_540 = vector.broadcast %jit3A_539 : i32 to vector<16xi32>
      %select_n3A_541 = arith.select %gt3A_536, %add3A_538, %broadcast_in_dim3A_540 : vector<16xi1>, vector<16xi32>
      %swap3A_542 = arith.constant 48 : index
      %swap3A_543 = tpu.vector_load %arg10[%swap3A_542] {strides = array<i32>} : memref<128xi32, #tpu.memory_space<vmem>>, vector<16xi32>,
      %swap3A_544 = vector.shape_cast %swap3A_543 : vector<16xi32> to vector<16xi32>
      %swap3A_545 = vector.shape_cast %select_n3A_541 : vector<16xi32> to vector<16xi32>
      tpu.vector_store %arg10[%swap3A_542], %swap3A_545 {strides = array<i32>} : memref<128xi32, #tpu.memory_space<vmem>>, vector<16xi32>,
      %add3A_546 = arith.constant 64 : i32
      %add3A_547 = arith.addi %mul3A_441, %add3A_546 : i32
      %get3A_548 = arith.index_cast %add3A_439 : i32 to index
      %get3A_549 = arith.constant 64 : index
      %get3A_550 = tpu.vector_load %arg7[%get3A_548, %get3A_549] {strides = array<i32>} : memref<200x128xf32, #tpu.memory_space<vmem>>, vector<1x16xf32>,
      %get3A_551 = vector.shape_cast %get3A_550 : vector<1x16xf32> to vector<16xf32>
      %add3A_552 = vector.broadcast %add3A_547 : i32 to vector<16xi32>
      %add3A_553 = arith.addi %add3A_552, %iota3A : vector<16xi32>
      %div3A_554 = arith.constant 200 : i32
      %div3A_555 = vector.broadcast %div3A_554 : i32 to vector<16xi32>
      %div3A_556 = arith.divsi %add3A_553, %div3A_555 : vector<16xi32>
      %sub3A_557 = arith.constant 96 : i32
      %sub3A_558 = vector.broadcast %sub3A_557 : i32 to vector<16xi32>
      %sub3A_559 = arith.subi %div3A_556, %sub3A_558 : vector<16xi32>
      %gt3A_560 = arith.constant 0.000000e+00 : f32
      %gt3A_561 = vector.broadcast %gt3A_560 : f32 to vector<16xf32>
      %gt3A_562 = arith.cmpf ogt, %get3A_551, %gt3A_561 : vector<16xf32>
      %add3A_563 = vector.broadcast %mul3A_6 : i32 to vector<16xi32>
      %add3A_564 = arith.addi %add3A_563, %sub3A_559 : vector<16xi32>
      %jit3A_565 = arith.constant 512 : i32
      %broadcast_in_dim3A_566 = vector.broadcast %jit3A_565 : i32 to vector<16xi32>
      %select_n3A_567 = arith.select %gt3A_562, %add3A_564, %broadcast_in_dim3A_566 : vector<16xi1>, vector<16xi32>
      %swap3A_568 = arith.constant 64 : index
      %swap3A_569 = tpu.vector_load %arg10[%swap3A_568] {strides = array<i32>} : memref<128xi32, #tpu.memory_space<vmem>>, vector<16xi32>,
      %swap3A_570 = vector.shape_cast %swap3A_569 : vector<16xi32> to vector<16xi32>
      %swap3A_571 = vector.shape_cast %select_n3A_567 : vector<16xi32> to vector<16xi32>
      tpu.vector_store %arg10[%swap3A_568], %swap3A_571 {strides = array<i32>} : memref<128xi32, #tpu.memory_space<vmem>>, vector<16xi32>,
      %add3A_572 = arith.constant 80 : i32
      %add3A_573 = arith.addi %mul3A_441, %add3A_572 : i32
      %get3A_574 = arith.index_cast %add3A_439 : i32 to index
      %get3A_575 = arith.constant 80 : index
      %get3A_576 = tpu.vector_load %arg7[%get3A_574, %get3A_575] {strides = array<i32>} : memref<200x128xf32, #tpu.memory_space<vmem>>, vector<1x16xf32>,
      %get3A_577 = vector.shape_cast %get3A_576 : vector<1x16xf32> to vector<16xf32>
      %add3A_578 = vector.broadcast %add3A_573 : i32 to vector<16xi32>
      %add3A_579 = arith.addi %add3A_578, %iota3A : vector<16xi32>
      %div3A_580 = arith.constant 200 : i32
      %div3A_581 = vector.broadcast %div3A_580 : i32 to vector<16xi32>
      %div3A_582 = arith.divsi %add3A_579, %div3A_581 : vector<16xi32>
      %sub3A_583 = arith.constant 96 : i32
      %sub3A_584 = vector.broadcast %sub3A_583 : i32 to vector<16xi32>
      %sub3A_585 = arith.subi %div3A_582, %sub3A_584 : vector<16xi32>
      %gt3A_586 = arith.constant 0.000000e+00 : f32
      %gt3A_587 = vector.broadcast %gt3A_586 : f32 to vector<16xf32>
      %gt3A_588 = arith.cmpf ogt, %get3A_577, %gt3A_587 : vector<16xf32>
      %add3A_589 = vector.broadcast %mul3A_6 : i32 to vector<16xi32>
      %add3A_590 = arith.addi %add3A_589, %sub3A_585 : vector<16xi32>
      %jit3A_591 = arith.constant 512 : i32
      %broadcast_in_dim3A_592 = vector.broadcast %jit3A_591 : i32 to vector<16xi32>
      %select_n3A_593 = arith.select %gt3A_588, %add3A_590, %broadcast_in_dim3A_592 : vector<16xi1>, vector<16xi32>
      %swap3A_594 = arith.constant 80 : index
      %swap3A_595 = tpu.vector_load %arg10[%swap3A_594] {strides = array<i32>} : memref<128xi32, #tpu.memory_space<vmem>>, vector<16xi32>,
      %swap3A_596 = vector.shape_cast %swap3A_595 : vector<16xi32> to vector<16xi32>
      %swap3A_597 = vector.shape_cast %select_n3A_593 : vector<16xi32> to vector<16xi32>
      tpu.vector_store %arg10[%swap3A_594], %swap3A_597 {strides = array<i32>} : memref<128xi32, #tpu.memory_space<vmem>>, vector<16xi32>,
      %add3A_598 = arith.constant 96 : i32
      %add3A_599 = arith.addi %mul3A_441, %add3A_598 : i32
      %get3A_600 = arith.index_cast %add3A_439 : i32 to index
      %get3A_601 = arith.constant 96 : index
      %get3A_602 = tpu.vector_load %arg7[%get3A_600, %get3A_601] {strides = array<i32>} : memref<200x128xf32, #tpu.memory_space<vmem>>, vector<1x16xf32>,
      %get3A_603 = vector.shape_cast %get3A_602 : vector<1x16xf32> to vector<16xf32>
      %add3A_604 = vector.broadcast %add3A_599 : i32 to vector<16xi32>
      %add3A_605 = arith.addi %add3A_604, %iota3A : vector<16xi32>
      %div3A_606 = arith.constant 200 : i32
      %div3A_607 = vector.broadcast %div3A_606 : i32 to vector<16xi32>
      %div3A_608 = arith.divsi %add3A_605, %div3A_607 : vector<16xi32>
      %sub3A_609 = arith.constant 96 : i32
      %sub3A_610 = vector.broadcast %sub3A_609 : i32 to vector<16xi32>
      %sub3A_611 = arith.subi %div3A_608, %sub3A_610 : vector<16xi32>
      %gt3A_612 = arith.constant 0.000000e+00 : f32
      %gt3A_613 = vector.broadcast %gt3A_612 : f32 to vector<16xf32>
      %gt3A_614 = arith.cmpf ogt, %get3A_603, %gt3A_613 : vector<16xf32>
      %add3A_615 = vector.broadcast %mul3A_6 : i32 to vector<16xi32>
      %add3A_616 = arith.addi %add3A_615, %sub3A_611 : vector<16xi32>
      %jit3A_617 = arith.constant 512 : i32
      %broadcast_in_dim3A_618 = vector.broadcast %jit3A_617 : i32 to vector<16xi32>
      %select_n3A_619 = arith.select %gt3A_614, %add3A_616, %broadcast_in_dim3A_618 : vector<16xi1>, vector<16xi32>
      %swap3A_620 = arith.constant 96 : index
      %swap3A_621 = tpu.vector_load %arg10[%swap3A_620] {strides = array<i32>} : memref<128xi32, #tpu.memory_space<vmem>>, vector<16xi32>,
      %swap3A_622 = vector.shape_cast %swap3A_621 : vector<16xi32> to vector<16xi32>
      %swap3A_623 = vector.shape_cast %select_n3A_619 : vector<16xi32> to vector<16xi32>
      tpu.vector_store %arg10[%swap3A_620], %swap3A_623 {strides = array<i32>} : memref<128xi32, #tpu.memory_space<vmem>>, vector<16xi32>,
      %add3A_624 = arith.constant 112 : i32
      %add3A_625 = arith.addi %mul3A_441, %add3A_624 : i32
      %get3A_626 = arith.index_cast %add3A_439 : i32 to index
      %get3A_627 = arith.constant 112 : index
      %get3A_628 = tpu.vector_load %arg7[%get3A_626, %get3A_627] {strides = array<i32>} : memref<200x128xf32, #tpu.memory_space<vmem>>, vector<1x16xf32>,
      %get3A_629 = vector.shape_cast %get3A_628 : vector<1x16xf32> to vector<16xf32>
      %add3A_630 = vector.broadcast %add3A_625 : i32 to vector<16xi32>
      %add3A_631 = arith.addi %add3A_630, %iota3A : vector<16xi32>
      %div3A_632 = arith.constant 200 : i32
      %div3A_633 = vector.broadcast %div3A_632 : i32 to vector<16xi32>
      %div3A_634 = arith.divsi %add3A_631, %div3A_633 : vector<16xi32>
      %sub3A_635 = arith.constant 96 : i32
      %sub3A_636 = vector.broadcast %sub3A_635 : i32 to vector<16xi32>
      %sub3A_637 = arith.subi %div3A_634, %sub3A_636 : vector<16xi32>
      %gt3A_638 = arith.constant 0.000000e+00 : f32
      %gt3A_639 = vector.broadcast %gt3A_638 : f32 to vector<16xf32>
      %gt3A_640 = arith.cmpf ogt, %get3A_629, %gt3A_639 : vector<16xf32>
      %add3A_641 = vector.broadcast %mul3A_6 : i32 to vector<16xi32>
      %add3A_642 = arith.addi %add3A_641, %sub3A_637 : vector<16xi32>
      %jit3A_643 = arith.constant 512 : i32
      %broadcast_in_dim3A_644 = vector.broadcast %jit3A_643 : i32 to vector<16xi32>
      %select_n3A_645 = arith.select %gt3A_640, %add3A_642, %broadcast_in_dim3A_644 : vector<16xi1>, vector<16xi32>
      %swap3A_646 = arith.constant 112 : index
      %swap3A_647 = tpu.vector_load %arg10[%swap3A_646] {strides = array<i32>} : memref<128xi32, #tpu.memory_space<vmem>>, vector<16xi32>,
      %swap3A_648 = vector.shape_cast %swap3A_647 : vector<16xi32> to vector<16xi32>
      %swap3A_649 = vector.shape_cast %select_n3A_645 : vector<16xi32> to vector<16xi32>
      tpu.vector_store %arg10[%swap3A_646], %swap3A_649 {strides = array<i32>} : memref<128xi32, #tpu.memory_space<vmem>>, vector<16xi32>,
      %dma_start3A_650 = arith.constant 1 : i32
      %dma_start3A_651 = arith.constant 0 : i32
      %dma_start3A_652 = arith.constant 0 : i32
      %dma_start3A_653 = tpu.memref_slice %arg8[%dma_start3A_650, %dma_start3A_651, %dma_start3A_652] : memref<2x128x128xf32, #tpu.memory_space<vmem>> -> memref<1x128x128xf32, #tpu.memory_space<vmem>>
      %dma_start3A_654 = tpu.memref_squeeze %dma_start3A_653 : memref<1x128x128xf32, #tpu.memory_space<vmem>> -> memref<128x128xf32, #tpu.memory_space<vmem>>
      %dma_start3A_655 = arith.constant 0 : i32
      %dma_start3A_656 = arith.constant 0 : i32
      %dma_start3A_657 = tpu.memref_slice %arg13[%dma_start3A_655, %dma_start3A_656] : memref<520x128xf32, #tpu.memory_space<vmem_shared>> -> memref<520x128xf32, #tpu.memory_space<vmem_shared>>
      tpu.enqueue_indirect_dma source(%dma_start3A_654 : memref<128x128xf32, #tpu.memory_space<vmem>>) target(%dma_start3A_657 : memref<520x128xf32, #tpu.memory_space<vmem_shared>>) offsets(%arg10 : memref<128xi32, #tpu.memory_space<vmem>>) semaphore(%arg17 : memref<!tpu.dma_semaphore, #tpu.memory_space<semaphore_mem>>) {add = true}
      %dma_wait3A_658 = arith.constant 0 : i32
      %dma_wait3A_659 = arith.constant 0 : i32
      %dma_wait3A_660 = arith.constant 0 : i32
      %dma_wait3A_661 = tpu.memref_slice %arg8[%dma_wait3A_658, %dma_wait3A_659, %dma_wait3A_660] : memref<2x128x128xf32, #tpu.memory_space<vmem>> -> memref<1x128x128xf32, #tpu.memory_space<vmem>>
      %dma_wait3A_662 = tpu.memref_squeeze %dma_wait3A_661 : memref<1x128x128xf32, #tpu.memory_space<vmem>> -> memref<128x128xf32, #tpu.memory_space<vmem>>
      %dma_wait3A_663 = arith.constant 0 : i32
      %dma_wait3A_664 = arith.constant 0 : i32
      %dma_wait3A_665 = tpu.memref_slice %arg13[%dma_wait3A_663, %dma_wait3A_664] : memref<520x128xf32, #tpu.memory_space<vmem_shared>> -> memref<520x128xf32, #tpu.memory_space<vmem_shared>>
      tpu.wait_indirect_dma semaphore(%arg16 : memref<!tpu.dma_semaphore, #tpu.memory_space<semaphore_mem>>) src(%dma_wait3A_662 : memref<128x128xf32, #tpu.memory_space<vmem>>) dst(%dma_wait3A_665 : memref<520x128xf32, #tpu.memory_space<vmem_shared>>)
      %add3A_666 = arith.constant 1 : i32
      %add3A_667 = arith.addi %scan3A_166, %add3A_666 : i32
      %lt3A = arith.constant 25 : i32
      %lt3A_668 = arith.cmpi slt, %add3A_667, %lt3A : i32
      %convert_element_type3A_669 = arith.extui %lt3A_668 : i1 to i32
      %cond3A_670 = arith.constant 0 : i32
      %cond3A_671 = arith.cmpi ne, %convert_element_type3A_669, %cond3A_670 : i32
      scf.if %cond3A_671 {
        %add3A_673 = arith.constant 2 : i32
        %add3A_674 = arith.addi %add3A_171, %add3A_673 : i32
        %mul3A_675 = arith.constant 128 : i32
        %mul3A_676 = arith.muli %add3A_674, %mul3A_675 : i32
        %add3A_677 = arith.addi %mul3A_4, %mul3A_676 : i32
        %dma_start3A_678 = arith.constant 0 : i32
        %dma_start3A_679 = arith.constant 0 : i32
        %dma_start3A_680 = arith.constant 0 : i32
        %dma_start3A_681 = tpu.memref_slice %arg8[%dma_start3A_678, %dma_start3A_679, %dma_start3A_680] : memref<2x128x128xf32, #tpu.memory_space<vmem>> -> memref<1x128x128xf32, #tpu.memory_space<vmem>>
        %dma_start3A_682 = tpu.memref_squeeze %dma_start3A_681 : memref<1x128x128xf32, #tpu.memory_space<vmem>> -> memref<128x128xf32, #tpu.memory_space<vmem>>
        %dma_start3A_683 = arith.constant 0 : i32
        %dma_start3A_684 = tpu.memref_slice %arg2[%add3A_677, %dma_start3A_683] : memref<819200x128xf32, #tpu.memory_space<hbm>> -> memref<128x128xf32, #tpu.memory_space<hbm>>
        %dma_start3A_685 = arith.constant 0 : i32
        %dma_start3A_686 = arith.constant 0 : i32
        %dma_start3A_687 = tpu.memref_slice %arg8[%dma_start3A_678, %dma_start3A_685, %dma_start3A_686] : memref<2x128x128xf32, #tpu.memory_space<vmem>> -> memref<1x128x128xf32, #tpu.memory_space<vmem>>
        %dma_start3A_688 = tpu.memref_squeeze %dma_start3A_687 : memref<1x128x128xf32, #tpu.memory_space<vmem>> -> memref<128x128xf32, #tpu.memory_space<vmem>>
        %dma_start3A_689 = arith.constant 0 : i32
        %dma_start3A_690 = tpu.memref_slice %arg2[%add3A_677, %dma_start3A_689] : memref<819200x128xf32, #tpu.memory_space<hbm>> -> memref<128x128xf32, #tpu.memory_space<hbm>>
        tpu.enqueue_dma source(%dma_start3A_690 : memref<128x128xf32, #tpu.memory_space<hbm>>) target(%dma_start3A_688 : memref<128x128xf32, #tpu.memory_space<vmem>>) target_semaphore(%arg14 : memref<!tpu.dma_semaphore, #tpu.memory_space<semaphore_mem>>)
      } else {
      }
      %scan3A_672 = arith.constant 0 : i32
      scf.yield %scan3A_672 : i32
    }
    %scan3A_150 = arith.constant 25 : i32
    %dma_wait3A_151 = arith.constant 1 : i32
    %dma_wait3A_152 = arith.constant 0 : i32
    %dma_wait3A_153 = arith.constant 0 : i32
    %dma_wait3A_154 = tpu.memref_slice %arg8[%dma_wait3A_151, %dma_wait3A_152, %dma_wait3A_153] : memref<2x128x128xf32, #tpu.memory_space<vmem>> -> memref<1x128x128xf32, #tpu.memory_space<vmem>>
    %dma_wait3A_155 = tpu.memref_squeeze %dma_wait3A_154 : memref<1x128x128xf32, #tpu.memory_space<vmem>> -> memref<128x128xf32, #tpu.memory_space<vmem>>
    %dma_wait3A_156 = arith.constant 0 : i32
    %dma_wait3A_157 = arith.constant 0 : i32
    %dma_wait3A_158 = tpu.memref_slice %arg13[%dma_wait3A_156, %dma_wait3A_157] : memref<520x128xf32, #tpu.memory_space<vmem_shared>> -> memref<520x128xf32, #tpu.memory_space<vmem_shared>>
    tpu.wait_indirect_dma semaphore(%arg17 : memref<!tpu.dma_semaphore, #tpu.memory_space<semaphore_mem>>) src(%dma_wait3A_155 : memref<128x128xf32, #tpu.memory_space<vmem>>) dst(%dma_wait3A_158 : memref<520x128xf32, #tpu.memory_space<vmem_shared>>)
    "tpu.region"() ({
      %run_scoped3A = tpu.sem_alloc : memref<!tpu.dma_semaphore, #tpu.memory_space<semaphore_mem>>
      %dma_start3A_166 = arith.constant 96 : i32
      %dma_start3A_167 = arith.constant 0 : i32
      %dma_start3A_168 = tpu.memref_slice %arg12[%dma_start3A_166, %dma_start3A_167] : memref<128x128xf32, #tpu.memory_space<vmem>> -> memref<32x128xf32, #tpu.memory_space<vmem>>
      %dma_start3A_169 = arith.constant 0 : i32
      %dma_start3A_170 = tpu.memref_slice %arg13[%mul3A_6, %dma_start3A_169] : memref<520x128xf32, #tpu.memory_space<vmem_shared>> -> memref<32x128xf32, #tpu.memory_space<vmem_shared>>
      %dma_start3A_171 = arith.constant 96 : i32
      %dma_start3A_172 = arith.constant 0 : i32
      %dma_start3A_173 = tpu.memref_slice %arg12[%dma_start3A_171, %dma_start3A_172] : memref<128x128xf32, #tpu.memory_space<vmem>> -> memref<32x128xf32, #tpu.memory_space<vmem>>
      %dma_start3A_174 = arith.constant 0 : i32
      %dma_start3A_175 = tpu.memref_slice %arg13[%mul3A_6, %dma_start3A_174] : memref<520x128xf32, #tpu.memory_space<vmem_shared>> -> memref<32x128xf32, #tpu.memory_space<vmem_shared>>
      tpu.enqueue_dma source(%dma_start3A_175 : memref<32x128xf32, #tpu.memory_space<vmem_shared>>) target(%dma_start3A_173 : memref<32x128xf32, #tpu.memory_space<vmem>>) target_semaphore(%run_scoped3A : memref<!tpu.dma_semaphore, #tpu.memory_space<semaphore_mem>>)
      %dma_wait3A_176 = arith.constant 96 : i32
      %dma_wait3A_177 = arith.constant 0 : i32
      %dma_wait3A_178 = tpu.memref_slice %arg12[%dma_wait3A_176, %dma_wait3A_177] : memref<128x128xf32, #tpu.memory_space<vmem>> -> memref<32x128xf32, #tpu.memory_space<vmem>>
      %dma_wait3A_179 = arith.constant 0 : i32
      %dma_wait3A_180 = tpu.memref_slice %arg13[%mul3A_6, %dma_wait3A_179] : memref<520x128xf32, #tpu.memory_space<vmem_shared>> -> memref<32x128xf32, #tpu.memory_space<vmem_shared>>
      %dma_wait3A_181 = arith.constant 96 : i32
      %dma_wait3A_182 = arith.constant 0 : i32
      %dma_wait3A_183 = tpu.memref_slice %arg12[%dma_wait3A_181, %dma_wait3A_182] : memref<128x128xf32, #tpu.memory_space<vmem>> -> memref<32x128xf32, #tpu.memory_space<vmem>>
      %dma_wait3A_184 = arith.constant 0 : i32
      %dma_wait3A_185 = tpu.memref_slice %arg13[%mul3A_6, %dma_wait3A_184] : memref<520x128xf32, #tpu.memory_space<vmem_shared>> -> memref<32x128xf32, #tpu.memory_space<vmem_shared>>
      tpu.wait_dma2 semaphore(%run_scoped3A : memref<!tpu.dma_semaphore, #tpu.memory_space<semaphore_mem>>) src(%dma_wait3A_185 : memref<32x128xf32, #tpu.memory_space<vmem_shared>>) dst(%dma_wait3A_183 : memref<32x128xf32, #tpu.memory_space<vmem>>)
      tpu.yield
    }) : () -> ()
    %scan3A_159 = arith.constant 0 : i32
    %scan3A_160 = arith.constant 0 : i32
    %scan3A_161 = arith.constant 128 : i32
    %scan3A_162 = arith.addi %scan3A_160, %scan3A_161 : i32
    %scan3A_163 = arith.constant 1 : i32
    %scan3A_164 = scf.for %scan3A_166 = %scan3A_160 to %scan3A_162 step %scan3A_163 iter_args(%scan3A_167 = %scan3A_159) -> (i32)  : i32 {
      %get3A = arith.index_cast %scan3A_166 : i32 to index
      %get3A_168 = arith.constant 0 : index
      %get3A_169 = tpu.vector_load %arg11[%get3A, %get3A_168] {strides = array<i32>} : memref<128x16xf32, #tpu.memory_space<vmem>>, vector<1x16xf32>,
      %get3A_170 = vector.shape_cast %get3A_169 : vector<1x16xf32> to vector<16xf32>
      %get3A_171 = arith.index_cast %scan3A_166 : i32 to index
      %get3A_172 = arith.constant 0 : index
      %get3A_173 = tpu.vector_load %arg12[%get3A_171, %get3A_172] {strides = array<i32>} : memref<128x128xf32, #tpu.memory_space<vmem>>, vector<1x16xf32>,
      %get3A_174 = vector.shape_cast %get3A_173 : vector<1x16xf32> to vector<16xf32>
      %div3A = arith.divf %get3A_174, %get3A_170 : vector<16xf32>
      %swap3A = arith.index_cast %scan3A_166 : i32 to index
      %swap3A_175 = arith.constant 0 : index
      %swap3A_176 = tpu.vector_load %arg12[%swap3A, %swap3A_175] {strides = array<i32>} : memref<128x128xf32, #tpu.memory_space<vmem>>, vector<1x16xf32>,
      %swap3A_177 = vector.shape_cast %swap3A_176 : vector<1x16xf32> to vector<16xf32>
      %swap3A_178 = vector.shape_cast %div3A : vector<16xf32> to vector<1x16xf32>
      tpu.vector_store %arg12[%swap3A, %swap3A_175], %swap3A_178 {strides = array<i32>} : memref<128x128xf32, #tpu.memory_space<vmem>>, vector<1x16xf32>,
      %get3A_179 = arith.index_cast %scan3A_166 : i32 to index
      %get3A_180 = arith.constant 16 : index
      %get3A_181 = tpu.vector_load %arg12[%get3A_179, %get3A_180] {strides = array<i32>} : memref<128x128xf32, #tpu.memory_space<vmem>>, vector<1x16xf32>,
      %get3A_182 = vector.shape_cast %get3A_181 : vector<1x16xf32> to vector<16xf32>
      %div3A_183 = arith.divf %get3A_182, %get3A_170 : vector<16xf32>
      %swap3A_184 = arith.index_cast %scan3A_166 : i32 to index
      %swap3A_185 = arith.constant 16 : index
      %swap3A_186 = tpu.vector_load %arg12[%swap3A_184, %swap3A_185] {strides = array<i32>} : memref<128x128xf32, #tpu.memory_space<vmem>>, vector<1x16xf32>,
      %swap3A_187 = vector.shape_cast %swap3A_186 : vector<1x16xf32> to vector<16xf32>
      %swap3A_188 = vector.shape_cast %div3A_183 : vector<16xf32> to vector<1x16xf32>
      tpu.vector_store %arg12[%swap3A_184, %swap3A_185], %swap3A_188 {strides = array<i32>} : memref<128x128xf32, #tpu.memory_space<vmem>>, vector<1x16xf32>,
      %get3A_189 = arith.index_cast %scan3A_166 : i32 to index
      %get3A_190 = arith.constant 32 : index
      %get3A_191 = tpu.vector_load %arg12[%get3A_189, %get3A_190] {strides = array<i32>} : memref<128x128xf32, #tpu.memory_space<vmem>>, vector<1x16xf32>,
      %get3A_192 = vector.shape_cast %get3A_191 : vector<1x16xf32> to vector<16xf32>
      %div3A_193 = arith.divf %get3A_192, %get3A_170 : vector<16xf32>
      %swap3A_194 = arith.index_cast %scan3A_166 : i32 to index
      %swap3A_195 = arith.constant 32 : index
      %swap3A_196 = tpu.vector_load %arg12[%swap3A_194, %swap3A_195] {strides = array<i32>} : memref<128x128xf32, #tpu.memory_space<vmem>>, vector<1x16xf32>,
      %swap3A_197 = vector.shape_cast %swap3A_196 : vector<1x16xf32> to vector<16xf32>
      %swap3A_198 = vector.shape_cast %div3A_193 : vector<16xf32> to vector<1x16xf32>
      tpu.vector_store %arg12[%swap3A_194, %swap3A_195], %swap3A_198 {strides = array<i32>} : memref<128x128xf32, #tpu.memory_space<vmem>>, vector<1x16xf32>,
      %get3A_199 = arith.index_cast %scan3A_166 : i32 to index
      %get3A_200 = arith.constant 48 : index
      %get3A_201 = tpu.vector_load %arg12[%get3A_199, %get3A_200] {strides = array<i32>} : memref<128x128xf32, #tpu.memory_space<vmem>>, vector<1x16xf32>,
      %get3A_202 = vector.shape_cast %get3A_201 : vector<1x16xf32> to vector<16xf32>
      %div3A_203 = arith.divf %get3A_202, %get3A_170 : vector<16xf32>
      %swap3A_204 = arith.index_cast %scan3A_166 : i32 to index
      %swap3A_205 = arith.constant 48 : index
      %swap3A_206 = tpu.vector_load %arg12[%swap3A_204, %swap3A_205] {strides = array<i32>} : memref<128x128xf32, #tpu.memory_space<vmem>>, vector<1x16xf32>,
      %swap3A_207 = vector.shape_cast %swap3A_206 : vector<1x16xf32> to vector<16xf32>
      %swap3A_208 = vector.shape_cast %div3A_203 : vector<16xf32> to vector<1x16xf32>
      tpu.vector_store %arg12[%swap3A_204, %swap3A_205], %swap3A_208 {strides = array<i32>} : memref<128x128xf32, #tpu.memory_space<vmem>>, vector<1x16xf32>,
      %get3A_209 = arith.index_cast %scan3A_166 : i32 to index
      %get3A_210 = arith.constant 64 : index
      %get3A_211 = tpu.vector_load %arg12[%get3A_209, %get3A_210] {strides = array<i32>} : memref<128x128xf32, #tpu.memory_space<vmem>>, vector<1x16xf32>,
      %get3A_212 = vector.shape_cast %get3A_211 : vector<1x16xf32> to vector<16xf32>
      %div3A_213 = arith.divf %get3A_212, %get3A_170 : vector<16xf32>
      %swap3A_214 = arith.index_cast %scan3A_166 : i32 to index
      %swap3A_215 = arith.constant 64 : index
      %swap3A_216 = tpu.vector_load %arg12[%swap3A_214, %swap3A_215] {strides = array<i32>} : memref<128x128xf32, #tpu.memory_space<vmem>>, vector<1x16xf32>,
      %swap3A_217 = vector.shape_cast %swap3A_216 : vector<1x16xf32> to vector<16xf32>
      %swap3A_218 = vector.shape_cast %div3A_213 : vector<16xf32> to vector<1x16xf32>
      tpu.vector_store %arg12[%swap3A_214, %swap3A_215], %swap3A_218 {strides = array<i32>} : memref<128x128xf32, #tpu.memory_space<vmem>>, vector<1x16xf32>,
      %get3A_219 = arith.index_cast %scan3A_166 : i32 to index
      %get3A_220 = arith.constant 80 : index
      %get3A_221 = tpu.vector_load %arg12[%get3A_219, %get3A_220] {strides = array<i32>} : memref<128x128xf32, #tpu.memory_space<vmem>>, vector<1x16xf32>,
      %get3A_222 = vector.shape_cast %get3A_221 : vector<1x16xf32> to vector<16xf32>
      %div3A_223 = arith.divf %get3A_222, %get3A_170 : vector<16xf32>
      %swap3A_224 = arith.index_cast %scan3A_166 : i32 to index
      %swap3A_225 = arith.constant 80 : index
      %swap3A_226 = tpu.vector_load %arg12[%swap3A_224, %swap3A_225] {strides = array<i32>} : memref<128x128xf32, #tpu.memory_space<vmem>>, vector<1x16xf32>,
      %swap3A_227 = vector.shape_cast %swap3A_226 : vector<1x16xf32> to vector<16xf32>
      %swap3A_228 = vector.shape_cast %div3A_223 : vector<16xf32> to vector<1x16xf32>
      tpu.vector_store %arg12[%swap3A_224, %swap3A_225], %swap3A_228 {strides = array<i32>} : memref<128x128xf32, #tpu.memory_space<vmem>>, vector<1x16xf32>,
      %get3A_229 = arith.index_cast %scan3A_166 : i32 to index
      %get3A_230 = arith.constant 96 : index
      %get3A_231 = tpu.vector_load %arg12[%get3A_229, %get3A_230] {strides = array<i32>} : memref<128x128xf32, #tpu.memory_space<vmem>>, vector<1x16xf32>,
      %get3A_232 = vector.shape_cast %get3A_231 : vector<1x16xf32> to vector<16xf32>
      %div3A_233 = arith.divf %get3A_232, %get3A_170 : vector<16xf32>
      %swap3A_234 = arith.index_cast %scan3A_166 : i32 to index
      %swap3A_235 = arith.constant 96 : index
      %swap3A_236 = tpu.vector_load %arg12[%swap3A_234, %swap3A_235] {strides = array<i32>} : memref<128x128xf32, #tpu.memory_space<vmem>>, vector<1x16xf32>,
      %swap3A_237 = vector.shape_cast %swap3A_236 : vector<1x16xf32> to vector<16xf32>
      %swap3A_238 = vector.shape_cast %div3A_233 : vector<16xf32> to vector<1x16xf32>
      tpu.vector_store %arg12[%swap3A_234, %swap3A_235], %swap3A_238 {strides = array<i32>} : memref<128x128xf32, #tpu.memory_space<vmem>>, vector<1x16xf32>,
      %get3A_239 = arith.index_cast %scan3A_166 : i32 to index
      %get3A_240 = arith.constant 112 : index
      %get3A_241 = tpu.vector_load %arg12[%get3A_239, %get3A_240] {strides = array<i32>} : memref<128x128xf32, #tpu.memory_space<vmem>>, vector<1x16xf32>,
      %get3A_242 = vector.shape_cast %get3A_241 : vector<1x16xf32> to vector<16xf32>
      %div3A_243 = arith.divf %get3A_242, %get3A_170 : vector<16xf32>
      %swap3A_244 = arith.index_cast %scan3A_166 : i32 to index
      %swap3A_245 = arith.constant 112 : index
      %swap3A_246 = tpu.vector_load %arg12[%swap3A_244, %swap3A_245] {strides = array<i32>} : memref<128x128xf32, #tpu.memory_space<vmem>>, vector<1x16xf32>,
      %swap3A_247 = vector.shape_cast %swap3A_246 : vector<1x16xf32> to vector<16xf32>
      %swap3A_248 = vector.shape_cast %div3A_243 : vector<16xf32> to vector<1x16xf32>
      tpu.vector_store %arg12[%swap3A_244, %swap3A_245], %swap3A_248 {strides = array<i32>} : memref<128x128xf32, #tpu.memory_space<vmem>>, vector<1x16xf32>,
      %scan3A_249 = arith.constant 0 : i32
      scf.yield %scan3A_249 : i32
    }
    %scan3A_165 = arith.constant 128 : i32
    "tpu.region"() ({
      %run_scoped3A = tpu.sem_alloc : memref<!tpu.dma_semaphore, #tpu.memory_space<semaphore_mem>>
      %dma_start3A_166 = arith.constant 0 : i32
      %dma_start3A_167 = tpu.memref_slice %arg5[%mul3A_2, %dma_start3A_166] : memref<4096x128xf32, #tpu.memory_space<hbm>> -> memref<128x128xf32, #tpu.memory_space<hbm>>
      %dma_start3A_168 = arith.constant 0 : i32
      %dma_start3A_169 = tpu.memref_slice %arg5[%mul3A_2, %dma_start3A_168] : memref<4096x128xf32, #tpu.memory_space<hbm>> -> memref<128x128xf32, #tpu.memory_space<hbm>>
      tpu.enqueue_dma source(%arg12 : memref<128x128xf32, #tpu.memory_space<vmem>>) target(%dma_start3A_169 : memref<128x128xf32, #tpu.memory_space<hbm>>) target_semaphore(%run_scoped3A : memref<!tpu.dma_semaphore, #tpu.memory_space<semaphore_mem>>)
      %dma_wait3A_170 = arith.constant 0 : i32
      %dma_wait3A_171 = tpu.memref_slice %arg5[%mul3A_2, %dma_wait3A_170] : memref<4096x128xf32, #tpu.memory_space<hbm>> -> memref<128x128xf32, #tpu.memory_space<hbm>>
      %dma_wait3A_172 = arith.constant 0 : i32
      %dma_wait3A_173 = tpu.memref_slice %arg5[%mul3A_2, %dma_wait3A_172] : memref<4096x128xf32, #tpu.memory_space<hbm>> -> memref<128x128xf32, #tpu.memory_space<hbm>>
      tpu.wait_dma2 semaphore(%run_scoped3A : memref<!tpu.dma_semaphore, #tpu.memory_space<semaphore_mem>>) src(%arg12 : memref<128x128xf32, #tpu.memory_space<vmem>>) dst(%dma_wait3A_173 : memref<128x128xf32, #tpu.memory_space<hbm>>)
      tpu.yield
    }) : () -> ()
    return
  }
}

</mosaic_0001>

<sc_bundles>
// kernel: kernel.3.cloned.1.call-start
scs
__scs_entry_jumppad:
0x0: {  	(pc) =	sbr.rel $0x88, $3  }
0x1: {  	(tag) =	ssettag $0x0;
	lr =	simm.s32 $0x1  }
0x2: {  	[smem:$0x3F9F] =	sst lr;
	_ =	strace $0xD0000000  }
0x3: {  	_ = 	snop  }
0x4: {  	_ = 	snop  }
0x5: {  	_ = 	snop  }
0x6: {  	_ = 	snop  }
0x7: {  	_ = 	snop  }
__scs_overlays_trampoline_lowered:
0x8: {  	[smem:$0x3FAE] =	sst s0  }
0x9: {  	[smem:$0x3FAF] =	sst s1  }
0xa: {  	[smem:$0x3FB0] =	sst s2  }
0xb: {  	[smem:$0x3FB1] =	sst s3  }
0xc: {  	[smem:$0x3FB2] =	sst s4  }
0xd: {  	[smem:$0x3FB3] =	sst s5  }
0xe: {  	[smem:$0x3FB4] =	sst s6  }
0xf: {  	[smem:$0x3FB5] =	sst s7  }
0x10: {  	[smem:$0x3FB6] =	sst s8  }
0x11: {  	[smem:$0x3FB7] =	sst s9;
	s0 =	simm.s32 @!p0 $0x0  }
0x12: {  	s1 =	sld [smem:$0x3F9D];
	s0 =	simm.s32 @p0 $0x1  }
0x13: {  	[smem:$0x3FB8] =	sst s0;
	s0 =	simm.s32 @!p1 $0x0  }
0x14: {  	s2 =	sld [smem:$0x3F9C];
	s0 =	simm.s32 @p1 $0x1  }
0x15: {  	[smem:$0x3FB9] =	sst s0;
	s0 =	simm.s32 @!p2 $0x0  }
0x16: {  	s3 =	sld [smem:$0x3FDB];
	s0 =	simm.s32 @p2 $0x1  }
0x17: {  	s4 =	simm.s32 $0x1BF5;
	[smem:$0x3FBB] =	sst s0  }
0x18: {  	s0 =	sld [smem:$0x3F9E];
	_ =	swait.ge [sflag:s4], $0x0  }
0x19: {  	s7 =	sld [smem:$0x3F9F]  }
0x1a: {  	s8 =	sadd.s32 $0xFFFFE003, lr  }
0x1b: {  	s9 =	sadd.s32 $0xFFFFFEF7, lr;
	s5 =	simm.s32 $0xFFFFFFFF;
	p2 =	slt.u32 s8, $0xFFFFF086  }
0x1c: {  	p1 =	slt.u32 s9, $0xF7A;
	s5 =	simm.s32 @!p2 $0x0  }
0x1d: {  	s5 =	simm.s32 @p1 $0x1;
	p0 =	seq.s32 s7, s2  }
0x1e: {  	s7 =	smul.u32 @!p0 $0xF7A, s2;
	p2 =	seq.s32 @!p0 s5, $0x0  }
0x1f: {  	s9 =	smul.u32 $0xF7A, s1;
	s8 =	simm.s32 @!p0 $0x1BF5;
	p2 =	por !p2, p0  }
0x20: {  	[sflag:s8] =	ssyncset.s32 @!p0 $0xFFFFF086;
	s6 =	sadd.s32 @!p0 s3, s7;
	s7 =	simm.s32 @!p0 $0x108  }
0x21: {  	s3 =	sadd.s32 s3, s9;
	s6 =	sadd.s32 @!p0 $0x88, s6;
	s7 =	simm.s32 @p2 $0x1082  }
0x22: {  	[simem:s7], [sflag:s8] =	dma.local @!p0 [hbm:s6], $0xF7A  }
0x23: {  	s9 =	sor.u32 $0xD0000000, s2;
	s6 =	simm.s32 $0x108;
	_ =	swait.ge @!p0 [sflag:s8], $0x0  }
0x24: {  	s3 =	sadd.s32 $0x88, s3;
	s6 =	simm.s32 @!p1 $0x1082;
	[sflag:s4] =	ssyncset.s32 $0xFFFFF086  }
0x25: {  	[simem:s6], [sflag:s4] =	dma.local [hbm:s3], $0xF7A  }
0x26: {  	[smem:$0x3F9F] =	sst s1;
	(tag) =	ssettag s2;
	_ =	strace s9  }
0x27: {  	s1 =	sld [smem:$0x3FAF]  }
0x28: {  	s2 =	sld [smem:$0x3FB0]  }
0x29: {  	s4 =	sld [smem:$0x3FB2]  }
0x2a: {  	p0 =	seq.s32 s5, $0x0;
	s5 =	sld [smem:$0x3FB3]  }
0x2b: {  	s6 =	sld [smem:$0x3FB4]  }
0x2c: {  	s7 =	sld [smem:$0x3FB5]  }
0x2d: {  	s3 =	simm.s32 $0x108;
	s8 =	sld [smem:$0x3FB6]  }
0x2e: {  	s3 =	simm.s32 @!p0 $0x1082;
	s9 =	sld [smem:$0x3FB7]  }
0x2f: {  	lr =	sadd.s32 s0, s3;
	s0 =	sld [smem:$0x3FAE]  }
0x30: {  	s3 =	sld [smem:$0x3FB1]  }
0x31: {  	[smem:$0x3FBA] =	sst s10  }
0x32: {  	s10 =	sld [smem:$0x3FB8];
	_ =	sdelay $0x3  }
0x33: {  	p0 =	seq.s32 s10, $0x1;
	s10 =	sld [smem:$0x3FBA];
	_ =	sdelay $0x3  }
0x34: {  	[smem:$0x3FBA] =	sst s10  }
0x35: {  	s10 =	sld [smem:$0x3FB9];
	_ =	sdelay $0x3  }
0x36: {  	p1 =	seq.s32 s10, $0x1;
	s10 =	sld [smem:$0x3FBA];
	_ =	sdelay $0x3  }
0x37: {  	[smem:$0x3FBA] =	sst s10  }
0x38: {  	s10 =	sld [smem:$0x3FBB]  }
0x39: {  	_ = 	snop;
	(pc) =	sbr.ind lr, $3  }
0x3a: {  	_ = 	snop  }
0x3b: {  	_ = 	snop  }
0x3c: {  	p2 =	seq.s32 s10, $0x1;
	s10 =	sld [smem:$0x3FBA]  }
0x3d: {  	_ =	shalt  }
0x3e: {  	_ =	shalt  }
0x3f: {  	_ =	shalt  }
0x40: {  	_ =	shalt  }
0x41: {  	_ =	shalt  }
0x42: {  	_ =	shalt  }
0x43: {  	_ =	shalt  }
0x44: {  	_ =	shalt  }
0x45: {  	_ =	shalt  }
0x46: {  	_ =	shalt  }
0x47: {  	_ =	shalt  }
0x48: {  	_ =	shalt  }
0x49: {  	_ =	shalt  }
0x4a: {  	_ =	shalt  }
0x4b: {  	_ =	shalt  }
0x4c: {  	_ =	shalt  }
0x4d: {  	_ =	shalt  }
0x4e: {  	_ =	shalt  }
0x4f: {  	_ =	shalt  }
0x50: {  	_ =	shalt  }
0x51: {  	_ =	shalt  }
0x52: {  	_ =	shalt  }
0x53: {  	_ =	shalt  }
0x54: {  	_ =	shalt  }
0x55: {  	_ =	shalt  }
0x56: {  	_ =	shalt  }
0x57: {  	_ =	shalt  }
0x58: {  	_ =	shalt  }
0x59: {  	_ =	shalt  }
0x5a: {  	_ =	shalt  }
0x5b: {  	_ =	shalt  }
0x5c: {  	_ =	shalt  }
0x5d: {  	_ =	shalt  }
0x5e: {  	_ =	shalt  }
0x5f: {  	_ =	shalt  }
0x60: {  	_ =	shalt  }
0x61: {  	_ =	shalt  }
0x62: {  	_ =	shalt  }
0x63: {  	_ =	shalt  }
0x64: {  	_ =	shalt  }
0x65: {  	_ =	shalt  }
0x66: {  	_ =	shalt  }
0x67: {  	_ =	shalt  }
0x68: {  	_ =	shalt  }
0x69: {  	_ =	shalt  }
0x6a: {  	_ =	shalt  }
0x6b: {  	_ =	shalt  }
0x6c: {  	_ =	shalt  }
0x6d: {  	_ =	shalt  }
0x6e: {  	_ =	shalt  }
0x6f: {  	_ =	shalt  }
0x70: {  	_ =	shalt  }
0x71: {  	_ =	shalt  }
0x72: {  	_ =	shalt  }
0x73: {  	_ =	shalt  }
0x74: {  	_ =	shalt  }
0x75: {  	_ =	shalt  }
0x76: {  	_ =	shalt  }
0x77: {  	_ =	shalt  }
0x78: {  	_ =	shalt  }
0x79: {  	_ =	shalt  }
0x7a: {  	_ =	shalt  }
0x7b: {  	_ =	shalt  }
0x7c: {  	_ =	shalt  }
0x7d: {  	_ =	shalt  }
0x7e: {  	_ =	shalt  }
0x7f: {  	_ =	shalt  }
0x80: {  	_ =	shalt  }
0x81: {  	_ =	shalt  }
0x82: {  	_ =	shalt  }
0x83: {  	_ =	shalt  }
0x84: {  	_ =	shalt  }
0x85: {  	_ =	shalt  }
0x86: {  	_ =	shalt  }
0x87: {  	_ =	shalt  }
.Lfunc_end0:
.L_simem_size_0:
called_computation_lowered:
.L_overlay_start_0:
0x88: {  	s2 =	sld [smem:$0x3FD9]  }
0x89: {  	s3 =	sld [smem:$0x3FFE];
	_ =	sdelay $0x1  }
0x8a: {  	s1 =	srdreg.scid  }
0x8b: {  	s0 =	sand.u32 $0x1, s1  }
0x8c: {  	s17 =	sshll.u32 s0, $0xA;
	s2 =	sadd.s32 s3, s2  }
0x8d: {  	s2 =	sadd.s32 s2, s17  }
0x8e: {  	[smem:$0x3FC6] =	sst s2  }
0x8f: {  	_ = 	snop  }
0x90: {  	s2 =	sld [smem:$0x3FC9]  }
0x91: {  	s18 =	sld [smem:$0x3FD0];
	(tm) =	ssettm $0x1  }
0x92: {  	s4 =	sld [smem:$0x3FFB];
	_ =	sdelay $0x3  }
0x93: {  	_ =	strace s4  }
0x94: {  	s4 =	sld [smem:$0x3FFC];
	_ =	sdelay $0x3  }
0x95: {  	_ =	strace s4  }
0x96: {  	s4 =	sld [smem:$0x3FFD];
	_ =	sdelay $0x3  }
0x97: {  	_ =	strace s4  }
0x98: {  	_ =	strace $0x8FFFFFFF  }
0x99: {  	s19 =	sld [smem:$0x3FDB];
	_ =	sdelay $0x1  }
0x9a: {  	s5 =	simm.s32 $_scs_section_size  }
0x9b: {  	s6 =	simm.s32 $_size__tile_overlayer_lowered;
	s7 =	simm.s32 $_tile_overlayer_lowered  }
0x9c: {  	s22 =	simm.s32 $0x1BFF;
	s21 =	sshll.u32 s7, $0x1;
	s4 =	sadd.s32 s5, s19  }
0x9d: {  	s8 =	simm.s32 $0x0;
	s20 =	sshll.u32 s6, $0x1;
	s6 =	sadd.s32 s21, s4  }
0x9e: {  	[timem:s8], [sflag:s22] =	dma.local [hbm:s6], s20  }
0x9f: {  	_ =	swait.ge [sflag:s22], s20  }
0xa0: {  	s5 =	ssub.s32 $0x0, s20;
	[sflag:s22] =	ssyncset.done $0x0  }
0xa1: {  	[sflag:s22] =	ssyncadd.s32 s5;
	_ =	sdelay $0x1  }
0xa2: {  	s23 =	simm.s32 $0x1B8B  }
0xa3: {  	_ =	swait.ge [sflag:s23], $0x1  }
0xa4: {  	[sflag:s23] =	ssyncset.done $0x0  }
0xa5: {  	s25 =	simm.s32 $0x1B8E;
	s24 =	sld [smem:$0x3FFE];
	[sflag:s23] =	ssyncadd.s32 $0xFFFFFFFF  }
0xa6: {  	s26 =	simm.s32 $execute0_lowered;
	[smem:$0x3FD2] =	sst s25  }
0xa7: {  	s6 =	sshll.u32 s26, $0x1;
	_ =	strace $0x80000046;
	[dreg:$0x1] =	wrdreg $0xFFFFFFFF  }
0xa8: {  	s28 =	simm.s32 $_size_execute0_lowered;
	s4 =	sadd.s32 s4, s6;
	[dreg:$0x0] =	wrdreg $0x0  }
0xa9: {  	s6 =	sshll.u32 s28, $0x1;
	[dreg:$0x2] =	wrdreg s4  }
0xaa: {  	[dreg:$0x3] =	wrdreg s6  }
0xab: {  	[dreg:$0x4] =	wrdreg $0xC0  }
0xac: {  	_ =	task [dreg:s8], $0x5FFFF  }
0xad: {  	[dreg:$0x1] =	wrdreg $0xFFFFFFFF  }
0xae: {  	[dreg:$0x0] =	wrdreg $0x60  }
0xaf: {  	[dreg:$0x2] =	wrdreg s2  }
0xb0: {  	[dreg:$0x3] =	wrdreg s24  }
0xb1: {  	[dreg:$0x4] =	wrdreg s18  }
0xb2: {  	[dreg:$0x5] =	wrdreg $0x1E5000  }
0xb3: {  	[dreg:$0x6] =	wrdreg $0x9  }
0xb4: {  	_ =	task.clear_ibuf [dreg:s8], $0x7FFFF;
	_ =	strace $0x90000046  }
0xb5: {  	s29 =	simm.s32 $0x9;
	_ =	strace $0x80000048  }
0xb6: {  	_ =	swait.ge [sflag:s29], $0x1  }
0xb7: {  	[sflag:s29] =	ssyncadd.s32 $0xFFFFFFFF  }
0xb8: {  	_ =	strace $0x90000048  }
0xb9: {  	_ =	sfence  }
0xba: {  	s30 =	sld [smem:$0x0];
	_ =	sdelay $0x2  }
0xbb: {  	s31 =	sshll.u32 s1, $0xD;
	s1 =	sshrl.u32 s1, $0x2  }
0xbc: {  	s3 =	sand.u32 $0x4000, s31;
	s1 =	sadd.s32 s1, s30  }
0xbd: {  	s0 =	sor.u32 s3, s0;
	s1 =	sshll.u32 s1, $0x11  }
0xbe: {  	s0 =	sor.u32 s1, s0  }
0xbf: {  	s0 =	sadd.s32 $0x8F2B, s0  }
0xc0: {  	[sflag:s0] =	ssyncadd.remote.s32 $0x1  }
0xc1: {  	_ =	sfence.sel $0xFFFF  }
0xc2: {  	[dreg:$0x0] =	wrdreg $0xFFFFFFFF;
	(pc) =	sbr.abs _section_cstart, $3  }
0xc3: {  	[dreg:$0x1] =	wrdreg $0xFFFFFFFF  }
0xc4: {  	_ =	task.clear_ibuf [dreg:s8], $0x2FFFF;
	_ =	strace $0x9FFFFFFF  }
0xc5: {  	(tm) =	ssettm $0x7FFFFFFF  }
tec
execute0_lowered:
.L_overlay_start_1:
0x0: {  	(tag) =	ssettag $0x1  }
0x1: {  	s0 =	rddreg [dreg:$0x0]  }
0x2: {  	s1 =	rddreg [dreg:$0x1]  }
0x3: {  	s4 =	rddreg [dreg:$0x2];
	s3 =	srdreg.scid  }
0x4: {  	s12 =	stileid.u32;
	s2 =	rddreg [dreg:$0x3];
	s28 =	simm.s32 $0x16480  }
0x5: {  	s29 =	simm.s32 $0x3;
	s30 =	simm.s32 $0x4;
	s31 =	simm.s32 $0x1B500  }
0x6: {  	s17 =	simm.s32 $0x0;
	s5 =	sand.u32 $0x1, s3;
	s6 =	sshll.u32 s12, $0x1  }
0x7: {  	s3 =	simm.s32 $0x0;
	s10 =	sshll.u32 s12, $0x5;
	s23 =	smul.u32 $0xC8000, s12  }
0x8: {  	s7 =	sor.u32 s5, s6;
	s9 =	ssub.s32 $0x2, s5;
	s5 =	smul.u32 $0x64000, s5  }
0x9: {  	s20 =	sshll.u32 s12, $0xC;
	[smem:$0x7FF] =	sst s3;
	s6 =	smul.u32 $0xC80, s7  }
0xa: {  	_ =	strace $0x80000047;
	s8 =	sshll.u32 s7, $0xC;
	s11 =	smul.u32 $0x320000, s7  }
0xb: {  	s18 =	sshrl.u32 s9, $0x1;
	s21 =	smul.u32 $0x64000, s7;
	s26 =	sshll.u32 s7, $0xB  }
0xc: {  	v0 =	vimm.s32 $0xFEDCBA98;
	v1 =	vimm.s32 $0x76543210;
	s8 =	sadd.s32 s8, s1;
	s9 =	ssub.s32 s9, s18;
	s18 =	simm.s32 $0x5  }
0xd: {  	v4 =	vimm.s32 $0x32107654;
	v5 =	vimm.s32 $0xDCFE98BA;
	v0 =	vunpack.c.l.s4.s8 v0;
	s1 =	sadd.s32 s6, s1;
	s19 =	sadd.s32 $0x19400, s8;
	s6 =	sadd.s32 s20, s2  }
0xe: {  	v6 =	vimm.s32 $0x54761032;
	v7 =	vimm.s32 $0xEFCDAB89;
	v1 =	vunpack.c.l.s4.s8 v1;
	s22 =	sshrl.u32 s11, $0x3;
	s8 =	sadd.s32 s0, s21;
	s11 =	sadd.s32 s4, s26  }
0xf: {  	v8 =	vimm.s32 $0x67452301;
	v4 =	vunpack.c.l.s4.s8 v4;
	v2 =	vunpack.c.0.s8.s32 v0;
	s12 =	smax.u32 s9, $0x1;
	s20 =	simm.s32 $0x1A500;
	[dreg:$0x5] =	wrdreg s19  }
0x10: {  	v5 =	vunpack.c.l.s4.s8 v5;
	v6 =	vunpack.c.l.s4.s8 v6;
	v3 =	vunpack.c.0.s8.s32 v1;
	s21 =	simm.s32 $0x6;
	s1 =	sadd.s32 $0x400, s1;
	[dreg:$0x7] =	wrdreg s8  }
0x11: {  	v7 =	vunpack.c.l.s4.s8 v7;
	v8 =	vunpack.c.l.s4.s8 v8;
	v2 =	vand.u32 $0xF, v2;
	s26 =	simm.s32 $0x2;
	s19 =	simm.s32 $0x1;
	[dreg:$0x6] =	wrdreg s1  }
0x12: {  	v0 =	vmov s10;
	v2 =	vcombine.low v2, v3;
	v3 =	vimm.s32 $0xBA98FEDC;
	s1 =	sadd.s32 s0, s22;
	s0 =	sadd.s32 s23, s0;
	s22 =	simm.s32 $0xE400  }
0x13: {  	v4 =	vunpack.c.0.s8.s32 v4;
	v10 =	vunpack.c.0.s8.s32 v5;
	v3 =	vunpack.c.l.s4.s8 v3;
	s23 =	simm.s32 $0x80;
	s24 =	sadd.s32 $0x19000, s1;
	s25 =	sadd.s32 $0x32000, s1  }
0x14: {  	v6 =	vunpack.c.0.s8.s32 v6;
	v11 =	vunpack.c.0.s8.s32 v7;
	v8 =	vunpack.c.0.s8.s32 v8;
	s10 =	sadd.s32 $0x4B000, s1;
	s0 =	sadd.s32 s5, s0;
	[dreg:$0x8] =	wrdreg s24  }
0x15: {  	v7 =	vimm.f32 $0.0e+00;
	v1 =	vadd.s32 $0xFFFFFFE0, v0;
	s1 =	simm.s32 $0x1C500;
	[dreg:$0x9] =	wrdreg s25;
	s7 =	sadd.s32 $0x1000, s0;
	v9 =	vunpack.c.0.s8.s32 v3  }
0x16: {  	v5 =	vadd.s32 $0xFFFFFFA0, v0;
	v6 =	vcombine.low v6, v10;
	v8 =	vcombine.low v8, v11;
	s14 =	sadd.s32 $0x1A000, s0;
	s15 =	sadd.s32 $0x33000, s0;
	s16 =	sadd.s32 $0x4C000, s0  }
0x17: {  	s24 =	simm.s32 $0x16400;
	v3 =	vadd.s32 $0xFFFFFFC0, v0;
	s25 =	simm.s32 $0x12400;
	s0 =	simm.s32 $0x1D500;
	v4 =	vcombine.low v4, v9;
	v9 =	vlaneseq.u32  }
.LBB2_1:
0x18: {  	s4 =	rddreg [dreg:$0x5]  }
0x19: {  	[tilespmem:s3], [sflag:$0x5] =	stream.linear.gather [hbm4b:s4+s3], $0x8000, $0x38;
	[tilespmem:$0x1F540] =	vst v63  }
0x1a: {  	s13 =	rddreg [dreg:$0x6];
	s5 =	simm.s32 $0x8000  }
0x1b: {  	[tilespmem:s5], [sflag:$0x1] =	stream.linear.gather [hbm4b:s13+s3], $0x6400, $0x38;
	[tilespmem:$0x1F540] =	vst v63  }
0x1c: {  	s4 =	simm.s32 $0x0;
	s5 =	simm.s32 $0x200  }
.LBB2_2:
0x1d: {  	p0 =	sne.s32 s5, $0xFE00;
	[tilespmem:s4+$0x1A570] =	vst v7  }
0x1e: {  	[tilespmem:s4+$0x1A500] =	vst v7  }
0x1f: {  	[tilespmem:s4+$0x1A510] =	vst v7  }
.Ltmp0:
0x20: {  	[tilespmem:s4+$0x1A520] =	vst v7;
	(pc) =	sbr.rel @p0 .LBB2_2-.Ltmp0, $4  }
0x21: {  	[tilespmem:s4+$0x1A530] =	vst v7  }
0x22: {  	[tilespmem:s4+$0x1A540] =	vst v7  }
0x23: {  	[tilespmem:s4+$0x1A550] =	vst v7  }
0x24: {  	[tilespmem:s4+$0x1A560] =	vst v7;
	s4 =	sshra.s32 s5, $0x2;
	s5 =	sadd.s32 $0x200, s5  }
0x25: {  	[tilespmem:s4+$0x1A570] =	vst v7  }
0x26: {  	[tilespmem:s4+$0x1A500] =	vst v7  }
0x27: {  	[tilespmem:s4+$0x1A510] =	vst v7  }
0x28: {  	[tilespmem:s4+$0x1A520] =	vst v7  }
0x29: {  	[tilespmem:s4+$0x1A530] =	vst v7  }
0x2a: {  	[tilespmem:s4+$0x1A540] =	vst v7  }
0x2b: {  	[tilespmem:s4+$0x1A550] =	vst v7  }
0x2c: {  	[tilespmem:s4+$0x1A560] =	vst v7  }
0x2d: {  	_ =	swait.ge [sflag:s18], $0x8000  }
0x2e: {  	[sflag:s18] =	ssyncset.done $0x0  }
0x2f: {  	[sflag:s18] =	ssyncadd.s32 $0xFFFF8000  }
0x30: {  	s13 =	simm.s32 $0x0;
	_ =	swait.ge [sflag:s19], $0x6400  }
0x31: {  	s5 =	sand.u32 $0x7800, s13;
	s4 =	sand.u32 $0x380, s13;
	[sflag:s19] =	ssyncset.done $0x0  }
0x32: {  	s4 =	sor.u32 s4, s5;
	[sflag:s19] =	ssyncadd.s32 $0xFFFF9C00  }
0x33: {  	v10 =	vld [tilespmem:s4+$0x0];
	_ =	sdelay $0x1  }
0x34: {  	v11 =	vld [tilespmem:s4+$0x10];
	_ =	sdelay $0x1  }
0x35: {  	v12 =	vld [tilespmem:s4+$0x20]  }
0x36: {  	v10 =	vadd.f32 $0.0e+00, v10  }
0x37: {  	v13 =	vld [tilespmem:s4+$0x30]  }
0x38: {  	v10 =	vadd.f32 v11, v10  }
0x39: {  	v11 =	vld [tilespmem:s4+$0x40]  }
0x3a: {  	v10 =	vadd.f32 v12, v10  }
0x3b: {  	v56 =	vld [tilespmem:s4+$0x50]  }
0x3c: {  	v10 =	vadd.f32 v13, v10  }
0x3d: {  	v57 =	vld [tilespmem:s4+$0x60]  }
0x3e: {  	v10 =	vadd.f32 v11, v10  }
0x3f: {  	v11 =	vld [tilespmem:s4+$0x70]  }
0x40: {  	v10 =	vadd.f32 v56, v10  }
0x41: {  	v58 =	vld [tilespmem:s4+$0x400]  }
0x42: {  	v10 =	vadd.f32 v57, v10  }
0x43: {  	v59 =	vld [tilespmem:s4+$0x410]  }
0x44: {  	v10 =	vadd.f32 v11, v10  }
0x45: {  	v11 =	vld [tilespmem:s4+$0x420]  }
0x46: {  	v10 =	vadd.f32 v58, v10  }
0x47: {  	v60 =	vld [tilespmem:s4+$0x430]  }
0x48: {  	v10 =	vadd.f32 v59, v10  }
0x49: {  	v61 =	vld [tilespmem:s4+$0x440]  }
0x4a: {  	v10 =	vadd.f32 v11, v10  }
0x4b: {  	v11 =	vld [tilespmem:s4+$0x450]  }
0x4c: {  	v10 =	vadd.f32 v60, v10  }
0x4d: {  	v62 =	vld [tilespmem:s4+$0x460]  }
0x4e: {  	v10 =	vadd.f32 v61, v10  }
0x4f: {  	v63 =	vld [tilespmem:s4+$0x470]  }
0x50: {  	v10 =	vadd.f32 v11, v10;
	_ =	sdelay $0x1  }
0x51: {  	v10 =	vadd.f32 v62, v10;
	_ =	sdelay $0x1  }
0x52: {  	v10 =	vadd.f32 v63, v10;
	_ =	sdelay $0x1  }
0x53: {  	v11 =	vperm.xlane v10, v2;
	_ =	sdelay $0x1  }
0x54: {  	v10 =	vadd.f32 v11, v10;
	_ =	sdelay $0x1  }
0x55: {  	v11 =	vperm.xlane v10, v4;
	_ =	sdelay $0x1  }
0x56: {  	v10 =	vadd.f32 v11, v10;
	_ =	sdelay $0x1  }
0x57: {  	v11 =	vperm.xlane v10, v6;
	_ =	sdelay $0x1  }
0x58: {  	v10 =	vadd.f32 v11, v10;
	_ =	sdelay $0x1  }
0x59: {  	v11 =	vperm.xlane v10, v8  }
0x5a: {  	s8 =	simm.s32 $0x100  }
0x5b: {  	s8 =	sand.u32 $0x7800, s8;
	s5 =	simm.s32 $0x80;
	v10 =	vadd.f32 v11, v10  }
0x5c: {  	s13 =	simm.s32 $0x200;
	s9 =	sand.u32 $0x380, s5;
	s4 =	simm.s32 $0x16500  }
.LBB2_4:
0x5d: {  	p0 =	sne.s32 s13, $0x7F00;
	s8 =	sor.u32 s9, s8;
	[tilespmem:s4+$0x0] =	vst v10  }
0x5e: {  	v10 =	vld [tilespmem:s8+$0x0];
	_ =	sdelay $0x1  }
0x5f: {  	v11 =	vld [tilespmem:s8+$0x10];
	_ =	sdelay $0x1  }
0x60: {  	v12 =	vld [tilespmem:s8+$0x20]  }
0x61: {  	v10 =	vadd.f32 $0.0e+00, v10  }
0x62: {  	v13 =	vld [tilespmem:s8+$0x30]  }
0x63: {  	v10 =	vadd.f32 v11, v10  }
0x64: {  	v11 =	vld [tilespmem:s8+$0x40]  }
0x65: {  	v10 =	vadd.f32 v12, v10  }
0x66: {  	v12 =	vld [tilespmem:s8+$0x50]  }
0x67: {  	v10 =	vadd.f32 v13, v10  }
0x68: {  	v13 =	vld [tilespmem:s8+$0x60]  }
0x69: {  	v10 =	vadd.f32 v11, v10  }
0x6a: {  	v11 =	vld [tilespmem:s8+$0x70]  }
0x6b: {  	v10 =	vadd.f32 v12, v10  }
0x6c: {  	v12 =	vld [tilespmem:s8+$0x400]  }
0x6d: {  	v10 =	vadd.f32 v13, v10  }
0x6e: {  	v13 =	vld [tilespmem:s8+$0x410]  }
0x6f: {  	v10 =	vadd.f32 v11, v10  }
0x70: {  	v11 =	vld [tilespmem:s8+$0x420]  }
0x71: {  	v10 =	vadd.f32 v12, v10  }
0x72: {  	v12 =	vld [tilespmem:s8+$0x430]  }
0x73: {  	v10 =	vadd.f32 v13, v10  }
0x74: {  	v13 =	vld [tilespmem:s8+$0x440]  }
0x75: {  	v10 =	vadd.f32 v11, v10  }
0x76: {  	v11 =	vld [tilespmem:s8+$0x450]  }
0x77: {  	v10 =	vadd.f32 v12, v10  }
0x78: {  	v12 =	vld [tilespmem:s8+$0x460]  }
0x79: {  	v10 =	vadd.f32 v13, v10  }
0x7a: {  	v13 =	vld [tilespmem:s8+$0x470]  }
0x7b: {  	v10 =	vadd.f32 v11, v10;
	_ =	sdelay $0x1  }
0x7c: {  	v10 =	vadd.f32 v12, v10;
	_ =	sdelay $0x1  }
0x7d: {  	v10 =	vadd.f32 v13, v10;
	_ =	sdelay $0x1  }
0x7e: {  	v11 =	vperm.xlane v10, v2;
	_ =	sdelay $0x1  }
0x7f: {  	v10 =	vadd.f32 v11, v10;
	_ =	sdelay $0x1  }
0x80: {  	v11 =	vperm.xlane v10, v4;
	_ =	sdelay $0x1  }
0x81: {  	v10 =	vadd.f32 v11, v10;
	_ =	sdelay $0x1  }
0x82: {  	v11 =	vperm.xlane v10, v6;
	_ =	sdelay $0x1  }
0x83: {  	v10 =	vadd.f32 v11, v10  }
.Ltmp1:
0x84: {  	(pc) =	sbr.rel @p0 .LBB2_4-.Ltmp1, $3  }
0x85: {  	v11 =	vperm.xlane v10, v8;
	_ =	sdelay $0x1  }
0x86: {  	s5 =	sadd.s32 $0x80, s5;
	s4 =	sadd.s32 $0x80, s4;
	v10 =	vadd.f32 v11, v10  }
0x87: {  	s9 =	sand.u32 $0x380, s5;
	s8 =	sand.u32 $0x7800, s13;
	s13 =	sadd.s32 $0x100, s13  }
0x88: {  	s5 =	sor.u32 s9, s8;
	[tilespmem:s4+$0x0] =	vst v10  }
0x89: {  	v10 =	vld [tilespmem:s5+$0x0];
	_ =	sdelay $0x1  }
0x8a: {  	v11 =	vld [tilespmem:s5+$0x10];
	_ =	sdelay $0x1  }
0x8b: {  	v12 =	vld [tilespmem:s5+$0x20]  }
0x8c: {  	v10 =	vadd.f32 $0.0e+00, v10  }
0x8d: {  	v13 =	vld [tilespmem:s5+$0x30]  }
0x8e: {  	v10 =	vadd.f32 v11, v10  }
0x8f: {  	v11 =	vld [tilespmem:s5+$0x40]  }
0x90: {  	v10 =	vadd.f32 v12, v10  }
0x91: {  	v56 =	vld [tilespmem:s5+$0x50]  }
0x92: {  	v10 =	vadd.f32 v13, v10  }
0x93: {  	v57 =	vld [tilespmem:s5+$0x60]  }
0x94: {  	v10 =	vadd.f32 v11, v10  }
0x95: {  	v11 =	vld [tilespmem:s5+$0x70]  }
0x96: {  	v10 =	vadd.f32 v56, v10  }
0x97: {  	v58 =	vld [tilespmem:s5+$0x400]  }
0x98: {  	v10 =	vadd.f32 v57, v10  }
0x99: {  	v59 =	vld [tilespmem:s5+$0x410]  }
0x9a: {  	v10 =	vadd.f32 v11, v10  }
0x9b: {  	v11 =	vld [tilespmem:s5+$0x420]  }
0x9c: {  	v10 =	vadd.f32 v58, v10  }
0x9d: {  	v60 =	vld [tilespmem:s5+$0x430]  }
0x9e: {  	v10 =	vadd.f32 v59, v10  }
0x9f: {  	v61 =	vld [tilespmem:s5+$0x440]  }
0xa0: {  	v10 =	vadd.f32 v11, v10  }
0xa1: {  	v11 =	vld [tilespmem:s5+$0x450]  }
0xa2: {  	v10 =	vadd.f32 v60, v10  }
0xa3: {  	v62 =	vld [tilespmem:s5+$0x460]  }
0xa4: {  	v10 =	vadd.f32 v61, v10  }
0xa5: {  	v63 =	vld [tilespmem:s5+$0x470]  }
0xa6: {  	v10 =	vadd.f32 v11, v10;
	_ =	sdelay $0x1  }
0xa7: {  	v10 =	vadd.f32 v62, v10;
	_ =	sdelay $0x1  }
0xa8: {  	v10 =	vadd.f32 v63, v10;
	_ =	sdelay $0x1  }
0xa9: {  	v11 =	vperm.xlane v10, v2;
	_ =	sdelay $0x1  }
0xaa: {  	v10 =	vadd.f32 v11, v10;
	_ =	sdelay $0x1  }
0xab: {  	v11 =	vperm.xlane v10, v4;
	_ =	sdelay $0x1  }
0xac: {  	v10 =	vadd.f32 v11, v10;
	_ =	sdelay $0x1  }
0xad: {  	v11 =	vperm.xlane v10, v6;
	_ =	sdelay $0x1  }
0xae: {  	v10 =	vadd.f32 v11, v10;
	_ =	sdelay $0x1  }
0xaf: {  	v11 =	vperm.xlane v10, v8;
	_ =	sdelay $0x1  }
0xb0: {  	v10 =	vadd.f32 v11, v10  }
0xb1: {  	s9 =	sadd.s32 $0x80, s4  }
0xb2: {  	[tilespmem:s9+$0x0] =	vst v10  }
0xb3: {  	[spmem:s6] =	stream.linear.scatter [tilespmem:s20], [sflag:$0x6], $0x1000, $0x38;
	[tilespmem:$0x1F540] =	vst v63  }
0xb4: {  	_ =	swait.ge [sflag:s21], $0x1000  }
0xb5: {  	[sflag:s21] =	ssyncset.done $0x0  }
0xb6: {  	s13 =	rddreg [dreg:$0x7];
	[sflag:s21] =	ssyncadd.s32 $0xFFFFF000  }
0xb7: {  	[tilespmem:s22], [sflag:$0x1] =	stream.linear.gather [hbm4b:s13+s3], $0x4000, $0x38;
	[tilespmem:$0x1F540] =	vst v63  }
0xb8: {  	s4 =	simm.s32 $0xF0;
	s5 =	simm.s32 $0x8080;
	s13 =	smov.u32 s7  }
.LBB2_6:
0xb9: {  	_ =	swait.ge [sflag:s19], $0x4000  }
0xba: {  	[sflag:s19] =	ssyncset.done $0x0  }
0xbb: {  	[sflag:s19] =	ssyncadd.s32 $0xFFFFC000  }
0xbc: {  	s8 =	sadd.s32 $0xFFFFFF10, s4;
	v10 =	vld [tilespmem:s5+$0xFFFFFF80]  }
0xbd: {  	v11 =	vor.u32 s8, v9  }
0xbe: {  	v11 =	vmulhi.u32 $0x51EB851F, v11;
	_ =	sdelay $0x1  }
0xbf: {  	v11 =	vshrl.u32 v11, $0x6  }
0xc0: {  	vm0 =	vgt.f32 v10, $0.0e+00;
	v10 =	vadd.s32 v0, v11  }
0xc1: {  	v10 =	vnsel vm0, $0x200, v10  }
0xc2: {  	[tilespmem:$0x16400] =	vst v10  }
0xc3: {  	s9 =	sadd.s32 $0xFFFFFF20, s4;
	v10 =	vld [tilespmem:s5+$0xFFFFFF90]  }
0xc4: {  	v11 =	vor.u32 s9, v9  }
0xc5: {  	v11 =	vmulhi.u32 $0x51EB851F, v11;
	_ =	sdelay $0x1  }
0xc6: {  	v11 =	vshrl.u32 v11, $0x6  }
0xc7: {  	vm13 =	vgt.f32 v10, $0.0e+00;
	v10 =	vadd.s32 v0, v11  }
0xc8: {  	v10 =	vnsel vm13, $0x200, v10  }
0xc9: {  	[tilespmem:$0x16410] =	vst v10  }
0xca: {  	s9 =	sadd.s32 $0xFFFFFF30, s4;
	v10 =	vld [tilespmem:s5+$0xFFFFFFA0]  }
0xcb: {  	v11 =	vor.u32 s9, v9  }
0xcc: {  	v11 =	vmulhi.u32 $0x51EB851F, v11;
	_ =	sdelay $0x1  }
0xcd: {  	v11 =	vshrl.u32 v11, $0x6  }
0xce: {  	vm14 =	vgt.f32 v10, $0.0e+00;
	v10 =	vadd.s32 v0, v11  }
0xcf: {  	v10 =	vnsel vm14, $0x200, v10  }
0xd0: {  	[tilespmem:$0x16420] =	vst v10  }
0xd1: {  	s9 =	sadd.s32 $0xFFFFFF40, s4;
	v10 =	vld [tilespmem:s5+$0xFFFFFFB0]  }
0xd2: {  	v11 =	vor.u32 s9, v9  }
0xd3: {  	v11 =	vmulhi.u32 $0x51EB851F, v11;
	_ =	sdelay $0x1  }
0xd4: {  	v11 =	vshrl.u32 v11, $0x6  }
0xd5: {  	vm15 =	vgt.f32 v10, $0.0e+00;
	v10 =	vadd.s32 v0, v11  }
0xd6: {  	v10 =	vnsel vm15, $0x200, v10  }
0xd7: {  	[tilespmem:$0x16430] =	vst v10  }
0xd8: {  	s9 =	sadd.s32 $0xFFFFFF50, s4;
	v10 =	vld [tilespmem:s5+$0xFFFFFFC0]  }
0xd9: {  	v11 =	vor.u32 s9, v9  }
0xda: {  	v11 =	vmulhi.u32 $0x51EB851F, v11;
	_ =	sdelay $0x1  }
0xdb: {  	v11 =	vshrl.u32 v11, $0x6  }
0xdc: {  	vm4 =	vgt.f32 v10, $0.0e+00;
	v10 =	vadd.s32 v0, v11  }
0xdd: {  	v10 =	vnsel vm4, $0x200, v10  }
0xde: {  	[tilespmem:$0x16440] =	vst v10  }
0xdf: {  	s9 =	sadd.s32 $0xFFFFFF60, s4;
	v10 =	vld [tilespmem:s5+$0xFFFFFFD0]  }
0xe0: {  	v11 =	vor.u32 s9, v9  }
0xe1: {  	v11 =	vmulhi.u32 $0x51EB851F, v11;
	_ =	sdelay $0x1  }
0xe2: {  	v11 =	vshrl.u32 v11, $0x6  }
0xe3: {  	vm5 =	vgt.f32 v10, $0.0e+00;
	v10 =	vadd.s32 v0, v11  }
0xe4: {  	v10 =	vnsel vm5, $0x200, v10  }
0xe5: {  	[tilespmem:$0x16450] =	vst v10  }
0xe6: {  	s9 =	sadd.s32 $0xFFFFFF70, s4;
	v10 =	vld [tilespmem:s5+$0xFFFFFFE0]  }
0xe7: {  	v11 =	vor.u32 s9, v9  }
0xe8: {  	v11 =	vmulhi.u32 $0x51EB851F, v11;
	_ =	sdelay $0x1  }
0xe9: {  	v11 =	vshrl.u32 v11, $0x6  }
0xea: {  	vm6 =	vgt.f32 v10, $0.0e+00;
	v10 =	vadd.s32 v0, v11  }
0xeb: {  	v10 =	vnsel vm6, $0x200, v10  }
0xec: {  	[tilespmem:$0x16460] =	vst v10  }
0xed: {  	s9 =	sadd.s32 $0xFFFFFF80, s4;
	v10 =	vld [tilespmem:s5+$0xFFFFFFF0]  }
0xee: {  	v11 =	vor.u32 s9, v9  }
0xef: {  	v11 =	vmulhi.u32 $0x51EB851F, v11;
	_ =	sdelay $0x1  }
0xf0: {  	v11 =	vshrl.u32 v11, $0x6  }
0xf1: {  	vm7 =	vgt.f32 v10, $0.0e+00;
	v10 =	vadd.s32 v0, v11  }
0xf2: {  	p0 =	seq.s32 s4, $0xF0;
	v10 =	vnsel vm7, $0x200, v10  }
0xf3: {  	s8 =	simm.s32 @!p0 $0x4;
	[tilespmem:$0x16470] =	vst v10  }
0xf4: {  	[spmem:s2] =	stream.indirect.scatter.add.f32 [tilespmem:s22], [sflag:$0x3], $0x80, s24, s23, $0xb8;
	[tilespmem:$0x1F540] =	vst v63  }
0xf5: {  	_ =	swait.ge @!p0 [sflag:s8], $0x4000  }
0xf6: {  	[sflag:s8] =	ssyncset.done @!p0 $0x0  }
0xf7: {  	s9 =	sadd.s32 $0xFFFFF800, s13;
	[sflag:s8] =	ssyncadd.s32 @!p0 $0xFFFFC000  }
0xf8: {  	[tilespmem:s25], [sflag:$0x2] =	stream.linear.gather [hbm4b:s9+s3], $0x4000, $0x38;
	[tilespmem:$0x1F540] =	vst v63  }
0xf9: {  	_ =	swait.ge [sflag:s26], $0x4000  }
0xfa: {  	[sflag:s26] =	ssyncset.done $0x0  }
0xfb: {  	[sflag:s26] =	ssyncadd.s32 $0xFFFFC000  }
0xfc: {  	s9 =	sadd.s32 $0xFFFFFF90, s4;
	v10 =	vld [tilespmem:s5+$0x0]  }
0xfd: {  	v11 =	vor.u32 s9, v9  }
0xfe: {  	v11 =	vmulhi.u32 $0x51EB851F, v11;
	_ =	sdelay $0x1  }
0xff: {  	v11 =	vshrl.u32 v11, $0x6  }
0x100: {  	vm8 =	vgt.f32 v10, $0.0e+00;
	v10 =	vadd.s32 v0, v11  }
0x101: {  	v10 =	vnsel vm8, $0x200, v10  }
0x102: {  	[tilespmem:$0x16480] =	vst v10  }
0x103: {  	s9 =	sadd.s32 $0xFFFFFFA0, s4;
	v10 =	vld [tilespmem:s5+$0x10]  }
0x104: {  	v11 =	vor.u32 s9, v9  }
0x105: {  	v11 =	vmulhi.u32 $0x51EB851F, v11;
	_ =	sdelay $0x1  }
0x106: {  	v11 =	vshrl.u32 v11, $0x6  }
0x107: {  	vm9 =	vgt.f32 v10, $0.0e+00;
	v10 =	vadd.s32 v0, v11  }
0x108: {  	v10 =	vnsel vm9, $0x200, v10  }
0x109: {  	[tilespmem:$0x16490] =	vst v10  }
0x10a: {  	s9 =	sadd.s32 $0xFFFFFFB0, s4;
	v10 =	vld [tilespmem:s5+$0x20]  }
0x10b: {  	v11 =	vor.u32 s9, v9  }
0x10c: {  	v11 =	vmulhi.u32 $0x51EB851F, v11;
	_ =	sdelay $0x1  }
0x10d: {  	v11 =	vshrl.u32 v11, $0x6  }
0x10e: {  	vm10 =	vgt.f32 v10, $0.0e+00;
	v10 =	vadd.s32 v0, v11  }
0x10f: {  	v10 =	vnsel vm10, $0x200, v10  }
0x110: {  	[tilespmem:$0x164A0] =	vst v10  }
0x111: {  	s9 =	sadd.s32 $0xFFFFFFC0, s4;
	v10 =	vld [tilespmem:s5+$0x30]  }
0x112: {  	v11 =	vor.u32 s9, v9  }
0x113: {  	v11 =	vmulhi.u32 $0x51EB851F, v11;
	_ =	sdelay $0x1  }
0x114: {  	v11 =	vshrl.u32 v11, $0x6  }
0x115: {  	vm11 =	vgt.f32 v10, $0.0e+00;
	v10 =	vadd.s32 v0, v11  }
0x116: {  	v10 =	vnsel vm11, $0x200, v10  }
0x117: {  	[tilespmem:$0x164B0] =	vst v10  }
0x118: {  	s9 =	sadd.s32 $0xFFFFFFD0, s4;
	v10 =	vld [tilespmem:s5+$0x40]  }
0x119: {  	v11 =	vor.u32 s9, v9  }
0x11a: {  	v11 =	vmulhi.u32 $0x51EB851F, v11;
	_ =	sdelay $0x1  }
0x11b: {  	v11 =	vshrl.u32 v11, $0x6  }
0x11c: {  	vm12 =	vgt.f32 v10, $0.0e+00;
	v10 =	vadd.s32 v0, v11  }
0x11d: {  	v10 =	vnsel vm12, $0x200, v10  }
0x11e: {  	[tilespmem:$0x164C0] =	vst v10  }
0x11f: {  	s9 =	sadd.s32 $0xFFFFFFE0, s4;
	v10 =	vld [tilespmem:s5+$0x50]  }
0x120: {  	v11 =	vor.u32 s9, v9  }
0x121: {  	v11 =	vmulhi.u32 $0x51EB851F, v11;
	_ =	sdelay $0x1  }
0x122: {  	v11 =	vshrl.u32 v11, $0x6  }
0x123: {  	vm13 =	vgt.f32 v10, $0.0e+00;
	v10 =	vadd.s32 v0, v11  }
0x124: {  	v10 =	vnsel vm13, $0x200, v10  }
0x125: {  	[tilespmem:$0x164D0] =	vst v10  }
0x126: {  	s9 =	sadd.s32 $0xFFFFFFF0, s4;
	v10 =	vld [tilespmem:s5+$0x60]  }
0x127: {  	v11 =	vor.u32 s9, v9  }
0x128: {  	v11 =	vmulhi.u32 $0x51EB851F, v11;
	_ =	sdelay $0x1  }
0x129: {  	v11 =	vshrl.u32 v11, $0x6  }
0x12a: {  	vm14 =	vgt.f32 v10, $0.0e+00;
	v10 =	vadd.s32 v0, v11  }
0x12b: {  	v10 =	vnsel vm14, $0x200, v10  }
0x12c: {  	[tilespmem:$0x164E0] =	vst v10  }
0x12d: {  	v10 =	vld [tilespmem:s5+$0x70]  }
0x12e: {  	v11 =	vor.u32 s4, v9  }
0x12f: {  	v11 =	vmulhi.u32 $0x51EB851F, v11;
	_ =	sdelay $0x1  }
0x130: {  	p0 =	seq.s32 s4, $0x18F0;
	v11 =	vshrl.u32 v11, $0x6  }
0x131: {  	s4 =	sadd.s32 @!p0 $0x100, s4;
	vm15 =	vgt.f32 v10, $0.0e+00;
	v10 =	vadd.s32 v0, v11  }
0x132: {  	p1 =	sne.s32 @!p0 s4, $0x19F0;
	v10 =	vnsel vm15, $0x200, v10  }
0x133: {  	p1 =	por p0, !p1;
	[tilespmem:$0x164F0] =	vst v10  }
0x134: {  	[spmem:s2] =	stream.indirect.scatter.add.f32 [tilespmem:s25], [sflag:$0x4], $0x80, s28, s23, $0xb8;
	[tilespmem:$0x1F540] =	vst v63  }
.Ltmp2:
0x135: {  	_ =	swait.ge [sflag:s29], $0x4000;
	(pc) =	sbr.rel @!p1 .LBB2_6-.Ltmp2, $4  }
0x136: {  	[sflag:s29] =	ssyncset.done $0x0  }
0x137: {  	s8 =	simm.s32 @!p0 $0x0;
	s9 =	simm.s32 @!p0 $0xE400;
	[sflag:s29] =	ssyncadd.s32 $0xFFFFC000  }
0x138: {  	[tilespmem:s9], [sflag:$0x1] =	stream.linear.gather @!p0 [hbm4b:s13+s8], $0x4000, $0x38;
	[tilespmem:$0x1F540] =	vst v63  }
0x139: {  	s5 =	sadd.s32 @!p0 $0x100, s5;
	s13 =	sadd.s32 @!p0 $0x1000, s13  }
0x13a: {  	_ =	swait.ge [sflag:s30], $0x4000  }
0x13b: {  	[sflag:s30] =	ssyncset.done $0x0  }
0x13c: {  	[sflag:s30] =	ssyncadd.s32 $0xFFFFC000  }
0x13d: {  	[tilespmem:s20], [sflag:$0x6] =	stream.linear.gather [spmem:s6], $0x1000, $0x38;
	[tilespmem:$0x1F540] =	vst v63  }
0x13e: {  	_ =	swait.ge [sflag:s21], $0x1000  }
0x13f: {  	[sflag:s21] =	ssyncset.done $0x0  }
0x140: {  	[sflag:s21] =	ssyncadd.s32 $0xFFFFF000  }
0x141: {  	[spmem:s6] =	stream.linear.scatter [tilespmem:s31], [sflag:$0x6], $0x1000, $0x38;
	[tilespmem:$0x1F540] =	vst v63  }
0x142: {  	_ =	swait.ge [sflag:s21], $0x1000  }
0x143: {  	[sflag:s21] =	ssyncset.done $0x0  }
0x144: {  	s4 =	rddreg [dreg:$0x8];
	[sflag:s21] =	ssyncadd.s32 $0xFFFFF000  }
0x145: {  	[tilespmem:s22], [sflag:$0x1] =	stream.linear.gather [hbm4b:s4+s3], $0x4000, $0x38;
	[tilespmem:$0x1F540] =	vst v63  }
0x146: {  	s5 =	simm.s32 $0x99F0;
	s13 =	smov.u32 s14;
	s4 =	simm.s32 $0x19F0  }
.LBB2_8:
0x147: {  	_ =	swait.ge [sflag:s19], $0x4000  }
0x148: {  	[sflag:s19] =	ssyncset.done $0x0  }
0x149: {  	[sflag:s19] =	ssyncadd.s32 $0xFFFFC000  }
0x14a: {  	s8 =	sadd.s32 $0xFFFFFF10, s4;
	v10 =	vld [tilespmem:s5+$0xFFFFFF10]  }
0x14b: {  	v11 =	vor.u32 s8, v9  }
0x14c: {  	v11 =	vmulhi.u32 $0x51EB851F, v11;
	_ =	sdelay $0x1  }
0x14d: {  	v11 =	vshrl.u32 v11, $0x6  }
0x14e: {  	vm0 =	vgt.f32 v10, $0.0e+00;
	v10 =	vadd.s32 v11, v1  }
0x14f: {  	v10 =	vnsel vm0, $0x200, v10  }
0x150: {  	[tilespmem:$0x16400] =	vst v10  }
0x151: {  	s9 =	sadd.s32 $0xFFFFFF20, s4;
	v10 =	vld [tilespmem:s5+$0xFFFFFF20]  }
0x152: {  	v11 =	vor.u32 s9, v9  }
0x153: {  	v11 =	vmulhi.u32 $0x51EB851F, v11;
	_ =	sdelay $0x1  }
0x154: {  	v11 =	vshrl.u32 v11, $0x6  }
0x155: {  	vm13 =	vgt.f32 v10, $0.0e+00;
	v10 =	vadd.s32 v11, v1  }
0x156: {  	v10 =	vnsel vm13, $0x200, v10  }
0x157: {  	[tilespmem:$0x16410] =	vst v10  }
0x158: {  	s9 =	sadd.s32 $0xFFFFFF30, s4;
	v10 =	vld [tilespmem:s5+$0xFFFFFF30]  }
0x159: {  	v11 =	vor.u32 s9, v9  }
0x15a: {  	v11 =	vmulhi.u32 $0x51EB851F, v11;
	_ =	sdelay $0x1  }
0x15b: {  	v11 =	vshrl.u32 v11, $0x6  }
0x15c: {  	vm14 =	vgt.f32 v10, $0.0e+00;
	v10 =	vadd.s32 v11, v1  }
0x15d: {  	v10 =	vnsel vm14, $0x200, v10  }
0x15e: {  	[tilespmem:$0x16420] =	vst v10  }
0x15f: {  	s9 =	sadd.s32 $0xFFFFFF40, s4;
	v10 =	vld [tilespmem:s5+$0xFFFFFF40]  }
0x160: {  	v11 =	vor.u32 s9, v9  }
0x161: {  	v11 =	vmulhi.u32 $0x51EB851F, v11;
	_ =	sdelay $0x1  }
0x162: {  	v11 =	vshrl.u32 v11, $0x6  }
0x163: {  	vm15 =	vgt.f32 v10, $0.0e+00;
	v10 =	vadd.s32 v11, v1  }
0x164: {  	v10 =	vnsel vm15, $0x200, v10  }
0x165: {  	[tilespmem:$0x16430] =	vst v10  }
0x166: {  	s9 =	sadd.s32 $0xFFFFFF50, s4;
	v10 =	vld [tilespmem:s5+$0xFFFFFF50]  }
0x167: {  	v11 =	vor.u32 s9, v9  }
0x168: {  	v11 =	vmulhi.u32 $0x51EB851F, v11;
	_ =	sdelay $0x1  }
0x169: {  	v11 =	vshrl.u32 v11, $0x6  }
0x16a: {  	vm4 =	vgt.f32 v10, $0.0e+00;
	v10 =	vadd.s32 v11, v1  }
0x16b: {  	v10 =	vnsel vm4, $0x200, v10  }
0x16c: {  	[tilespmem:$0x16440] =	vst v10  }
0x16d: {  	s9 =	sadd.s32 $0xFFFFFF60, s4;
	v10 =	vld [tilespmem:s5+$0xFFFFFF60]  }
0x16e: {  	v11 =	vor.u32 s9, v9  }
0x16f: {  	v11 =	vmulhi.u32 $0x51EB851F, v11;
	_ =	sdelay $0x1  }
0x170: {  	v11 =	vshrl.u32 v11, $0x6  }
0x171: {  	vm5 =	vgt.f32 v10, $0.0e+00;
	v10 =	vadd.s32 v11, v1  }
0x172: {  	v10 =	vnsel vm5, $0x200, v10  }
0x173: {  	[tilespmem:$0x16450] =	vst v10  }
0x174: {  	s9 =	sadd.s32 $0xFFFFFF70, s4;
	v10 =	vld [tilespmem:s5+$0xFFFFFF70]  }
0x175: {  	v11 =	vor.u32 s9, v9  }
0x176: {  	v11 =	vmulhi.u32 $0x51EB851F, v11;
	_ =	sdelay $0x1  }
0x177: {  	v11 =	vshrl.u32 v11, $0x6  }
0x178: {  	vm6 =	vgt.f32 v10, $0.0e+00;
	v10 =	vadd.s32 v11, v1  }
0x179: {  	v10 =	vnsel vm6, $0x200, v10  }
0x17a: {  	[tilespmem:$0x16460] =	vst v10  }
0x17b: {  	s9 =	sadd.s32 $0xFFFFFF80, s4;
	v10 =	vld [tilespmem:s5+$0xFFFFFF80]  }
0x17c: {  	v11 =	vor.u32 s9, v9  }
0x17d: {  	v11 =	vmulhi.u32 $0x51EB851F, v11;
	_ =	sdelay $0x1  }
0x17e: {  	v11 =	vshrl.u32 v11, $0x6  }
0x17f: {  	vm7 =	vgt.f32 v10, $0.0e+00;
	v10 =	vadd.s32 v11, v1  }
0x180: {  	p0 =	seq.s32 s4, $0x19F0;
	v10 =	vnsel vm7, $0x200, v10  }
0x181: {  	s8 =	simm.s32 @!p0 $0x4;
	[tilespmem:$0x16470] =	vst v10  }
0x182: {  	[spmem:s2] =	stream.indirect.scatter.add.f32 [tilespmem:s22], [sflag:$0x3], $0x80, s24, s23, $0xb8;
	[tilespmem:$0x1F540] =	vst v63  }
0x183: {  	_ =	swait.ge @!p0 [sflag:s8], $0x4000  }
0x184: {  	[sflag:s8] =	ssyncset.done @!p0 $0x0  }
0x185: {  	s9 =	sadd.s32 $0xFFFFF800, s13;
	[sflag:s8] =	ssyncadd.s32 @!p0 $0xFFFFC000  }
0x186: {  	[tilespmem:s25], [sflag:$0x2] =	stream.linear.gather [hbm4b:s9+s3], $0x4000, $0x38;
	[tilespmem:$0x1F540] =	vst v63  }
0x187: {  	_ =	swait.ge [sflag:s26], $0x4000  }
0x188: {  	[sflag:s26] =	ssyncset.done $0x0  }
0x189: {  	[sflag:s26] =	ssyncadd.s32 $0xFFFFC000  }
0x18a: {  	s9 =	sadd.s32 $0xFFFFFF90, s4;
	v10 =	vld [tilespmem:s5+$0xFFFFFF90]  }
0x18b: {  	v11 =	vor.u32 s9, v9  }
0x18c: {  	v11 =	vmulhi.u32 $0x51EB851F, v11;
	_ =	sdelay $0x1  }
0x18d: {  	v11 =	vshrl.u32 v11, $0x6  }
0x18e: {  	vm8 =	vgt.f32 v10, $0.0e+00;
	v10 =	vadd.s32 v11, v1  }
0x18f: {  	v10 =	vnsel vm8, $0x200, v10  }
0x190: {  	[tilespmem:$0x16480] =	vst v10  }
0x191: {  	s9 =	sadd.s32 $0xFFFFFFA0, s4;
	v10 =	vld [tilespmem:s5+$0xFFFFFFA0]  }
0x192: {  	v11 =	vor.u32 s9, v9  }
0x193: {  	v11 =	vmulhi.u32 $0x51EB851F, v11;
	_ =	sdelay $0x1  }
0x194: {  	v11 =	vshrl.u32 v11, $0x6  }
0x195: {  	vm9 =	vgt.f32 v10, $0.0e+00;
	v10 =	vadd.s32 v11, v1  }
0x196: {  	v10 =	vnsel vm9, $0x200, v10  }
0x197: {  	[tilespmem:$0x16490] =	vst v10  }
0x198: {  	s9 =	sadd.s32 $0xFFFFFFB0, s4;
	v10 =	vld [tilespmem:s5+$0xFFFFFFB0]  }
0x199: {  	v11 =	vor.u32 s9, v9  }
0x19a: {  	v11 =	vmulhi.u32 $0x51EB851F, v11;
	_ =	sdelay $0x1  }
0x19b: {  	v11 =	vshrl.u32 v11, $0x6  }
0x19c: {  	vm10 =	vgt.f32 v10, $0.0e+00;
	v10 =	vadd.s32 v11, v1  }
0x19d: {  	v10 =	vnsel vm10, $0x200, v10  }
0x19e: {  	[tilespmem:$0x164A0] =	vst v10  }
0x19f: {  	s9 =	sadd.s32 $0xFFFFFFC0, s4;
	v10 =	vld [tilespmem:s5+$0xFFFFFFC0]  }
0x1a0: {  	v11 =	vor.u32 s9, v9  }
0x1a1: {  	v11 =	vmulhi.u32 $0x51EB851F, v11;
	_ =	sdelay $0x1  }
0x1a2: {  	v11 =	vshrl.u32 v11, $0x6  }
0x1a3: {  	vm11 =	vgt.f32 v10, $0.0e+00;
	v10 =	vadd.s32 v11, v1  }
0x1a4: {  	v10 =	vnsel vm11, $0x200, v10  }
0x1a5: {  	[tilespmem:$0x164B0] =	vst v10  }
0x1a6: {  	s9 =	sadd.s32 $0xFFFFFFD0, s4;
	v10 =	vld [tilespmem:s5+$0xFFFFFFD0]  }
0x1a7: {  	v11 =	vor.u32 s9, v9  }
0x1a8: {  	v11 =	vmulhi.u32 $0x51EB851F, v11;
	_ =	sdelay $0x1  }
0x1a9: {  	v11 =	vshrl.u32 v11, $0x6  }
0x1aa: {  	vm12 =	vgt.f32 v10, $0.0e+00;
	v10 =	vadd.s32 v11, v1  }
0x1ab: {  	v10 =	vnsel vm12, $0x200, v10  }
0x1ac: {  	[tilespmem:$0x164C0] =	vst v10  }
0x1ad: {  	s9 =	sadd.s32 $0xFFFFFFE0, s4;
	v10 =	vld [tilespmem:s5+$0xFFFFFFE0]  }
0x1ae: {  	v11 =	vor.u32 s9, v9  }
0x1af: {  	v11 =	vmulhi.u32 $0x51EB851F, v11;
	_ =	sdelay $0x1  }
0x1b0: {  	v11 =	vshrl.u32 v11, $0x6  }
0x1b1: {  	vm13 =	vgt.f32 v10, $0.0e+00;
	v10 =	vadd.s32 v11, v1  }
0x1b2: {  	v10 =	vnsel vm13, $0x200, v10  }
0x1b3: {  	[tilespmem:$0x164D0] =	vst v10  }
0x1b4: {  	s9 =	sadd.s32 $0xFFFFFFF0, s4;
	v10 =	vld [tilespmem:s5+$0xFFFFFFF0]  }
0x1b5: {  	v11 =	vor.u32 s9, v9  }
0x1b6: {  	v11 =	vmulhi.u32 $0x51EB851F, v11;
	_ =	sdelay $0x1  }
0x1b7: {  	v11 =	vshrl.u32 v11, $0x6  }
0x1b8: {  	vm14 =	vgt.f32 v10, $0.0e+00;
	v10 =	vadd.s32 v11, v1  }
0x1b9: {  	v10 =	vnsel vm14, $0x200, v10  }
0x1ba: {  	[tilespmem:$0x164E0] =	vst v10  }
0x1bb: {  	v10 =	vld [tilespmem:s5+$0x0]  }
0x1bc: {  	v11 =	vor.u32 s4, v9  }
0x1bd: {  	v11 =	vmulhi.u32 $0x51EB851F, v11;
	_ =	sdelay $0x1  }
0x1be: {  	p0 =	seq.s32 s4, $0x31F0;
	v11 =	vshrl.u32 v11, $0x6  }
0x1bf: {  	s4 =	sadd.s32 @!p0 $0x100, s4;
	vm15 =	vgt.f32 v10, $0.0e+00;
	v10 =	vadd.s32 v11, v1  }
0x1c0: {  	p1 =	sne.s32 @!p0 s4, $0x32F0;
	v10 =	vnsel vm15, $0x200, v10  }
0x1c1: {  	p1 =	por p0, !p1;
	[tilespmem:$0x164F0] =	vst v10  }
0x1c2: {  	[spmem:s2] =	stream.indirect.scatter.add.f32 [tilespmem:s25], [sflag:$0x4], $0x80, s28, s23, $0xb8;
	[tilespmem:$0x1F540] =	vst v63  }
.Ltmp3:
0x1c3: {  	_ =	swait.ge [sflag:s29], $0x4000;
	(pc) =	sbr.rel @!p1 .LBB2_8-.Ltmp3, $4  }
0x1c4: {  	[sflag:s29] =	ssyncset.done $0x0  }
0x1c5: {  	s8 =	simm.s32 @!p0 $0x0;
	s9 =	simm.s32 @!p0 $0xE400;
	[sflag:s29] =	ssyncadd.s32 $0xFFFFC000  }
0x1c6: {  	[tilespmem:s9], [sflag:$0x1] =	stream.linear.gather @!p0 [hbm4b:s13+s8], $0x4000, $0x38;
	[tilespmem:$0x1F540] =	vst v63  }
0x1c7: {  	s5 =	sadd.s32 @!p0 $0x100, s5;
	s13 =	sadd.s32 @!p0 $0x1000, s13  }
0x1c8: {  	_ =	swait.ge [sflag:s30], $0x4000  }
0x1c9: {  	[sflag:s30] =	ssyncset.done $0x0  }
0x1ca: {  	[sflag:s30] =	ssyncadd.s32 $0xFFFFC000  }
0x1cb: {  	[tilespmem:s31], [sflag:$0x6] =	stream.linear.gather [spmem:s6], $0x1000, $0x38;
	[tilespmem:$0x1F540] =	vst v63  }
0x1cc: {  	_ =	swait.ge [sflag:s21], $0x1000  }
0x1cd: {  	[sflag:s21] =	ssyncset.done $0x0  }
0x1ce: {  	[sflag:s21] =	ssyncadd.s32 $0xFFFFF000  }
0x1cf: {  	[spmem:s6] =	stream.linear.scatter [tilespmem:s1], [sflag:$0x6], $0x1000, $0x38;
	[tilespmem:$0x1F540] =	vst v63  }
0x1d0: {  	_ =	swait.ge [sflag:s21], $0x1000  }
0x1d1: {  	[sflag:s21] =	ssyncset.done $0x0  }
0x1d2: {  	s4 =	rddreg [dreg:$0x9];
	[sflag:s21] =	ssyncadd.s32 $0xFFFFF000  }
0x1d3: {  	[tilespmem:s22], [sflag:$0x1] =	stream.linear.gather [hbm4b:s4+s3], $0x4000, $0x38;
	[tilespmem:$0x1F540] =	vst v63  }
0x1d4: {  	s5 =	simm.s32 $0xB2F0;
	s13 =	smov.u32 s15;
	s4 =	simm.s32 $0x32F0  }
.LBB2_10:
0x1d5: {  	_ =	swait.ge [sflag:s19], $0x4000  }
0x1d6: {  	[sflag:s19] =	ssyncset.done $0x0  }
0x1d7: {  	[sflag:s19] =	ssyncadd.s32 $0xFFFFC000  }
0x1d8: {  	s8 =	sadd.s32 $0xFFFFFF10, s4;
	v10 =	vld [tilespmem:s5+$0xFFFFFF10]  }
0x1d9: {  	v11 =	vor.u32 s8, v9  }
0x1da: {  	v11 =	vmulhi.u32 $0x51EB851F, v11;
	_ =	sdelay $0x1  }
0x1db: {  	v11 =	vshrl.u32 v11, $0x6  }
0x1dc: {  	vm0 =	vgt.f32 v10, $0.0e+00;
	v10 =	vadd.s32 v11, v3  }
0x1dd: {  	v10 =	vnsel vm0, $0x200, v10  }
0x1de: {  	[tilespmem:$0x16400] =	vst v10  }
0x1df: {  	s9 =	sadd.s32 $0xFFFFFF20, s4;
	v10 =	vld [tilespmem:s5+$0xFFFFFF20]  }
0x1e0: {  	v11 =	vor.u32 s9, v9  }
0x1e1: {  	v11 =	vmulhi.u32 $0x51EB851F, v11;
	_ =	sdelay $0x1  }
0x1e2: {  	v11 =	vshrl.u32 v11, $0x6  }
0x1e3: {  	vm13 =	vgt.f32 v10, $0.0e+00;
	v10 =	vadd.s32 v11, v3  }
0x1e4: {  	v10 =	vnsel vm13, $0x200, v10  }
0x1e5: {  	[tilespmem:$0x16410] =	vst v10  }
0x1e6: {  	s9 =	sadd.s32 $0xFFFFFF30, s4;
	v10 =	vld [tilespmem:s5+$0xFFFFFF30]  }
0x1e7: {  	v11 =	vor.u32 s9, v9  }
0x1e8: {  	v11 =	vmulhi.u32 $0x51EB851F, v11;
	_ =	sdelay $0x1  }
0x1e9: {  	v11 =	vshrl.u32 v11, $0x6  }
0x1ea: {  	vm14 =	vgt.f32 v10, $0.0e+00;
	v10 =	vadd.s32 v11, v3  }
0x1eb: {  	v10 =	vnsel vm14, $0x200, v10  }
0x1ec: {  	[tilespmem:$0x16420] =	vst v10  }
0x1ed: {  	s9 =	sadd.s32 $0xFFFFFF40, s4;
	v10 =	vld [tilespmem:s5+$0xFFFFFF40]  }
0x1ee: {  	v11 =	vor.u32 s9, v9  }
0x1ef: {  	v11 =	vmulhi.u32 $0x51EB851F, v11;
	_ =	sdelay $0x1  }
0x1f0: {  	v11 =	vshrl.u32 v11, $0x6  }
0x1f1: {  	vm15 =	vgt.f32 v10, $0.0e+00;
	v10 =	vadd.s32 v11, v3  }
0x1f2: {  	v10 =	vnsel vm15, $0x200, v10  }
0x1f3: {  	[tilespmem:$0x16430] =	vst v10  }
0x1f4: {  	s9 =	sadd.s32 $0xFFFFFF50, s4;
	v10 =	vld [tilespmem:s5+$0xFFFFFF50]  }
0x1f5: {  	v11 =	vor.u32 s9, v9  }
0x1f6: {  	v11 =	vmulhi.u32 $0x51EB851F, v11;
	_ =	sdelay $0x1  }
0x1f7: {  	v11 =	vshrl.u32 v11, $0x6  }
0x1f8: {  	vm4 =	vgt.f32 v10, $0.0e+00;
	v10 =	vadd.s32 v11, v3  }
0x1f9: {  	v10 =	vnsel vm4, $0x200, v10  }
0x1fa: {  	[tilespmem:$0x16440] =	vst v10  }
0x1fb: {  	s9 =	sadd.s32 $0xFFFFFF60, s4;
	v10 =	vld [tilespmem:s5+$0xFFFFFF60]  }
0x1fc: {  	v11 =	vor.u32 s9, v9  }
0x1fd: {  	v11 =	vmulhi.u32 $0x51EB851F, v11;
	_ =	sdelay $0x1  }
0x1fe: {  	v11 =	vshrl.u32 v11, $0x6  }
0x1ff: {  	vm5 =	vgt.f32 v10, $0.0e+00;
	v10 =	vadd.s32 v11, v3  }
0x200: {  	v10 =	vnsel vm5, $0x200, v10  }
0x201: {  	[tilespmem:$0x16450] =	vst v10  }
0x202: {  	s9 =	sadd.s32 $0xFFFFFF70, s4;
	v10 =	vld [tilespmem:s5+$0xFFFFFF70]  }
0x203: {  	v11 =	vor.u32 s9, v9  }
0x204: {  	v11 =	vmulhi.u32 $0x51EB851F, v11;
	_ =	sdelay $0x1  }
0x205: {  	v11 =	vshrl.u32 v11, $0x6  }
0x206: {  	vm6 =	vgt.f32 v10, $0.0e+00;
	v10 =	vadd.s32 v11, v3  }
0x207: {  	v10 =	vnsel vm6, $0x200, v10  }
0x208: {  	[tilespmem:$0x16460] =	vst v10  }
0x209: {  	s9 =	sadd.s32 $0xFFFFFF80, s4;
	v10 =	vld [tilespmem:s5+$0xFFFFFF80]  }
0x20a: {  	v11 =	vor.u32 s9, v9  }
0x20b: {  	v11 =	vmulhi.u32 $0x51EB851F, v11;
	_ =	sdelay $0x1  }
0x20c: {  	v11 =	vshrl.u32 v11, $0x6  }
0x20d: {  	vm7 =	vgt.f32 v10, $0.0e+00;
	v10 =	vadd.s32 v11, v3  }
0x20e: {  	p0 =	seq.s32 s4, $0x32F0;
	v10 =	vnsel vm7, $0x200, v10  }
0x20f: {  	s8 =	simm.s32 @!p0 $0x4;
	[tilespmem:$0x16470] =	vst v10  }
0x210: {  	[spmem:s2] =	stream.indirect.scatter.add.f32 [tilespmem:s22], [sflag:$0x3], $0x80, s24, s23, $0xb8;
	[tilespmem:$0x1F540] =	vst v63  }
0x211: {  	_ =	swait.ge @!p0 [sflag:s8], $0x4000  }
0x212: {  	[sflag:s8] =	ssyncset.done @!p0 $0x0  }
0x213: {  	s9 =	sadd.s32 $0xFFFFF800, s13;
	[sflag:s8] =	ssyncadd.s32 @!p0 $0xFFFFC000  }
0x214: {  	[tilespmem:s25], [sflag:$0x2] =	stream.linear.gather [hbm4b:s9+s3], $0x4000, $0x38;
	[tilespmem:$0x1F540] =	vst v63  }
0x215: {  	_ =	swait.ge [sflag:s26], $0x4000  }
0x216: {  	[sflag:s26] =	ssyncset.done $0x0  }
0x217: {  	[sflag:s26] =	ssyncadd.s32 $0xFFFFC000  }
0x218: {  	s9 =	sadd.s32 $0xFFFFFF90, s4;
	v10 =	vld [tilespmem:s5+$0xFFFFFF90]  }
0x219: {  	v11 =	vor.u32 s9, v9  }
0x21a: {  	v11 =	vmulhi.u32 $0x51EB851F, v11;
	_ =	sdelay $0x1  }
0x21b: {  	v11 =	vshrl.u32 v11, $0x6  }
0x21c: {  	vm8 =	vgt.f32 v10, $0.0e+00;
	v10 =	vadd.s32 v11, v3  }
0x21d: {  	v10 =	vnsel vm8, $0x200, v10  }
0x21e: {  	[tilespmem:$0x16480] =	vst v10  }
0x21f: {  	s9 =	sadd.s32 $0xFFFFFFA0, s4;
	v10 =	vld [tilespmem:s5+$0xFFFFFFA0]  }
0x220: {  	v11 =	vor.u32 s9, v9  }
0x221: {  	v11 =	vmulhi.u32 $0x51EB851F, v11;
	_ =	sdelay $0x1  }
0x222: {  	v11 =	vshrl.u32 v11, $0x6  }
0x223: {  	vm9 =	vgt.f32 v10, $0.0e+00;
	v10 =	vadd.s32 v11, v3  }
0x224: {  	v10 =	vnsel vm9, $0x200, v10  }
0x225: {  	[tilespmem:$0x16490] =	vst v10  }
0x226: {  	s9 =	sadd.s32 $0xFFFFFFB0, s4;
	v10 =	vld [tilespmem:s5+$0xFFFFFFB0]  }
0x227: {  	v11 =	vor.u32 s9, v9  }
0x228: {  	v11 =	vmulhi.u32 $0x51EB851F, v11;
	_ =	sdelay $0x1  }
0x229: {  	v11 =	vshrl.u32 v11, $0x6  }
0x22a: {  	vm10 =	vgt.f32 v10, $0.0e+00;
	v10 =	vadd.s32 v11, v3  }
0x22b: {  	v10 =	vnsel vm10, $0x200, v10  }
0x22c: {  	[tilespmem:$0x164A0] =	vst v10  }
0x22d: {  	s9 =	sadd.s32 $0xFFFFFFC0, s4;
	v10 =	vld [tilespmem:s5+$0xFFFFFFC0]  }
0x22e: {  	v11 =	vor.u32 s9, v9  }
0x22f: {  	v11 =	vmulhi.u32 $0x51EB851F, v11;
	_ =	sdelay $0x1  }
0x230: {  	v11 =	vshrl.u32 v11, $0x6  }
0x231: {  	vm11 =	vgt.f32 v10, $0.0e+00;
	v10 =	vadd.s32 v11, v3  }
0x232: {  	v10 =	vnsel vm11, $0x200, v10  }
0x233: {  	[tilespmem:$0x164B0] =	vst v10  }
0x234: {  	s9 =	sadd.s32 $0xFFFFFFD0, s4;
	v10 =	vld [tilespmem:s5+$0xFFFFFFD0]  }
0x235: {  	v11 =	vor.u32 s9, v9  }
0x236: {  	v11 =	vmulhi.u32 $0x51EB851F, v11;
	_ =	sdelay $0x1  }
0x237: {  	v11 =	vshrl.u32 v11, $0x6  }
0x238: {  	vm12 =	vgt.f32 v10, $0.0e+00;
	v10 =	vadd.s32 v11, v3  }
0x239: {  	v10 =	vnsel vm12, $0x200, v10  }
0x23a: {  	[tilespmem:$0x164C0] =	vst v10  }
0x23b: {  	s9 =	sadd.s32 $0xFFFFFFE0, s4;
	v10 =	vld [tilespmem:s5+$0xFFFFFFE0]  }
0x23c: {  	v11 =	vor.u32 s9, v9  }
0x23d: {  	v11 =	vmulhi.u32 $0x51EB851F, v11;
	_ =	sdelay $0x1  }
0x23e: {  	v11 =	vshrl.u32 v11, $0x6  }
0x23f: {  	vm13 =	vgt.f32 v10, $0.0e+00;
	v10 =	vadd.s32 v11, v3  }
0x240: {  	v10 =	vnsel vm13, $0x200, v10  }
0x241: {  	[tilespmem:$0x164D0] =	vst v10  }
0x242: {  	s9 =	sadd.s32 $0xFFFFFFF0, s4;
	v10 =	vld [tilespmem:s5+$0xFFFFFFF0]  }
0x243: {  	v11 =	vor.u32 s9, v9  }
0x244: {  	v11 =	vmulhi.u32 $0x51EB851F, v11;
	_ =	sdelay $0x1  }
0x245: {  	v11 =	vshrl.u32 v11, $0x6  }
0x246: {  	vm14 =	vgt.f32 v10, $0.0e+00;
	v10 =	vadd.s32 v11, v3  }
0x247: {  	v10 =	vnsel vm14, $0x200, v10  }
0x248: {  	[tilespmem:$0x164E0] =	vst v10  }
0x249: {  	v10 =	vld [tilespmem:s5+$0x0]  }
0x24a: {  	v11 =	vor.u32 s4, v9  }
0x24b: {  	v11 =	vmulhi.u32 $0x51EB851F, v11;
	_ =	sdelay $0x1  }
0x24c: {  	p0 =	seq.s32 s4, $0x4AF0;
	v11 =	vshrl.u32 v11, $0x6  }
0x24d: {  	s4 =	sadd.s32 @!p0 $0x100, s4;
	vm15 =	vgt.f32 v10, $0.0e+00;
	v10 =	vadd.s32 v11, v3  }
0x24e: {  	p1 =	sne.s32 @!p0 s4, $0x4BF0;
	v10 =	vnsel vm15, $0x200, v10  }
0x24f: {  	p1 =	por p0, !p1;
	[tilespmem:$0x164F0] =	vst v10  }
0x250: {  	[spmem:s2] =	stream.indirect.scatter.add.f32 [tilespmem:s25], [sflag:$0x4], $0x80, s28, s23, $0xb8;
	[tilespmem:$0x1F540] =	vst v63  }
.Ltmp4:
0x251: {  	_ =	swait.ge [sflag:s29], $0x4000;
	(pc) =	sbr.rel @!p1 .LBB2_10-.Ltmp4, $4  }
0x252: {  	[sflag:s29] =	ssyncset.done $0x0  }
0x253: {  	s8 =	simm.s32 @!p0 $0x0;
	s9 =	simm.s32 @!p0 $0xE400;
	[sflag:s29] =	ssyncadd.s32 $0xFFFFC000  }
0x254: {  	[tilespmem:s9], [sflag:$0x1] =	stream.linear.gather @!p0 [hbm4b:s13+s8], $0x4000, $0x38;
	[tilespmem:$0x1F540] =	vst v63  }
0x255: {  	s5 =	sadd.s32 @!p0 $0x100, s5;
	s13 =	sadd.s32 @!p0 $0x1000, s13  }
0x256: {  	_ =	swait.ge [sflag:s30], $0x4000  }
0x257: {  	[sflag:s30] =	ssyncset.done $0x0  }
0x258: {  	[sflag:s30] =	ssyncadd.s32 $0xFFFFC000  }
0x259: {  	[tilespmem:s1], [sflag:$0x6] =	stream.linear.gather [spmem:s6], $0x1000, $0x38;
	[tilespmem:$0x1F540] =	vst v63  }
0x25a: {  	_ =	swait.ge [sflag:s21], $0x1000  }
0x25b: {  	[sflag:s21] =	ssyncset.done $0x0  }
0x25c: {  	[sflag:s21] =	ssyncadd.s32 $0xFFFFF000  }
0x25d: {  	[spmem:s6] =	stream.linear.scatter [tilespmem:s0], [sflag:$0x6], $0x1000, $0x38;
	[tilespmem:$0x1F540] =	vst v63  }
0x25e: {  	_ =	swait.ge [sflag:s21], $0x1000  }
0x25f: {  	s4 =	simm.s32 $0x4BF0;
	[sflag:s21] =	ssyncset.done $0x0  }
0x260: {  	s5 =	simm.s32 $0xCBF0;
	s13 =	smov.u32 s16;
	[sflag:s21] =	ssyncadd.s32 $0xFFFFF000  }
0x261: {  	[tilespmem:s22], [sflag:$0x1] =	stream.linear.gather [hbm4b:s10+s3], $0x4000, $0x38;
	[tilespmem:$0x1F540] =	vst v63  }
.LBB2_12:
0x262: {  	_ =	swait.ge [sflag:s19], $0x4000  }
0x263: {  	[sflag:s19] =	ssyncset.done $0x0  }
0x264: {  	[sflag:s19] =	ssyncadd.s32 $0xFFFFC000  }
0x265: {  	s8 =	sadd.s32 $0xFFFFFF10, s4;
	v10 =	vld [tilespmem:s5+$0xFFFFFF10]  }
0x266: {  	v11 =	vor.u32 s8, v9  }
0x267: {  	v11 =	vmulhi.u32 $0x51EB851F, v11;
	_ =	sdelay $0x1  }
0x268: {  	v11 =	vshrl.u32 v11, $0x6  }
0x269: {  	vm0 =	vgt.f32 v10, $0.0e+00;
	v10 =	vadd.s32 v11, v5  }
0x26a: {  	v10 =	vnsel vm0, $0x200, v10  }
0x26b: {  	[tilespmem:$0x16400] =	vst v10  }
0x26c: {  	s9 =	sadd.s32 $0xFFFFFF20, s4;
	v10 =	vld [tilespmem:s5+$0xFFFFFF20]  }
0x26d: {  	v11 =	vor.u32 s9, v9  }
0x26e: {  	v11 =	vmulhi.u32 $0x51EB851F, v11;
	_ =	sdelay $0x1  }
0x26f: {  	v11 =	vshrl.u32 v11, $0x6  }
0x270: {  	vm13 =	vgt.f32 v10, $0.0e+00;
	v10 =	vadd.s32 v11, v5  }
0x271: {  	v10 =	vnsel vm13, $0x200, v10  }
0x272: {  	[tilespmem:$0x16410] =	vst v10  }
0x273: {  	s9 =	sadd.s32 $0xFFFFFF30, s4;
	v10 =	vld [tilespmem:s5+$0xFFFFFF30]  }
0x274: {  	v11 =	vor.u32 s9, v9  }
0x275: {  	v11 =	vmulhi.u32 $0x51EB851F, v11;
	_ =	sdelay $0x1  }
0x276: {  	v11 =	vshrl.u32 v11, $0x6  }
0x277: {  	vm14 =	vgt.f32 v10, $0.0e+00;
	v10 =	vadd.s32 v11, v5  }
0x278: {  	v10 =	vnsel vm14, $0x200, v10  }
0x279: {  	[tilespmem:$0x16420] =	vst v10  }
0x27a: {  	s9 =	sadd.s32 $0xFFFFFF40, s4;
	v10 =	vld [tilespmem:s5+$0xFFFFFF40]  }
0x27b: {  	v11 =	vor.u32 s9, v9  }
0x27c: {  	v11 =	vmulhi.u32 $0x51EB851F, v11;
	_ =	sdelay $0x1  }
0x27d: {  	v11 =	vshrl.u32 v11, $0x6  }
0x27e: {  	vm15 =	vgt.f32 v10, $0.0e+00;
	v10 =	vadd.s32 v11, v5  }
0x27f: {  	v10 =	vnsel vm15, $0x200, v10  }
0x280: {  	[tilespmem:$0x16430] =	vst v10  }
0x281: {  	s9 =	sadd.s32 $0xFFFFFF50, s4;
	v10 =	vld [tilespmem:s5+$0xFFFFFF50]  }
0x282: {  	v11 =	vor.u32 s9, v9  }
0x283: {  	v11 =	vmulhi.u32 $0x51EB851F, v11;
	_ =	sdelay $0x1  }
0x284: {  	v11 =	vshrl.u32 v11, $0x6  }
0x285: {  	vm4 =	vgt.f32 v10, $0.0e+00;
	v10 =	vadd.s32 v11, v5  }
0x286: {  	v10 =	vnsel vm4, $0x200, v10  }
0x287: {  	[tilespmem:$0x16440] =	vst v10  }
0x288: {  	s9 =	sadd.s32 $0xFFFFFF60, s4;
	v10 =	vld [tilespmem:s5+$0xFFFFFF60]  }
0x289: {  	v11 =	vor.u32 s9, v9  }
0x28a: {  	v11 =	vmulhi.u32 $0x51EB851F, v11;
	_ =	sdelay $0x1  }
0x28b: {  	v11 =	vshrl.u32 v11, $0x6  }
0x28c: {  	vm5 =	vgt.f32 v10, $0.0e+00;
	v10 =	vadd.s32 v11, v5  }
0x28d: {  	v10 =	vnsel vm5, $0x200, v10  }
0x28e: {  	[tilespmem:$0x16450] =	vst v10  }
0x28f: {  	s9 =	sadd.s32 $0xFFFFFF70, s4;
	v10 =	vld [tilespmem:s5+$0xFFFFFF70]  }
0x290: {  	v11 =	vor.u32 s9, v9  }
0x291: {  	v11 =	vmulhi.u32 $0x51EB851F, v11;
	_ =	sdelay $0x1  }
0x292: {  	v11 =	vshrl.u32 v11, $0x6  }
0x293: {  	vm6 =	vgt.f32 v10, $0.0e+00;
	v10 =	vadd.s32 v11, v5  }
0x294: {  	v10 =	vnsel vm6, $0x200, v10  }
0x295: {  	[tilespmem:$0x16460] =	vst v10  }
0x296: {  	s9 =	sadd.s32 $0xFFFFFF80, s4;
	v10 =	vld [tilespmem:s5+$0xFFFFFF80]  }
0x297: {  	v11 =	vor.u32 s9, v9  }
0x298: {  	v11 =	vmulhi.u32 $0x51EB851F, v11;
	_ =	sdelay $0x1  }
0x299: {  	v11 =	vshrl.u32 v11, $0x6  }
0x29a: {  	vm7 =	vgt.f32 v10, $0.0e+00;
	v10 =	vadd.s32 v11, v5  }
0x29b: {  	p0 =	seq.s32 s4, $0x4BF0;
	v10 =	vnsel vm7, $0x200, v10  }
0x29c: {  	s8 =	simm.s32 @!p0 $0x4;
	[tilespmem:$0x16470] =	vst v10  }
0x29d: {  	[spmem:s2] =	stream.indirect.scatter.add.f32 [tilespmem:s22], [sflag:$0x3], $0x80, s24, s23, $0xb8;
	[tilespmem:$0x1F540] =	vst v63  }
0x29e: {  	_ =	swait.ge @!p0 [sflag:s8], $0x4000  }
0x29f: {  	[sflag:s8] =	ssyncset.done @!p0 $0x0  }
0x2a0: {  	s9 =	sadd.s32 $0xFFFFF800, s13;
	[sflag:s8] =	ssyncadd.s32 @!p0 $0xFFFFC000  }
0x2a1: {  	[tilespmem:s25], [sflag:$0x2] =	stream.linear.gather [hbm4b:s9+s3], $0x4000, $0x38;
	[tilespmem:$0x1F540] =	vst v63  }
0x2a2: {  	_ =	swait.ge [sflag:s26], $0x4000  }
0x2a3: {  	[sflag:s26] =	ssyncset.done $0x0  }
0x2a4: {  	[sflag:s26] =	ssyncadd.s32 $0xFFFFC000  }
0x2a5: {  	s9 =	sadd.s32 $0xFFFFFF90, s4;
	v10 =	vld [tilespmem:s5+$0xFFFFFF90]  }
0x2a6: {  	v11 =	vor.u32 s9, v9  }
0x2a7: {  	v11 =	vmulhi.u32 $0x51EB851F, v11;
	_ =	sdelay $0x1  }
0x2a8: {  	v11 =	vshrl.u32 v11, $0x6  }
0x2a9: {  	vm8 =	vgt.f32 v10, $0.0e+00;
	v10 =	vadd.s32 v11, v5  }
0x2aa: {  	v10 =	vnsel vm8, $0x200, v10  }
0x2ab: {  	[tilespmem:$0x16480] =	vst v10  }
0x2ac: {  	s9 =	sadd.s32 $0xFFFFFFA0, s4;
	v10 =	vld [tilespmem:s5+$0xFFFFFFA0]  }
0x2ad: {  	v11 =	vor.u32 s9, v9  }
0x2ae: {  	v11 =	vmulhi.u32 $0x51EB851F, v11;
	_ =	sdelay $0x1  }
0x2af: {  	v11 =	vshrl.u32 v11, $0x6  }
0x2b0: {  	vm9 =	vgt.f32 v10, $0.0e+00;
	v10 =	vadd.s32 v11, v5  }
0x2b1: {  	v10 =	vnsel vm9, $0x200, v10  }
0x2b2: {  	[tilespmem:$0x16490] =	vst v10  }
0x2b3: {  	s9 =	sadd.s32 $0xFFFFFFB0, s4;
	v10 =	vld [tilespmem:s5+$0xFFFFFFB0]  }
0x2b4: {  	v11 =	vor.u32 s9, v9  }
0x2b5: {  	v11 =	vmulhi.u32 $0x51EB851F, v11;
	_ =	sdelay $0x1  }
0x2b6: {  	v11 =	vshrl.u32 v11, $0x6  }
0x2b7: {  	vm10 =	vgt.f32 v10, $0.0e+00;
	v10 =	vadd.s32 v11, v5  }
0x2b8: {  	v10 =	vnsel vm10, $0x200, v10  }
0x2b9: {  	[tilespmem:$0x164A0] =	vst v10  }
0x2ba: {  	s9 =	sadd.s32 $0xFFFFFFC0, s4;
	v10 =	vld [tilespmem:s5+$0xFFFFFFC0]  }
0x2bb: {  	v11 =	vor.u32 s9, v9  }
0x2bc: {  	v11 =	vmulhi.u32 $0x51EB851F, v11;
	_ =	sdelay $0x1  }
0x2bd: {  	v11 =	vshrl.u32 v11, $0x6  }
0x2be: {  	vm11 =	vgt.f32 v10, $0.0e+00;
	v10 =	vadd.s32 v11, v5  }
0x2bf: {  	v10 =	vnsel vm11, $0x200, v10  }
0x2c0: {  	[tilespmem:$0x164B0] =	vst v10  }
0x2c1: {  	s9 =	sadd.s32 $0xFFFFFFD0, s4;
	v10 =	vld [tilespmem:s5+$0xFFFFFFD0]  }
0x2c2: {  	v11 =	vor.u32 s9, v9  }
0x2c3: {  	v11 =	vmulhi.u32 $0x51EB851F, v11;
	_ =	sdelay $0x1  }
0x2c4: {  	v11 =	vshrl.u32 v11, $0x6  }
0x2c5: {  	vm12 =	vgt.f32 v10, $0.0e+00;
	v10 =	vadd.s32 v11, v5  }
0x2c6: {  	v10 =	vnsel vm12, $0x200, v10  }
0x2c7: {  	[tilespmem:$0x164C0] =	vst v10  }
0x2c8: {  	s9 =	sadd.s32 $0xFFFFFFE0, s4;
	v10 =	vld [tilespmem:s5+$0xFFFFFFE0]  }
0x2c9: {  	v11 =	vor.u32 s9, v9  }
0x2ca: {  	v11 =	vmulhi.u32 $0x51EB851F, v11;
	_ =	sdelay $0x1  }
0x2cb: {  	v11 =	vshrl.u32 v11, $0x6  }
0x2cc: {  	vm13 =	vgt.f32 v10, $0.0e+00;
	v10 =	vadd.s32 v11, v5  }
0x2cd: {  	v10 =	vnsel vm13, $0x200, v10  }
0x2ce: {  	[tilespmem:$0x164D0] =	vst v10  }
0x2cf: {  	s9 =	sadd.s32 $0xFFFFFFF0, s4;
	v10 =	vld [tilespmem:s5+$0xFFFFFFF0]  }
0x2d0: {  	v11 =	vor.u32 s9, v9  }
0x2d1: {  	v11 =	vmulhi.u32 $0x51EB851F, v11;
	_ =	sdelay $0x1  }
0x2d2: {  	v11 =	vshrl.u32 v11, $0x6  }
0x2d3: {  	vm14 =	vgt.f32 v10, $0.0e+00;
	v10 =	vadd.s32 v11, v5  }
0x2d4: {  	v10 =	vnsel vm14, $0x200, v10  }
0x2d5: {  	[tilespmem:$0x164E0] =	vst v10  }
0x2d6: {  	v10 =	vld [tilespmem:s5+$0x0]  }
0x2d7: {  	v11 =	vor.u32 s4, v9  }
0x2d8: {  	v11 =	vmulhi.u32 $0x51EB851F, v11;
	_ =	sdelay $0x1  }
0x2d9: {  	p0 =	seq.s32 s4, $0x63F0;
	v11 =	vshrl.u32 v11, $0x6  }
0x2da: {  	s4 =	sadd.s32 @!p0 $0x100, s4;
	vm15 =	vgt.f32 v10, $0.0e+00;
	v10 =	vadd.s32 v11, v5  }
0x2db: {  	p1 =	sne.s32 @!p0 s4, $0x64F0;
	v10 =	vnsel vm15, $0x200, v10  }
0x2dc: {  	p1 =	por p0, !p1;
	[tilespmem:$0x164F0] =	vst v10  }
0x2dd: {  	[spmem:s2] =	stream.indirect.scatter.add.f32 [tilespmem:s25], [sflag:$0x4], $0x80, s28, s23, $0xb8;
	[tilespmem:$0x1F540] =	vst v63  }
.Ltmp5:
0x2de: {  	_ =	swait.ge [sflag:s29], $0x4000;
	(pc) =	sbr.rel @!p1 .LBB2_12-.Ltmp5, $4  }
0x2df: {  	[sflag:s29] =	ssyncset.done $0x0  }
0x2e0: {  	s8 =	simm.s32 @!p0 $0x0;
	s9 =	simm.s32 @!p0 $0xE400;
	[sflag:s29] =	ssyncadd.s32 $0xFFFFC000  }
0x2e1: {  	[tilespmem:s9], [sflag:$0x1] =	stream.linear.gather @!p0 [hbm4b:s13+s8], $0x4000, $0x38;
	[tilespmem:$0x1F540] =	vst v63  }
0x2e2: {  	s5 =	sadd.s32 @!p0 $0x100, s5;
	s13 =	sadd.s32 @!p0 $0x1000, s13  }
0x2e3: {  	_ =	swait.ge [sflag:s30], $0x4000  }
0x2e4: {  	[sflag:s30] =	ssyncset.done $0x0  }
0x2e5: {  	[sflag:s30] =	ssyncadd.s32 $0xFFFFC000  }
0x2e6: {  	[tilespmem:s0], [sflag:$0x6] =	stream.linear.gather [spmem:s6], $0x1000, $0x38;
	[tilespmem:$0x1F540] =	vst v63  }
0x2e7: {  	_ =	swait.ge [sflag:s21], $0x1000  }
0x2e8: {  	[sflag:s21] =	ssyncset.done $0x0  }
0x2e9: {  	s5 =	simm.s32 $0x0;
	[sflag:s21] =	ssyncadd.s32 $0xFFFFF000  }
0x2ea: {  	v10 =	vld [tilespmem:s5+$0x16500];
	_ =	sdelay $0x4  }
0x2eb: {  	(erf) = vrcp.f32 v10;
	_ =	sdelay $0x2  }
0x2ec: {  	s4 =	simm.s32 $0x80  }
0x2ed: {  	v14 =	vld [tilespmem:s4+$0x16500]  }
0x2ee: {  	v16 =	vld [tilespmem:s5+$0x1A500]  }
0x2ef: {  	v15 =	vld [tilespmem:s5+$0x1A510]  }
0x2f0: {  	v13 =	vld [tilespmem:s5+$0x1A520]  }
0x2f1: {  	v12 =	vld [tilespmem:s5+$0x1A530]  }
0x2f2: {  	v11 =	vld [tilespmem:s5+$0x1A540];
	v10 =	vpop (erf);
	(erf) = vrcp.f32 v14  }
0x2f3: {  	s13 =	simm.s32 $0x400;
	v14 =	vld [tilespmem:s5+$0x1A550];
	v16 =	vmul.f32 v10, v16  }
.LBB2_14:
0x2f4: {  	p0 =	sne.s32 s13, $0xFE00;
	v15 =	vmul.f32 v15, v10;
	v17 =	vld [tilespmem:s5+$0x1A560]  }
0x2f5: {  	s8 =	sshra.s32 s13, $0x2;
	[tilespmem:s5+$0x1A500] =	vst v16;
	v13 =	vmul.f32 v13, v10;
	v16 =	vld [tilespmem:s5+$0x1A570]  }
0x2f6: {  	v18 =	vld [tilespmem:s8+$0x16500];
	[tilespmem:s5+$0x1A510] =	vst v15;
	v12 =	vmul.f32 v12, v10  }
0x2f7: {  	v19 =	vld [tilespmem:s4+$0x1A500];
	[tilespmem:s5+$0x1A520] =	vst v13;
	v11 =	vmul.f32 v11, v10  }
.Ltmp6:
0x2f8: {  	v15 =	vld [tilespmem:s4+$0x1A510];
	[tilespmem:s5+$0x1A530] =	vst v12;
	v14 =	vmul.f32 v14, v10;
	(pc) =	sbr.rel @p0 .LBB2_14-.Ltmp6, $4  }
0x2f9: {  	v13 =	vld [tilespmem:s4+$0x1A520];
	[tilespmem:s5+$0x1A540] =	vst v11;
	v17 =	vmul.f32 v17, v10  }
0x2fa: {  	v12 =	vld [tilespmem:s4+$0x1A530];
	[tilespmem:s5+$0x1A550] =	vst v14;
	v20 =	vmul.f32 v16, v10  }
0x2fb: {  	(erf) = vrcp.f32 v18;
	v11 =	vld [tilespmem:s4+$0x1A540];
	v10 =	vpop (erf);
	[tilespmem:s5+$0x1A560] =	vst v17  }
0x2fc: {  	s13 =	sadd.s32 $0x200, s13;
	v16 =	vmul.f32 v10, v19;
	v14 =	vld [tilespmem:s4+$0x1A550];
	[tilespmem:s5+$0x1A570] =	vst v20;
	s5 =	smov.u32 s4;
	s4 =	smov.u32 s8  }
0x2fd: {  	v17 =	vld [tilespmem:s5+$0x1A560];
	v15 =	vmul.f32 v15, v10  }
0x2fe: {  	v60 =	vld [tilespmem:s5+$0x1A570];
	[tilespmem:s5+$0x1A500] =	vst v16;
	v13 =	vmul.f32 v13, v10  }
0x2ff: {  	[tilespmem:s5+$0x1A510] =	vst v15;
	v12 =	vmul.f32 v12, v10  }
0x300: {  	v15 =	vld [tilespmem:s4+$0x1A500];
	[tilespmem:s5+$0x1A520] =	vst v13;
	v11 =	vmul.f32 v11, v10  }
0x301: {  	v13 =	vld [tilespmem:s4+$0x1A510];
	[tilespmem:s5+$0x1A530] =	vst v12;
	v14 =	vmul.f32 v14, v10  }
0x302: {  	v12 =	vld [tilespmem:s4+$0x1A520];
	[tilespmem:s5+$0x1A540] =	vst v11;
	v17 =	vmul.f32 v17, v10  }
0x303: {  	v10 =	vmul.f32 v60, v10;
	v11 =	vld [tilespmem:s4+$0x1A530];
	[tilespmem:s5+$0x1A550] =	vst v14  }
0x304: {  	v14 =	vld [tilespmem:s4+$0x1A540];
	[tilespmem:s5+$0x1A560] =	vst v17;
	v61 =	vpop (erf)  }
0x305: {  	v17 =	vld [tilespmem:s4+$0x1A550];
	v15 =	vmul.f32 v61, v15;
	[tilespmem:s5+$0x1A570] =	vst v10  }
0x306: {  	v10 =	vld [tilespmem:s4+$0x1A560];
	v13 =	vmul.f32 v13, v61  }
0x307: {  	v62 =	vld [tilespmem:s4+$0x1A570];
	[tilespmem:s4+$0x1A500] =	vst v15;
	v12 =	vmul.f32 v12, v61  }
0x308: {  	[tilespmem:s4+$0x1A510] =	vst v13;
	v11 =	vmul.f32 v11, v61  }
0x309: {  	[tilespmem:s4+$0x1A520] =	vst v12;
	v63 =	vmul.f32 v14, v61  }
0x30a: {  	[tilespmem:s4+$0x1A530] =	vst v11;
	v11 =	vmul.f32 v17, v61  }
0x30b: {  	[tilespmem:s4+$0x1A540] =	vst v63;
	v10 =	vmul.f32 v10, v61  }
0x30c: {  	s17 =	sadd.s32 $0x1, s17;
	[tilespmem:s4+$0x1A550] =	vst v11;
	v11 =	vmul.f32 v62, v61  }
0x30d: {  	p0 =	sne.s32 s17, s12;
	[tilespmem:s4+$0x1A560] =	vst v10  }
.Ltmp7:
0x30e: {  	[tilespmem:s4+$0x1A570] =	vst v11;
	(pc) =	sbr.rel @p0 .LBB2_1-.Ltmp7, $4  }
0x30f: {  	[hbm4b:s11+s3] =	stream.linear.scatter [tilespmem:s20], [sflag:$0x6], $0x4000, $0x38;
	[tilespmem:$0x1F540] =	vst v63  }
0x310: {  	_ =	swait.ge [sflag:s21], $0x4000  }
0x311: {  	[sflag:s21] =	ssyncset.done $0x0  }
0x312: {  	[sflag:s21] =	ssyncadd.s32 $0xFFFFC000  }
0x313: {  	_ =	sfence.sel $0x180000  }
0x314: {  	[bflag:$0x0] =	sbarrier.arrive $0xFFFF  }
0x315: {  	_ =	strace $0x90000047  }
0x316: {  	s0 =	stileid.u32;
	[bflag:$0x2] =	sbarrier.arrive $0xFFFF  }
0x317: {  	p0 =	sne.s32 s0, $0x0;
	s0 =	rddreg [dreg:$0x4]  }
0x318: {  	s0 =	sadd.s32 @!p0 $0x100000, s0  }
0x319: {  	[sflag:s0] =	ssyncadd.tile.s32 @!p0 $0x1;
	_ =	shalt  }
.Lfunc_end2:
_tile_overlayer_lowered:
.L_overlay_start_2:
0x31a: {  	(tag) =	ssettag $0x2  }
0x31b: {  	s0 =	rddreg [dreg:$0x0];
	s2 =	stileid.u32  }
0x31c: {  	s1 =	rddreg [dreg:$0x1];
	p0 =	sne.s32 s2, $0x0  }
0x31d: {  	s3 =	rddreg [dreg:$0x2];
	[bflag:$0x3] =	sbarrier.arrive $0xFFFF;
	s2 =	simm.s32 @!p0 $0x1C06  }
0x31e: {  	[timem:s3], [sflag:s2] =	dma.local @!p0 [hbm:s0], s1  }
0x31f: {  	s0 =	simm.s32 @!p0 $0x6  }
0x320: {  	_ =	swait.ge @!p0 [sflag:s0], s1  }
0x321: {  	s1 =	ssub.s32 @!p0 $0x0, s1;
	[sflag:s0] =	ssyncset.done @!p0 $0x0  }
0x322: {  	[sflag:s0] =	ssyncadd.s32 @!p0 s1  }
0x323: {  	[bflag:$0x3] =	sbarrier.arrive $0xFFFF  }
0x324: {  	_ =	shalt  }

</sc_bundles>
